<compile_context>
chip_gen: v7x
topology: tpu7x:2x2x1
jax: 0.10.2.dev20260603
libtpu: 0.0.44.dev20260713+nightly
codegen_flags: <defaults>
</compile_context>

<pallas_src>
import functools

import jax
import jax.numpy as jnp
from jax import lax
from jax.experimental import pallas as pl
from jax.experimental.pallas import tpu as pltpu
from jax.experimental.pallas import tpu_sc as plsc

N = 10000
S = 16
C = 256
G = 16
BN = 400
NB = N // BN
NE = N * S
EPS = 1e-5

_CHUNK = 128
_NCHUNK = NE // _CHUNK
_MW = 128


def _p1_body(feat, Wq, bq, Wk, bk, Wv, bv, qpre, kpre, vout, stats):
    f = feat[...]
    q = jnp.dot(f, Wq[...], preferred_element_type=jnp.float32) + bq[...]
    k = jnp.dot(f, Wk[...], preferred_element_type=jnp.float32) + bk[...]
    v = jnp.dot(f, Wv[...], preferred_element_type=jnp.float32) + bv[...]
    qpre[...] = q
    kpre[...] = k
    vout[...] = v

    @pl.when(pl.program_id(0) == 0)
    def _():
        stats[...] = jnp.zeros_like(stats)

    stats[0:1, :] += jnp.sum(q, axis=0, keepdims=True)
    stats[1:2, :] += jnp.sum(q * q, axis=0, keepdims=True)
    stats[2:3, :] += jnp.sum(k, axis=0, keepdims=True)
    stats[3:4, :] += jnp.sum(k * k, axis=0, keepdims=True)


def _p1(feat, Wq, bq, Wk, bk, Wv, bv):
    full = lambda shape: pl.BlockSpec(shape, lambda i: (0,) * len(shape))
    row = pl.BlockSpec((BN, C), lambda i: (i, 0))
    return pl.pallas_call(
        _p1_body,
        grid=(NB,),
        in_specs=[row, full((C, C)), full((1, C)), full((C, C)), full((1, C)),
                  full((C, C)), full((1, C))],
        out_specs=[row, row, row, full((8, C))],
        out_shape=[
            jax.ShapeDtypeStruct((N, C), jnp.float32),
            jax.ShapeDtypeStruct((N, C), jnp.float32),
            jax.ShapeDtypeStruct((N, C), jnp.float32),
            jax.ShapeDtypeStruct((8, C), jnp.float32),
        ],
    )(feat, Wq, bq, Wk, bk, Wv, bv)


def _bn_affine(ssum, ssq, gamma, beta, count):
    mean = ssum / count
    var = ssq / count - mean * mean
    scale = gamma * lax.rsqrt(var + EPS)
    return scale, beta - mean * scale


def _p2_body(qpre, kpre, cp, stats, gq, betaq, gk, betak, Ww1, Ww1pad, e2sel,
             qw, meta):
    st = stats[...]
    sq, tq = _bn_affine(st[0:1, :], st[1:2, :], gq[...], betaq[...], float(N))
    sk, tk = _bn_affine(st[2:3, :], st[3:4, :], gk[...], betak[...], float(N))
    q = jnp.maximum(qpre[...] * sq + tq, 0.0)
    k = jnp.maximum(kpre[...] * sk + tk, 0.0)
    qw[...] = jnp.dot(q, Ww1[...], preferred_element_type=jnp.float32)
    meta[...] = (jnp.dot(k, Ww1pad[...], preferred_element_type=jnp.float32)
                 + jnp.dot(cp[...], e2sel[...],
                           preferred_element_type=jnp.float32))


def _p2(qpre, kpre, cp, stats, gq, betaq, gk, betak, Ww1, Ww1pad, e2sel):
    full = lambda shape: pl.BlockSpec(shape, lambda i: (0,) * len(shape))
    row = pl.BlockSpec((BN, C), lambda i: (i, 0))
    return pl.pallas_call(
        _p2_body,
        grid=(NB,),
        in_specs=[row, row, pl.BlockSpec((BN, 16), lambda i: (i, 0)),
                  full((8, C)), full((1, C)), full((1, C)),
                  full((1, C)), full((1, C)), full((C, G)), full((C, _MW)),
                  full((16, _MW))],
        out_specs=[pl.BlockSpec((BN, G), lambda i: (i, 0)),
                   pl.BlockSpec((BN, _MW), lambda i: (i, 0))],
        out_shape=[
            jax.ShapeDtypeStruct((N, G), jnp.float32),
            jax.ShapeDtypeStruct((N, _MW), jnp.float32),
        ],
    )(qpre, kpre, cp, stats, gq, betaq, gk, betak, Ww1, Ww1pad, e2sel)


def _p3_body(v_hbm, meta_hbm, idx_hbm,
             gv_hbm, gmeta_hbm,
             idx_v, bufv, bufm, sem0, sem1):
    w = lax.axis_index("s") * 2 + lax.axis_index("c")
    n_iter = (_NCHUNK + 31) // 32

    def body(i, carry):
        j = i * 32 + w

        @pl.when(j < _NCHUNK)
        def _():
            base = j * _CHUNK
            pltpu.sync_copy(idx_hbm.at[pl.ds(base, _CHUNK)], idx_v)
            cv = pltpu.async_copy(v_hbm.at[idx_v], bufv, sem0)
            cm = pltpu.async_copy(meta_hbm.at[idx_v], bufm, sem1)
            cv.wait()
            cm.wait()
            pltpu.sync_copy(bufv, gv_hbm.at[pl.ds(base, _CHUNK)])
            pltpu.sync_copy(bufm, gmeta_hbm.at[pl.ds(base, _CHUNK)])

        return carry

    lax.fori_loop(0, n_iter, body, 0)


def _p3(v, meta, idxf):
    mesh = plsc.VectorSubcoreMesh(core_axis_name="c", subcore_axis_name="s")
    f = functools.partial(
        pl.kernel,
        mesh=mesh,
        out_type=[
            jax.ShapeDtypeStruct((NE, C), jnp.float32),
            jax.ShapeDtypeStruct((NE, _MW), jnp.float32),
        ],
        scratch_types=[
            pltpu.VMEM((_CHUNK,), jnp.int32),
            pltpu.VMEM((_CHUNK, C), jnp.float32),
            pltpu.VMEM((_CHUNK, _MW), jnp.float32),
            pltpu.SemaphoreType.DMA,
            pltpu.SemaphoreType.DMA,
        ],
    )(_p3_body)
    return f(v, meta, idxf)


def _p3b_body(gmeta3, cp, selcp, moments):
    cpb = cp[...]
    sel = selcp[...]

    @pl.when(pl.program_id(0) == 0)
    def _():
        moments[...] = jnp.zeros_like(moments)

    s2 = jnp.zeros((16, 16), jnp.float32)
    s1 = jnp.zeros((1, 16), jnp.float32)
    for s in range(S):
        xs = jnp.dot(gmeta3[:, s, :], sel,
                     preferred_element_type=jnp.float32) - cpb
        s2 = s2 + lax.dot_general(xs, xs, (((0,), (0,)), ((), ())),
                                  preferred_element_type=jnp.float32)
        s1 = s1 + jnp.sum(xs, axis=0, keepdims=True)
    moments[0:16, :] += s2
    moments[16:17, :] += s1


def _p3b(gmeta3, cp, selcp):
    full = lambda shape: pl.BlockSpec(shape, lambda i: (0,) * len(shape))
    return pl.pallas_call(
        _p3b_body,
        grid=(NB,),
        in_specs=[pl.BlockSpec((BN, S, _MW), lambda i: (i, 0, 0)),
                  pl.BlockSpec((BN, 16), lambda i: (i, 0)),
                  full((_MW, 16))],
        out_specs=[full((24, 16))],
        out_shape=[jax.ShapeDtypeStruct((24, 16), jnp.float32)],
    )(gmeta3, cp, selcp)[0]


def _pos_bn_affine(moments, Wp1p, bp1, gp, betap):
    ne = float(NE)
    s2 = moments[0:16, :] / ne
    mp = moments[16:17, :] / ne
    a = jnp.dot(s2, Wp1p, preferred_element_type=jnp.float32)
    e2 = jnp.sum(Wp1p * a, axis=0, keepdims=True)
    mxw = jnp.dot(mp, Wp1p, preferred_element_type=jnp.float32)
    var = e2 - mxw * mxw
    mh = mxw + bp1
    sp = gp * lax.rsqrt(var + EPS)
    return sp, betap - mh * sp


def _p4_body(gmeta3, qw, cp, moments, selcp, selkw, Wp1p, bp1, gp, betap,
             Wp2, Ww1, bp2, bw1, wpre3, wstats):
    sp, tp = _pos_bn_affine(moments[...], Wp1p[...], bp1[...], gp[...],
                            betap[...])
    ww = jnp.dot(Wp2[...], Ww1[...], preferred_element_type=jnp.float32)
    cvec = jnp.dot(bp2[...], Ww1[...],
                   preferred_element_type=jnp.float32) + bw1[...]
    cpb = cp[...]
    qwb = qw[...]
    scp = selcp[...]
    skw = selkw[...]
    wp1 = Wp1p[...]
    bp1v = bp1[...]
    acc_s = jnp.zeros((1, G), jnp.float32)
    acc_q = jnp.zeros((1, G), jnp.float32)
    for s in range(S):
        gm = gmeta3[:, s, :]
        xs = jnp.dot(gm, scp, preferred_element_type=jnp.float32) - cpb
        h = jnp.dot(xs, wp1, preferred_element_type=jnp.float32) + bp1v
        r = jnp.maximum(h * sp + tp, 0.0)
        m = jnp.dot(r, ww, preferred_element_type=jnp.float32)
        wp = (jnp.dot(gm, skw, preferred_element_type=jnp.float32)
              - qwb + m + cvec)
        wpre3[:, s, :] = wp
        acc_s = acc_s + jnp.sum(wp, axis=0, keepdims=True)
        acc_q = acc_q + jnp.sum(wp * wp, axis=0, keepdims=True)

    @pl.when(pl.program_id(0) == 0)
    def _():
        wstats[...] = jnp.zeros_like(wstats)

    wstats[0:1, :] += acc_s
    wstats[1:2, :] += acc_q


def _p4(gmeta3, qw, cp, moments, selcp, selkw, Wp1p, bp1, gp, betap, Wp2,
        Ww1, bp2, bw1):
    full = lambda shape: pl.BlockSpec(shape, lambda i: (0,) * len(shape))
    return pl.pallas_call(
        _p4_body,
        grid=(NB,),
        in_specs=[pl.BlockSpec((BN, S, _MW), lambda i: (i, 0, 0)),
                  pl.BlockSpec((BN, G), lambda i: (i, 0)),
                  pl.BlockSpec((BN, 16), lambda i: (i, 0)),
                  full((24, 16)), full((_MW, 16)), full((_MW, G)),
                  full((16, C)), full((1, C)), full((1, C)),
                  full((1, C)), full((C, C)), full((C, G)), full((1, C)),
                  full((1, G))],
        out_specs=[pl.BlockSpec((BN, S, G), lambda i: (i, 0, 0)),
                   full((8, G))],
        out_shape=[
            jax.ShapeDtypeStruct((N, S, G), jnp.float32),
            jax.ShapeDtypeStruct((8, G), jnp.float32),
        ],
    )(gmeta3, qw, cp, moments, selcp, selkw, Wp1p, bp1, gp, betap, Wp2, Ww1,
      bp2, bw1)


def _p5_body(gmeta3, gv3, wpre3, cp, moments, wstats, selcp, Wp1p, bp1, gp,
             betap, Wp2, bp2, gw, betaw, Ww2, bw2, repmat, out):
    sp, tp = _pos_bn_affine(moments[...], Wp1p[...], bp1[...], gp[...],
                            betap[...])
    st = wstats[...]
    sw, tw = _bn_affine(st[0:1, :], st[1:2, :], gw[...], betaw[...], float(NE))
    w2 = Ww2[...]
    bw2v = bw2[...]
    cpb = cp[...]

    wn = []
    for s in range(S):
        wp = wpre3[:, s, :]
        wn.append(jnp.dot(jnp.maximum(wp * sw + tw, 0.0), w2,
                          preferred_element_type=jnp.float32) + bw2v)
    mx = wn[0]
    for s in range(1, S):
        mx = jnp.maximum(mx, wn[s])
    es = [jnp.exp(wn[s] - mx) for s in range(S)]
    den = es[0]
    for s in range(1, S):
        den = den + es[s]
    rden = 1.0 / den

    wp2 = Wp2[...]
    bp2v = bp2[...]
    wp1 = Wp1p[...]
    bp1v = bp1[...]
    rep = repmat[...]
    scp = selcp[...]
    acc = jnp.zeros((BN, C), jnp.float32)
    for s in range(S):
        ws = es[s] * rden
        wf = jnp.dot(ws, rep, preferred_element_type=jnp.float32)
        xs = jnp.dot(gmeta3[:, s, :], scp,
                     preferred_element_type=jnp.float32) - cpb
        h = jnp.dot(xs, wp1, preferred_element_type=jnp.float32) + bp1v
        r = jnp.maximum(h * sp + tp, 0.0)
        peb = jnp.dot(r, wp2, preferred_element_type=jnp.float32) + bp2v
        acc = acc + wf * (gv3[:, s, :] + peb)
    out[...] = acc


def _p5(gmeta3, gv3, wpre3, cp, moments, wstats, selcp, Wp1p, bp1, gp, betap,
        Wp2, bp2, gw, betaw, Ww2, bw2, repmat):
    full = lambda shape: pl.BlockSpec(shape, lambda i: (0,) * len(shape))
    return pl.pallas_call(
        _p5_body,
        grid=(NB,),
        in_specs=[pl.BlockSpec((BN, S, _MW), lambda i: (i, 0, 0)),
                  pl.BlockSpec((BN, S, C), lambda i: (i, 0, 0)),
                  pl.BlockSpec((BN, S, G), lambda i: (i, 0, 0)),
                  pl.BlockSpec((BN, 16), lambda i: (i, 0)),
                  full((24, 16)), full((8, G)), full((_MW, 16)),
                  full((16, C)), full((1, C)),
                  full((1, C)), full((1, C)), full((C, C)), full((1, C)),
                  full((1, G)), full((1, G)), full((G, G)), full((1, G)),
                  full((G, C))],
        out_specs=[pl.BlockSpec((BN, C), lambda i: (i, 0))],
        out_shape=[jax.ShapeDtypeStruct((N, C), jnp.float32)],
    )(gmeta3, gv3, wpre3, cp, moments, wstats, selcp, Wp1p, bp1, gp, betap,
      Wp2, bp2, gw, betaw, Ww2, bw2, repmat)[0]


def kernel(feat, coord, reference_index, Wq, bq, gq, betaq, Wk, bk, gk,
           betak, Wv, bv, Wp1, bp1, gp, betap, Wp2, bp2, Ww1, bw1, gw,
           betaw, Ww2, bw2):
    r1 = lambda x: x.reshape(1, -1)
    cp = jnp.pad(coord, ((0, 0), (0, 13)))
    wp1p = jnp.pad(Wp1, ((0, 13), (0, 0)))
    idxf = reference_index.reshape(-1).astype(jnp.int32)
    repmat = jnp.kron(jnp.eye(G, dtype=jnp.float32),
                      jnp.ones((1, C // G), jnp.float32))
    eye16 = jnp.eye(16, dtype=jnp.float32)
    ww1pad = jnp.pad(Ww1, ((0, 0), (0, _MW - G)))
    e2sel = jnp.pad(eye16, ((0, 0), (16, _MW - 32)))
    selkw = jnp.pad(eye16, ((0, _MW - 16), (0, 0)))
    selcp = jnp.pad(eye16, ((16, _MW - 32), (0, 0)))

    qpre, kpre, v, qkstats = _p1(feat, Wq, r1(bq), Wk, r1(bk), Wv, r1(bv))
    qw, meta = _p2(qpre, kpre, cp, qkstats, r1(gq), r1(betaq), r1(gk),
                   r1(betak), Ww1, ww1pad, e2sel)
    gv, gmeta = _p3(v, meta, idxf)
    gmeta3 = gmeta.reshape(N, S, _MW)
    moments = _p3b(gmeta3, cp, selcp)
    wpre3, wstats = _p4(gmeta3, qw, cp, moments, selcp, selkw, wp1p,
                        r1(bp1), r1(gp), r1(betap), Wp2, Ww1, r1(bp2),
                        r1(bw1))
    out = _p5(gmeta3, gv.reshape(N, S, C), wpre3, cp, moments, wstats, selcp,
              wp1p, r1(bp1), r1(gp), r1(betap), Wp2, r1(bp2), r1(gw),
              r1(betaw), Ww2, r1(bw2), repmat)
    return out

# --- scband reference (transcript-rebuilt; emitter-appended) ---
"""Pipeline reference for scband-grouped-vector-attention-2508260901453 (READ-ONLY COPY).

The authoritative reference and input builder live on the scoring server;
editing this copy changes nothing except your own understanding.
"""

import jax, jax.numpy as jnp
import numpy as np

N = 10000
S = 16
C = 256
G = 16
I = C // G


def _bn(x, gamma, beta):
    # torch BatchNorm1d in training mode: normalize over all dims except channel (last)
    axes = tuple(range(x.ndim - 1))
    mean = jnp.mean(x, axis=axes, keepdims=True)
    var = jnp.var(x, axis=axes, keepdims=True)
    return (x - mean) / jnp.sqrt(var + 1e-5) * gamma + beta


def setup_inputs(seed: int = 0):
    key = jax.random.key(seed)
    ks = jax.random.split(key, 20)

    def lin(k, fan_in, shape):
        return (jax.random.uniform(k, shape, jnp.float32) * 2.0 - 1.0) / np.sqrt(fan_in)

    inp = {}
    inp["feat"] = jax.random.normal(ks[0], (N, C), dtype=jnp.float32)
    inp["coord"] = jax.random.uniform(ks[1], (N, 3), dtype=jnp.float32) * 10.0
    inp["reference_index"] = jax.random.randint(ks[2], (N, S), 0, N)
    inp["Wq"] = lin(ks[3], C, (C, C)); inp["bq"] = lin(ks[4], C, (C,))
    inp["gq"] = jnp.ones((C,), jnp.float32); inp["betaq"] = jnp.zeros((C,), jnp.float32)
    inp["Wk"] = lin(ks[5], C, (C, C)); inp["bk"] = lin(ks[6], C, (C,))
    inp["gk"] = jnp.ones((C,), jnp.float32); inp["betak"] = jnp.zeros((C,), jnp.float32)
    inp["Wv"] = lin(ks[7], C, (C, C)); inp["bv"] = lin(ks[8], C, (C,))
    inp["Wp1"] = lin(ks[9], 3, (3, C)); inp["bp1"] = lin(ks[10], 3, (C,))
    inp["gp"] = jnp.ones((C,), jnp.float32); inp["betap"] = jnp.zeros((C,), jnp.float32)
    inp["Wp2"] = lin(ks[11], C, (C, C)); inp["bp2"] = lin(ks[12], C, (C,))
    inp["Ww1"] = lin(ks[13], C, (C, G)); inp["bw1"] = lin(ks[14], C, (G,))
    inp["gw"] = jnp.ones((G,), jnp.float32); inp["betaw"] = jnp.zeros((G,), jnp.float32)
    inp["Ww2"] = lin(ks[15], G, (G, G)); inp["bw2"] = lin(ks[16], G, (G,))
    return inp


def reference(feat, coord, reference_index, Wq, bq, gq, betaq, Wk, bk, gk, betak, Wv, bv,
              Wp1, bp1, gp, betap, Wp2, bp2, Ww1, bw1, gw, betaw, Ww2, bw2):
    query = jax.nn.relu(_bn(feat @ Wq + bq, gq, betaq))          # [N, C]
    key_f = jax.nn.relu(_bn(feat @ Wk + bk, gk, betak))          # [N, C]
    value_f = feat @ Wv + bv                                     # [N, C]

    idx = reference_index                                        # [N, S]
    mask = jnp.sign(idx + 1).astype(jnp.float32)                 # [N, S]
    idx_safe = jnp.where(idx >= 0, idx, 0)

    # pointops.grouping: gather neighbor features; -1 indices map to zero rows
    grouped_key = key_f[idx_safe] * mask[..., None]              # [N, S, C]
    grouped_val = value_f[idx_safe] * mask[..., None]            # [N, S, C]
    pos = (coord[idx_safe] - coord[:, None, :]) * mask[..., None]  # [N, S, 3]

    relation_qk = grouped_key - query[:, None, :]                # [N, S, C]
    peb = jax.nn.relu(_bn(pos @ Wp1 + bp1, gp, betap)) @ Wp2 + bp2  # [N, S, C]
    relation_qk = relation_qk + peb
    value = grouped_val + peb

    weight = jax.nn.relu(_bn(relation_qk @ Ww1 + bw1, gw, betaw)) @ Ww2 + bw2  # [N, S, G]
    weight = jax.nn.softmax(weight, axis=1)
    weight = weight * mask[..., None]

    value = value.reshape(N, S, G, I)
    out = jnp.einsum('nsgi,nsg->ngi', value, weight)
    return out.reshape(N, C)

if __name__ == "__main__":
    import jax
    _d = setup_inputs()
    print(jax.jit(kernel)(*tuple(_d.values())))

</pallas_src>

<mosaic_0001>
#map = affine_map<(d0, d1) -> (0, 0)>
#map1 = affine_map<(d0, d1) -> (0)>
module attributes {stable_mosaic.version = 14 : i64} {
  func.func @_p3_body(%arg0: i32, %arg1: i32, %arg2: memref<10000x256xf32, #tpu.memory_space<hbm>>, %arg3: memref<10000x128xf32, #tpu.memory_space<hbm>>, %arg4: memref<160000xi32, #tpu.memory_space<hbm>>, %arg5: memref<160000x256xf32, #tpu.memory_space<hbm>>, %arg6: memref<160000x128xf32, #tpu.memory_space<hbm>>, %arg7: memref<128xi32, #tpu.memory_space<vmem>>, %arg8: memref<128x256xf32, #tpu.memory_space<vmem>>, %arg9: memref<128x128xf32, #tpu.memory_space<vmem>>, %arg10: memref<!tpu.dma_semaphore, #tpu.memory_space<semaphore_mem>>, %arg11: memref<!tpu.dma_semaphore, #tpu.memory_space<semaphore_mem>>) attributes {dimension_semantics = [#tpu.dimension_semantics<core_parallel>, #tpu.dimension_semantics<subcore_parallel>], iteration_bounds = array<i64: 2, 16>, scalar_prefetch = 0 : i64, scratch_operands = 5 : i64, tpu.core_type = #tpu.core_type<sc_vector_subcore>, window_params = [{transform_indices = #map}, {transform_indices = #map}, {transform_indices = #map1}, {transform_indices = #map}, {transform_indices = #map}]} {
    %mul3A = arith.constant 2 : i32
    %mul3A_0 = arith.muli %arg1, %mul3A : i32
    %add3A = arith.addi %mul3A_0, %arg0 : i32
    %scan3A = arith.constant 0 : i32
    %scan3A_1 = arith.constant 0 : i32
    %scan3A_2 = arith.constant 40 : i32
    %scan3A_3 = arith.addi %scan3A_1, %scan3A_2 : i32
    %scan3A_4 = arith.constant 1 : i32
    scf.for %scan3A_6 = %scan3A_1 to %scan3A_3 step %scan3A_4  : i32 {
      %mul3A_7 = arith.constant 32 : i32
      %mul3A_8 = arith.muli %scan3A_6, %mul3A_7 : i32
      %add3A_9 = arith.addi %mul3A_8, %add3A : i32
      %lt3A = arith.constant 1250 : i32
      %lt3A_10 = arith.cmpi slt, %add3A_9, %lt3A : i32
      %convert_element_type3A = arith.extui %lt3A_10 : i1 to i32
      %cond3A = arith.constant 0 : i32
      %cond3A_11 = arith.cmpi ne, %convert_element_type3A, %cond3A : i32
      scf.if %cond3A_11 {
        %mul3A_12 = arith.constant 128 : i32
        %mul3A_13 = arith.muli %add3A_9, %mul3A_12 : i32
        "tpu.region"() ({
          %run_scoped3A = tpu.sem_alloc : memref<!tpu.dma_semaphore, #tpu.memory_space<semaphore_mem>>
          %dma_start3A_24 = tpu.memref_slice %arg4[%mul3A_13] : memref<160000xi32, #tpu.memory_space<hbm>> -> memref<128xi32, #tpu.memory_space<hbm>>
          %dma_start3A_25 = tpu.memref_slice %arg4[%mul3A_13] : memref<160000xi32, #tpu.memory_space<hbm>> -> memref<128xi32, #tpu.memory_space<hbm>>
          tpu.enqueue_dma source(%dma_start3A_25 : memref<128xi32, #tpu.memory_space<hbm>>) target(%arg7 : memref<128xi32, #tpu.memory_space<vmem>>) target_semaphore(%run_scoped3A : memref<!tpu.dma_semaphore, #tpu.memory_space<semaphore_mem>>)
          %dma_wait3A_26 = tpu.memref_slice %arg4[%mul3A_13] : memref<160000xi32, #tpu.memory_space<hbm>> -> memref<128xi32, #tpu.memory_space<hbm>>
          %dma_wait3A_27 = tpu.memref_slice %arg4[%mul3A_13] : memref<160000xi32, #tpu.memory_space<hbm>> -> memref<128xi32, #tpu.memory_space<hbm>>
          tpu.wait_dma2 semaphore(%run_scoped3A : memref<!tpu.dma_semaphore, #tpu.memory_space<semaphore_mem>>) src(%dma_wait3A_27 : memref<128xi32, #tpu.memory_space<hbm>>) dst(%arg7 : memref<128xi32, #tpu.memory_space<vmem>>)
          tpu.yield
        }) : () -> ()
        %dma_start3A = arith.constant 0 : i32
        %dma_start3A_14 = arith.constant 0 : i32
        %dma_start3A_15 = tpu.memref_slice %arg2[%dma_start3A, %dma_start3A_14] : memref<10000x256xf32, #tpu.memory_space<hbm>> -> memref<10000x256xf32, #tpu.memory_space<hbm>>
        tpu.enqueue_indirect_dma source(%dma_start3A_15 : memref<10000x256xf32, #tpu.memory_space<hbm>>) target(%arg8 : memref<128x256xf32, #tpu.memory_space<vmem>>) offsets(%arg7 : memref<128xi32, #tpu.memory_space<vmem>>) semaphore(%arg10 : memref<!tpu.dma_semaphore, #tpu.memory_space<semaphore_mem>>)
        %dma_start3A_16 = arith.constant 0 : i32
        %dma_start3A_17 = arith.constant 0 : i32
        %dma_start3A_18 = tpu.memref_slice %arg3[%dma_start3A_16, %dma_start3A_17] : memref<10000x128xf32, #tpu.memory_space<hbm>> -> memref<10000x128xf32, #tpu.memory_space<hbm>>
        tpu.enqueue_indirect_dma source(%dma_start3A_18 : memref<10000x128xf32, #tpu.memory_space<hbm>>) target(%arg9 : memref<128x128xf32, #tpu.memory_space<vmem>>) offsets(%arg7 : memref<128xi32, #tpu.memory_space<vmem>>) semaphore(%arg11 : memref<!tpu.dma_semaphore, #tpu.memory_space<semaphore_mem>>)
        %dma_wait3A = arith.constant 0 : i32
        %dma_wait3A_19 = arith.constant 0 : i32
        %dma_wait3A_20 = tpu.memref_slice %arg2[%dma_wait3A, %dma_wait3A_19] : memref<10000x256xf32, #tpu.memory_space<hbm>> -> memref<10000x256xf32, #tpu.memory_space<hbm>>
        tpu.wait_indirect_dma semaphore(%arg10 : memref<!tpu.dma_semaphore, #tpu.memory_space<semaphore_mem>>) src(%dma_wait3A_20 : memref<10000x256xf32, #tpu.memory_space<hbm>>) dst(%arg8 : memref<128x256xf32, #tpu.memory_space<vmem>>)
        %dma_wait3A_21 = arith.constant 0 : i32
        %dma_wait3A_22 = arith.constant 0 : i32
        %dma_wait3A_23 = tpu.memref_slice %arg3[%dma_wait3A_21, %dma_wait3A_22] : memref<10000x128xf32, #tpu.memory_space<hbm>> -> memref<10000x128xf32, #tpu.memory_space<hbm>>
        tpu.wait_indirect_dma semaphore(%arg11 : memref<!tpu.dma_semaphore, #tpu.memory_space<semaphore_mem>>) src(%dma_wait3A_23 : memref<10000x128xf32, #tpu.memory_space<hbm>>) dst(%arg9 : memref<128x128xf32, #tpu.memory_space<vmem>>)
        "tpu.region"() ({
          %run_scoped3A = tpu.sem_alloc : memref<!tpu.dma_semaphore, #tpu.memory_space<semaphore_mem>>
          %dma_start3A_24 = arith.constant 0 : i32
          %dma_start3A_25 = tpu.memref_slice %arg5[%mul3A_13, %dma_start3A_24] : memref<160000x256xf32, #tpu.memory_space<hbm>> -> memref<128x256xf32, #tpu.memory_space<hbm>>
          %dma_start3A_26 = arith.constant 0 : i32
          %dma_start3A_27 = tpu.memref_slice %arg5[%mul3A_13, %dma_start3A_26] : memref<160000x256xf32, #tpu.memory_space<hbm>> -> memref<128x256xf32, #tpu.memory_space<hbm>>
          tpu.enqueue_dma source(%arg8 : memref<128x256xf32, #tpu.memory_space<vmem>>) target(%dma_start3A_27 : memref<128x256xf32, #tpu.memory_space<hbm>>) target_semaphore(%run_scoped3A : memref<!tpu.dma_semaphore, #tpu.memory_space<semaphore_mem>>)
          %dma_wait3A_28 = arith.constant 0 : i32
          %dma_wait3A_29 = tpu.memref_slice %arg5[%mul3A_13, %dma_wait3A_28] : memref<160000x256xf32, #tpu.memory_space<hbm>> -> memref<128x256xf32, #tpu.memory_space<hbm>>
          %dma_wait3A_30 = arith.constant 0 : i32
          %dma_wait3A_31 = tpu.memref_slice %arg5[%mul3A_13, %dma_wait3A_30] : memref<160000x256xf32, #tpu.memory_space<hbm>> -> memref<128x256xf32, #tpu.memory_space<hbm>>
          tpu.wait_dma2 semaphore(%run_scoped3A : memref<!tpu.dma_semaphore, #tpu.memory_space<semaphore_mem>>) src(%arg8 : memref<128x256xf32, #tpu.memory_space<vmem>>) dst(%dma_wait3A_31 : memref<128x256xf32, #tpu.memory_space<hbm>>)
          tpu.yield
        }) : () -> ()
        "tpu.region"() ({
          %run_scoped3A = tpu.sem_alloc : memref<!tpu.dma_semaphore, #tpu.memory_space<semaphore_mem>>
          %dma_start3A_24 = arith.constant 0 : i32
          %dma_start3A_25 = tpu.memref_slice %arg6[%mul3A_13, %dma_start3A_24] : memref<160000x128xf32, #tpu.memory_space<hbm>> -> memref<128x128xf32, #tpu.memory_space<hbm>>
          %dma_start3A_26 = arith.constant 0 : i32
          %dma_start3A_27 = tpu.memref_slice %arg6[%mul3A_13, %dma_start3A_26] : memref<160000x128xf32, #tpu.memory_space<hbm>> -> memref<128x128xf32, #tpu.memory_space<hbm>>
          tpu.enqueue_dma source(%arg9 : memref<128x128xf32, #tpu.memory_space<vmem>>) target(%dma_start3A_27 : memref<128x128xf32, #tpu.memory_space<hbm>>) target_semaphore(%run_scoped3A : memref<!tpu.dma_semaphore, #tpu.memory_space<semaphore_mem>>)
          %dma_wait3A_28 = arith.constant 0 : i32
          %dma_wait3A_29 = tpu.memref_slice %arg6[%mul3A_13, %dma_wait3A_28] : memref<160000x128xf32, #tpu.memory_space<hbm>> -> memref<128x128xf32, #tpu.memory_space<hbm>>
          %dma_wait3A_30 = arith.constant 0 : i32
          %dma_wait3A_31 = tpu.memref_slice %arg6[%mul3A_13, %dma_wait3A_30] : memref<160000x128xf32, #tpu.memory_space<hbm>> -> memref<128x128xf32, #tpu.memory_space<hbm>>
          tpu.wait_dma2 semaphore(%run_scoped3A : memref<!tpu.dma_semaphore, #tpu.memory_space<semaphore_mem>>) src(%arg9 : memref<128x128xf32, #tpu.memory_space<vmem>>) dst(%dma_wait3A_31 : memref<128x128xf32, #tpu.memory_space<hbm>>)
          tpu.yield
        }) : () -> ()
      } else {
      }
    }
    %scan3A_5 = arith.constant 40 : i32
    return
  }
}

module attributes {stable_mosaic.version = 14 : i64} {
  func.func @_p2_body(%arg0: i32, %arg1: memref<400x256xf32, #tpu.memory_space<vmem>>, %arg2: memref<400x256xf32, #tpu.memory_space<vmem>>, %arg3: memref<400x16xf32, #tpu.memory_space<vmem>>, %arg4: memref<8x256xf32, #tpu.memory_space<vmem>>, %arg5: memref<1x256xf32, #tpu.memory_space<vmem>>, %arg6: memref<1x256xf32, #tpu.memory_space<vmem>>, %arg7: memref<1x256xf32, #tpu.memory_space<vmem>>, %arg8: memref<1x256xf32, #tpu.memory_space<vmem>>, %arg9: memref<256x16xf32, #tpu.memory_space<vmem>>, %arg10: memref<256x128xf32, #tpu.memory_space<vmem>>, %arg11: memref<16x128xf32, #tpu.memory_space<vmem>>, %arg12: memref<400x16xf32, #tpu.memory_space<vmem>>, %arg13: memref<400x128xf32, #tpu.memory_space<vmem>>) attributes {dimension_semantics = [#tpu.dimension_semantics<arbitrary>], iteration_bounds = array<i64: 25>, scalar_prefetch = 0 : i64, scratch_operands = 0 : i64, tpu.core_type = #tpu.core_type<tc>, window_params = [{transform_indices = @transform_0, window_bounds = array<i64: 400, 256>}, {transform_indices = @transform_1, window_bounds = array<i64: 400, 256>}, {transform_indices = @transform_2, window_bounds = array<i64: 400, 16>}, {pipeline_mode = #tpu.pipeline_mode<synchronous>, transform_indices = @transform_3, window_bounds = array<i64: 8, 256>}, {pipeline_mode = #tpu.pipeline_mode<synchronous>, transform_indices = @transform_4, window_bounds = array<i64: 1, 256>}, {pipeline_mode = #tpu.pipeline_mode<synchronous>, transform_indices = @transform_5, window_bounds = array<i64: 1, 256>}, {pipeline_mode = #tpu.pipeline_mode<synchronous>, transform_indices = @transform_6, window_bounds = array<i64: 1, 256>}, {pipeline_mode = #tpu.pipeline_mode<synchronous>, transform_indices = @transform_7, window_bounds = array<i64: 1, 256>}, {pipeline_mode = #tpu.pipeline_mode<synchronous>, transform_indices = @transform_8, window_bounds = array<i64: 256, 16>}, {pipeline_mode = #tpu.pipeline_mode<synchronous>, transform_indices = @transform_9, window_bounds = array<i64: 256, 128>}, {pipeline_mode = #tpu.pipeline_mode<synchronous>, transform_indices = @transform_10, window_bounds = array<i64: 16, 128>}, {transform_indices = @transform_11, window_bounds = array<i64: 400, 16>}, {transform_indices = @transform_12, window_bounds = array<i64: 400, 128>}]} {
    %get3A = arith.constant 0 : index
    %get3A_0 = arith.constant 0 : index
    %get3A_1 = vector.load %arg4[%get3A, %get3A_0] : memref<8x256xf32, #tpu.memory_space<vmem>>, vector<8x256xf32>
    %slice3A = vector.extract_strided_slice %get3A_1 {offsets = [0, 0], sizes = [1, 256], strides = [1, 1]} : vector<8x256xf32> to vector<1x256xf32>
    %slice3A_2 = vector.extract_strided_slice %get3A_1 {offsets = [1, 0], sizes = [1, 256], strides = [1, 1]} : vector<8x256xf32> to vector<1x256xf32>
    %get3A_3 = arith.constant 0 : index
    %get3A_4 = arith.constant 0 : index
    %get3A_5 = vector.load %arg5[%get3A_3, %get3A_4] : memref<1x256xf32, #tpu.memory_space<vmem>>, vector<1x256xf32>
    %get3A_6 = arith.constant 0 : index
    %get3A_7 = arith.constant 0 : index
    %get3A_8 = vector.load %arg6[%get3A_6, %get3A_7] : memref<1x256xf32, #tpu.memory_space<vmem>>, vector<1x256xf32>
    %div3A = arith.constant 1.000000e+04 : f32
    %div3A_9 = vector.broadcast %div3A : f32 to vector<1x256xf32>
    %div3A_10 = arith.divf %slice3A, %div3A_9 : vector<1x256xf32>
    %div3A_11 = arith.constant 1.000000e+04 : f32
    %div3A_12 = vector.broadcast %div3A_11 : f32 to vector<1x256xf32>
    %div3A_13 = arith.divf %slice3A_2, %div3A_12 : vector<1x256xf32>
    %mul3A = arith.mulf %div3A_10, %div3A_10 : vector<1x256xf32>
    %sub3A = arith.subf %div3A_13, %mul3A : vector<1x256xf32>
    %add3A = arith.constant 9.99999974E-6 : f32
    %add3A_14 = vector.broadcast %add3A : f32 to vector<1x256xf32>
    %add3A_15 = arith.addf %sub3A, %add3A_14 : vector<1x256xf32>
    %rsqrt3A = math.rsqrt %add3A_15 : vector<1x256xf32>
    %mul3A_16 = arith.mulf %get3A_5, %rsqrt3A : vector<1x256xf32>
    %mul3A_17 = arith.mulf %div3A_10, %mul3A_16 : vector<1x256xf32>
    %sub3A_18 = arith.subf %get3A_8, %mul3A_17 : vector<1x256xf32>
    %slice3A_19 = vector.extract_strided_slice %get3A_1 {offsets = [2, 0], sizes = [1, 256], strides = [1, 1]} : vector<8x256xf32> to vector<1x256xf32>
    %slice3A_20 = vector.extract_strided_slice %get3A_1 {offsets = [3, 0], sizes = [1, 256], strides = [1, 1]} : vector<8x256xf32> to vector<1x256xf32>
    %get3A_21 = arith.constant 0 : index
    %get3A_22 = arith.constant 0 : index
    %get3A_23 = vector.load %arg7[%get3A_21, %get3A_22] : memref<1x256xf32, #tpu.memory_space<vmem>>, vector<1x256xf32>
    %get3A_24 = arith.constant 0 : index
    %get3A_25 = arith.constant 0 : index
    %get3A_26 = vector.load %arg8[%get3A_24, %get3A_25] : memref<1x256xf32, #tpu.memory_space<vmem>>, vector<1x256xf32>
    %div3A_27 = arith.constant 1.000000e+04 : f32
    %div3A_28 = vector.broadcast %div3A_27 : f32 to vector<1x256xf32>
    %div3A_29 = arith.divf %slice3A_19, %div3A_28 : vector<1x256xf32>
    %div3A_30 = arith.constant 1.000000e+04 : f32
    %div3A_31 = vector.broadcast %div3A_30 : f32 to vector<1x256xf32>
    %div3A_32 = arith.divf %slice3A_20, %div3A_31 : vector<1x256xf32>
    %mul3A_33 = arith.mulf %div3A_29, %div3A_29 : vector<1x256xf32>
    %sub3A_34 = arith.subf %div3A_32, %mul3A_33 : vector<1x256xf32>
    %add3A_35 = arith.constant 9.99999974E-6 : f32
    %add3A_36 = vector.broadcast %add3A_35 : f32 to vector<1x256xf32>
    %add3A_37 = arith.addf %sub3A_34, %add3A_36 : vector<1x256xf32>
    %rsqrt3A_38 = math.rsqrt %add3A_37 : vector<1x256xf32>
    %mul3A_39 = arith.mulf %get3A_23, %rsqrt3A_38 : vector<1x256xf32>
    %mul3A_40 = arith.mulf %div3A_29, %mul3A_39 : vector<1x256xf32>
    %sub3A_41 = arith.subf %get3A_26, %mul3A_40 : vector<1x256xf32>
    %get3A_42 = arith.constant 0 : index
    %get3A_43 = arith.constant 0 : index
    %get3A_44 = vector.load %arg1[%get3A_42, %get3A_43] : memref<400x256xf32, #tpu.memory_space<vmem>>, vector<400x256xf32>
    %mul3A_45 = vector.broadcast %mul3A_16 : vector<1x256xf32> to vector<400x256xf32>
    %mul3A_46 = arith.mulf %get3A_44, %mul3A_45 : vector<400x256xf32>
    %add3A_47 = vector.broadcast %sub3A_18 : vector<1x256xf32> to vector<400x256xf32>
    %add3A_48 = arith.addf %mul3A_46, %add3A_47 : vector<400x256xf32>
    %max3A = arith.constant 0.000000e+00 : f32
    %max3A_49 = vector.broadcast %max3A : f32 to vector<400x256xf32>
    %max3A_50 = arith.maximumf %add3A_48, %max3A_49 : vector<400x256xf32>
    %get3A_51 = arith.constant 0 : index
    %get3A_52 = arith.constant 0 : index
    %get3A_53 = vector.load %arg2[%get3A_51, %get3A_52] : memref<400x256xf32, #tpu.memory_space<vmem>>, vector<400x256xf32>
    %mul3A_54 = vector.broadcast %mul3A_39 : vector<1x256xf32> to vector<400x256xf32>
    %mul3A_55 = arith.mulf %get3A_53, %mul3A_54 : vector<400x256xf32>
    %add3A_56 = vector.broadcast %sub3A_41 : vector<1x256xf32> to vector<400x256xf32>
    %add3A_57 = arith.addf %mul3A_55, %add3A_56 : vector<400x256xf32>
    %max3A_58 = arith.constant 0.000000e+00 : f32
    %max3A_59 = vector.broadcast %max3A_58 : f32 to vector<400x256xf32>
    %max3A_60 = arith.maximumf %add3A_57, %max3A_59 : vector<400x256xf32>
    %get3A_61 = arith.constant 0 : index
    %get3A_62 = arith.constant 0 : index
    %get3A_63 = vector.load %arg9[%get3A_61, %get3A_62] : memref<256x16xf32, #tpu.memory_space<vmem>>, vector<256x16xf32>
    %dot_general3A = arith.constant dense<0.000000e+00> : vector<400x16xf32>
    %dot_general3A_64 = tpu.matmul %max3A_50, %get3A_63, %dot_general3A {dimension_numbers = #tpu.dot_dimension_numbers<[1], [0], [0], [1], [0, 0, 1, 1], [], []>, transpose_lhs_hint = false} : vector<400x256xf32>, vector<256x16xf32>, vector<400x16xf32> -> vector<400x16xf32>
    %swap3A = arith.constant 0 : index
    %swap3A_65 = arith.constant 0 : index
    %swap3A_66 = vector.load %arg12[%swap3A, %swap3A_65] : memref<400x16xf32, #tpu.memory_space<vmem>>, vector<400x16xf32>
    tpu.vector_store %arg12[%swap3A, %swap3A_65], %dot_general3A_64 {strides = array<i32>} : memref<400x16xf32, #tpu.memory_space<vmem>>, vector<400x16xf32>,
    %get3A_67 = arith.constant 0 : index
    %get3A_68 = arith.constant 0 : index
    %get3A_69 = vector.load %arg10[%get3A_67, %get3A_68] : memref<256x128xf32, #tpu.memory_space<vmem>>, vector<256x128xf32>
    %dot_general3A_70 = arith.constant dense<0.000000e+00> : vector<400x128xf32>
    %dot_general3A_71 = tpu.matmul %max3A_60, %get3A_69, %dot_general3A_70 {dimension_numbers = #tpu.dot_dimension_numbers<[1], [0], [0], [1], [0, 0, 1, 1], [], []>, transpose_lhs_hint = false} : vector<400x256xf32>, vector<256x128xf32>, vector<400x128xf32> -> vector<400x128xf32>
    %get3A_72 = arith.constant 0 : index
    %get3A_73 = arith.constant 0 : index
    %get3A_74 = vector.load %arg3[%get3A_72, %get3A_73] : memref<400x16xf32, #tpu.memory_space<vmem>>, vector<400x16xf32>
    %get3A_75 = arith.constant 0 : index
    %get3A_76 = arith.constant 0 : index
    %get3A_77 = vector.load %arg11[%get3A_75, %get3A_76] : memref<16x128xf32, #tpu.memory_space<vmem>>, vector<16x128xf32>
    %dot_general3A_78 = arith.constant dense<0.000000e+00> : vector<400x128xf32>
    %dot_general3A_79 = tpu.matmul %get3A_74, %get3A_77, %dot_general3A_78 {dimension_numbers = #tpu.dot_dimension_numbers<[1], [0], [0], [1], [0, 0, 1, 1], [], []>, transpose_lhs_hint = false} : vector<400x16xf32>, vector<16x128xf32>, vector<400x128xf32> -> vector<400x128xf32>
    %add3A_80 = arith.addf %dot_general3A_71, %dot_general3A_79 : vector<400x128xf32>
    %swap3A_81 = arith.constant 0 : index
    %swap3A_82 = arith.constant 0 : index
    %swap3A_83 = vector.load %arg13[%swap3A_81, %swap3A_82] : memref<400x128xf32, #tpu.memory_space<vmem>>, vector<400x128xf32>
    tpu.vector_store %arg13[%swap3A_81, %swap3A_82], %add3A_80 {strides = array<i32>} : memref<400x128xf32, #tpu.memory_space<vmem>>, vector<400x128xf32>,
    return
  }
  func.func @transform_0(%arg0: i32) -> (i32, i32) {
    %c0_i32 = arith.constant 0 : i32
    %c0_i32_0 = arith.constant 0 : i32
    return %arg0, %c0_i32 : i32, i32
  }
  func.func @transform_1(%arg0: i32) -> (i32, i32) {
    %c0_i32 = arith.constant 0 : i32
    %c0_i32_0 = arith.constant 0 : i32
    return %arg0, %c0_i32 : i32, i32
  }
  func.func @transform_2(%arg0: i32) -> (i32, i32) {
    %c0_i32 = arith.constant 0 : i32
    %c0_i32_0 = arith.constant 0 : i32
    return %arg0, %c0_i32 : i32, i32
  }
  func.func @transform_3(%arg0: i32) -> (i32, i32) {
    %c0_i32 = arith.constant 0 : i32
    %c0_i32_0 = arith.constant 0 : i32
    %c0_i32_1 = arith.constant 0 : i32
    return %c0_i32, %c0_i32_0 : i32, i32
  }
  func.func @transform_4(%arg0: i32) -> (i32, i32) {
    %c0_i32 = arith.constant 0 : i32
    %c0_i32_0 = arith.constant 0 : i32
    %c0_i32_1 = arith.constant 0 : i32
    return %c0_i32, %c0_i32_0 : i32, i32
  }
  func.func @transform_5(%arg0: i32) -> (i32, i32) {
    %c0_i32 = arith.constant 0 : i32
    %c0_i32_0 = arith.constant 0 : i32
    %c0_i32_1 = arith.constant 0 : i32
    return %c0_i32, %c0_i32_0 : i32, i32
  }
  func.func @transform_6(%arg0: i32) -> (i32, i32) {
    %c0_i32 = arith.constant 0 : i32
    %c0_i32_0 = arith.constant 0 : i32
    %c0_i32_1 = arith.constant 0 : i32
    return %c0_i32, %c0_i32_0 : i32, i32
  }
  func.func @transform_7(%arg0: i32) -> (i32, i32) {
    %c0_i32 = arith.constant 0 : i32
    %c0_i32_0 = arith.constant 0 : i32
    %c0_i32_1 = arith.constant 0 : i32
    return %c0_i32, %c0_i32_0 : i32, i32
  }
  func.func @transform_8(%arg0: i32) -> (i32, i32) {
    %c0_i32 = arith.constant 0 : i32
    %c0_i32_0 = arith.constant 0 : i32
    %c0_i32_1 = arith.constant 0 : i32
    return %c0_i32, %c0_i32_0 : i32, i32
  }
  func.func @transform_9(%arg0: i32) -> (i32, i32) {
    %c0_i32 = arith.constant 0 : i32
    %c0_i32_0 = arith.constant 0 : i32
    %c0_i32_1 = arith.constant 0 : i32
    return %c0_i32, %c0_i32_0 : i32, i32
  }
  func.func @transform_10(%arg0: i32) -> (i32, i32) {
    %c0_i32 = arith.constant 0 : i32
    %c0_i32_0 = arith.constant 0 : i32
    %c0_i32_1 = arith.constant 0 : i32
    return %c0_i32, %c0_i32_0 : i32, i32
  }
  func.func @transform_11(%arg0: i32) -> (i32, i32) {
    %c0_i32 = arith.constant 0 : i32
    %c0_i32_0 = arith.constant 0 : i32
    return %arg0, %c0_i32 : i32, i32
  }
  func.func @transform_12(%arg0: i32) -> (i32, i32) {
    %c0_i32 = arith.constant 0 : i32
    %c0_i32_0 = arith.constant 0 : i32
    return %arg0, %c0_i32 : i32, i32
  }
}

module attributes {stable_mosaic.version = 14 : i64} {
  func.func @_p1_body(%arg0: i32, %arg1: memref<400x256xf32, #tpu.memory_space<vmem>>, %arg2: memref<256x256xf32, #tpu.memory_space<vmem>>, %arg3: memref<1x256xf32, #tpu.memory_space<vmem>>, %arg4: memref<256x256xf32, #tpu.memory_space<vmem>>, %arg5: memref<1x256xf32, #tpu.memory_space<vmem>>, %arg6: memref<256x256xf32, #tpu.memory_space<vmem>>, %arg7: memref<1x256xf32, #tpu.memory_space<vmem>>, %arg8: memref<400x256xf32, #tpu.memory_space<vmem>>, %arg9: memref<400x256xf32, #tpu.memory_space<vmem>>, %arg10: memref<400x256xf32, #tpu.memory_space<vmem>>, %arg11: memref<8x256xf32, #tpu.memory_space<vmem>>) attributes {dimension_semantics = [#tpu.dimension_semantics<arbitrary>], iteration_bounds = array<i64: 25>, scalar_prefetch = 0 : i64, scratch_operands = 0 : i64, tpu.core_type = #tpu.core_type<tc>, window_params = [{transform_indices = @transform_0, window_bounds = array<i64: 400, 256>}, {pipeline_mode = #tpu.pipeline_mode<synchronous>, transform_indices = @transform_1, window_bounds = array<i64: 256, 256>}, {pipeline_mode = #tpu.pipeline_mode<synchronous>, transform_indices = @transform_2, window_bounds = array<i64: 1, 256>}, {pipeline_mode = #tpu.pipeline_mode<synchronous>, transform_indices = @transform_3, window_bounds = array<i64: 256, 256>}, {pipeline_mode = #tpu.pipeline_mode<synchronous>, transform_indices = @transform_4, window_bounds = array<i64: 1, 256>}, {pipeline_mode = #tpu.pipeline_mode<synchronous>, transform_indices = @transform_5, window_bounds = array<i64: 256, 256>}, {pipeline_mode = #tpu.pipeline_mode<synchronous>, transform_indices = @transform_6, window_bounds = array<i64: 1, 256>}, {transform_indices = @transform_7, window_bounds = array<i64: 400, 256>}, {transform_indices = @transform_8, window_bounds = array<i64: 400, 256>}, {transform_indices = @transform_9, window_bounds = array<i64: 400, 256>}, {pipeline_mode = #tpu.pipeline_mode<synchronous>, transform_indices = @transform_10, window_bounds = array<i64: 8, 256>}]} {
    %get3A = arith.constant 0 : index
    %get3A_0 = arith.constant 0 : index
    %get3A_1 = vector.load %arg1[%get3A, %get3A_0] : memref<400x256xf32, #tpu.memory_space<vmem>>, vector<400x256xf32>
    %get3A_2 = arith.constant 0 : index
    %get3A_3 = arith.constant 0 : index
    %get3A_4 = vector.load %arg2[%get3A_2, %get3A_3] : memref<256x256xf32, #tpu.memory_space<vmem>>, vector<256x256xf32>
    %dot_general3A = arith.constant dense<0.000000e+00> : vector<400x256xf32>
    %dot_general3A_5 = tpu.matmul %get3A_1, %get3A_4, %dot_general3A {dimension_numbers = #tpu.dot_dimension_numbers<[1], [0], [0], [1], [0, 0, 1, 1], [], []>, transpose_lhs_hint = false} : vector<400x256xf32>, vector<256x256xf32>, vector<400x256xf32> -> vector<400x256xf32>
    %get3A_6 = arith.constant 0 : index
    %get3A_7 = arith.constant 0 : index
    %get3A_8 = vector.load %arg3[%get3A_6, %get3A_7] : memref<1x256xf32, #tpu.memory_space<vmem>>, vector<1x256xf32>
    %add3A = vector.broadcast %get3A_8 : vector<1x256xf32> to vector<400x256xf32>
    %add3A_9 = arith.addf %dot_general3A_5, %add3A : vector<400x256xf32>
    %get3A_10 = arith.constant 0 : index
    %get3A_11 = arith.constant 0 : index
    %get3A_12 = vector.load %arg4[%get3A_10, %get3A_11] : memref<256x256xf32, #tpu.memory_space<vmem>>, vector<256x256xf32>
    %dot_general3A_13 = arith.constant dense<0.000000e+00> : vector<400x256xf32>
    %dot_general3A_14 = tpu.matmul %get3A_1, %get3A_12, %dot_general3A_13 {dimension_numbers = #tpu.dot_dimension_numbers<[1], [0], [0], [1], [0, 0, 1, 1], [], []>, transpose_lhs_hint = false} : vector<400x256xf32>, vector<256x256xf32>, vector<400x256xf32> -> vector<400x256xf32>
    %get3A_15 = arith.constant 0 : index
    %get3A_16 = arith.constant 0 : index
    %get3A_17 = vector.load %arg5[%get3A_15, %get3A_16] : memref<1x256xf32, #tpu.memory_space<vmem>>, vector<1x256xf32>
    %add3A_18 = vector.broadcast %get3A_17 : vector<1x256xf32> to vector<400x256xf32>
    %add3A_19 = arith.addf %dot_general3A_14, %add3A_18 : vector<400x256xf32>
    %get3A_20 = arith.constant 0 : index
    %get3A_21 = arith.constant 0 : index
    %get3A_22 = vector.load %arg6[%get3A_20, %get3A_21] : memref<256x256xf32, #tpu.memory_space<vmem>>, vector<256x256xf32>
    %dot_general3A_23 = arith.constant dense<0.000000e+00> : vector<400x256xf32>
    %dot_general3A_24 = tpu.matmul %get3A_1, %get3A_22, %dot_general3A_23 {dimension_numbers = #tpu.dot_dimension_numbers<[1], [0], [0], [1], [0, 0, 1, 1], [], []>, transpose_lhs_hint = false} : vector<400x256xf32>, vector<256x256xf32>, vector<400x256xf32> -> vector<400x256xf32>
    %get3A_25 = arith.constant 0 : index
    %get3A_26 = arith.constant 0 : index
    %get3A_27 = vector.load %arg7[%get3A_25, %get3A_26] : memref<1x256xf32, #tpu.memory_space<vmem>>, vector<1x256xf32>
    %add3A_28 = vector.broadcast %get3A_27 : vector<1x256xf32> to vector<400x256xf32>
    %add3A_29 = arith.addf %dot_general3A_24, %add3A_28 : vector<400x256xf32>
    %swap3A = arith.constant 0 : index
    %swap3A_30 = arith.constant 0 : index
    %swap3A_31 = vector.load %arg8[%swap3A, %swap3A_30] : memref<400x256xf32, #tpu.memory_space<vmem>>, vector<400x256xf32>
    tpu.vector_store %arg8[%swap3A, %swap3A_30], %add3A_9 {strides = array<i32>} : memref<400x256xf32, #tpu.memory_space<vmem>>, vector<400x256xf32>,
    %swap3A_32 = arith.constant 0 : index
    %swap3A_33 = arith.constant 0 : index
    %swap3A_34 = vector.load %arg9[%swap3A_32, %swap3A_33] : memref<400x256xf32, #tpu.memory_space<vmem>>, vector<400x256xf32>
    tpu.vector_store %arg9[%swap3A_32, %swap3A_33], %add3A_19 {strides = array<i32>} : memref<400x256xf32, #tpu.memory_space<vmem>>, vector<400x256xf32>,
    %swap3A_35 = arith.constant 0 : index
    %swap3A_36 = arith.constant 0 : index
    %swap3A_37 = vector.load %arg10[%swap3A_35, %swap3A_36] : memref<400x256xf32, #tpu.memory_space<vmem>>, vector<400x256xf32>
    tpu.vector_store %arg10[%swap3A_35, %swap3A_36], %add3A_29 {strides = array<i32>} : memref<400x256xf32, #tpu.memory_space<vmem>>, vector<400x256xf32>,
    %eq3A = arith.constant 0 : i32
    %eq3A_38 = arith.cmpi eq, %arg0, %eq3A : i32
    %convert_element_type3A = arith.extui %eq3A_38 : i1 to i32
    %cond3A = arith.constant 0 : i32
    %cond3A_39 = arith.cmpi ne, %convert_element_type3A, %cond3A : i32
    scf.if %cond3A_39 {
      %broadcast_in_dim3A_79 = arith.constant 0.000000e+00 : f32
      %broadcast_in_dim3A_80 = vector.broadcast %broadcast_in_dim3A_79 : f32 to vector<8x256xf32>
      %swap3A_81 = arith.constant 0 : index
      %swap3A_82 = arith.constant 0 : index
      %swap3A_83 = vector.load %arg11[%swap3A_81, %swap3A_82] : memref<8x256xf32, #tpu.memory_space<vmem>>, vector<8x256xf32>
      tpu.vector_store %arg11[%swap3A_81, %swap3A_82], %broadcast_in_dim3A_80 {strides = array<i32>} : memref<8x256xf32, #tpu.memory_space<vmem>>, vector<8x256xf32>,
    } else {
    }
    %get3A_40 = arith.constant 0 : index
    %get3A_41 = arith.constant 0 : index
    %get3A_42 = vector.load %arg11[%get3A_40, %get3A_41] : memref<8x256xf32, #tpu.memory_space<vmem>>, vector<1x256xf32>
    %reduce_sum3A = arith.constant dense<0.000000e+00> : vector<256xf32>
    %reduce_sum3A_43 = vector.multi_reduction <add>, %add3A_9, %reduce_sum3A [0] : vector<400x256xf32> to vector<256xf32>
    %broadcast_in_dim3A = vector.shape_cast %reduce_sum3A_43 : vector<256xf32> to vector<1x256xf32>
    %add3A_44 = arith.addf %get3A_42, %broadcast_in_dim3A : vector<1x256xf32>
    %swap3A_45 = arith.constant 0 : index
    %swap3A_46 = arith.constant 0 : index
    %swap3A_47 = vector.load %arg11[%swap3A_45, %swap3A_46] : memref<8x256xf32, #tpu.memory_space<vmem>>, vector<1x256xf32>
    tpu.vector_store %arg11[%swap3A_45, %swap3A_46], %add3A_44 {strides = array<i32>} : memref<8x256xf32, #tpu.memory_space<vmem>>, vector<1x256xf32>,
    %get3A_48 = arith.constant 1 : index
    %get3A_49 = arith.constant 0 : index
    %get3A_50 = vector.load %arg11[%get3A_48, %get3A_49] : memref<8x256xf32, #tpu.memory_space<vmem>>, vector<1x256xf32>
    %mul3A = arith.mulf %add3A_9, %add3A_9 : vector<400x256xf32>
    %reduce_sum3A_51 = arith.constant dense<0.000000e+00> : vector<256xf32>
    %reduce_sum3A_52 = vector.multi_reduction <add>, %mul3A, %reduce_sum3A_51 [0] : vector<400x256xf32> to vector<256xf32>
    %broadcast_in_dim3A_53 = vector.shape_cast %reduce_sum3A_52 : vector<256xf32> to vector<1x256xf32>
    %add3A_54 = arith.addf %get3A_50, %broadcast_in_dim3A_53 : vector<1x256xf32>
    %swap3A_55 = arith.constant 1 : index
    %swap3A_56 = arith.constant 0 : index
    %swap3A_57 = vector.load %arg11[%swap3A_55, %swap3A_56] : memref<8x256xf32, #tpu.memory_space<vmem>>, vector<1x256xf32>
    tpu.vector_store %arg11[%swap3A_55, %swap3A_56], %add3A_54 {strides = array<i32>} : memref<8x256xf32, #tpu.memory_space<vmem>>, vector<1x256xf32>,
    %get3A_58 = arith.constant 2 : index
    %get3A_59 = arith.constant 0 : index
    %get3A_60 = vector.load %arg11[%get3A_58, %get3A_59] : memref<8x256xf32, #tpu.memory_space<vmem>>, vector<1x256xf32>
    %reduce_sum3A_61 = arith.constant dense<0.000000e+00> : vector<256xf32>
    %reduce_sum3A_62 = vector.multi_reduction <add>, %add3A_19, %reduce_sum3A_61 [0] : vector<400x256xf32> to vector<256xf32>
    %broadcast_in_dim3A_63 = vector.shape_cast %reduce_sum3A_62 : vector<256xf32> to vector<1x256xf32>
    %add3A_64 = arith.addf %get3A_60, %broadcast_in_dim3A_63 : vector<1x256xf32>
    %swap3A_65 = arith.constant 2 : index
    %swap3A_66 = arith.constant 0 : index
    %swap3A_67 = vector.load %arg11[%swap3A_65, %swap3A_66] : memref<8x256xf32, #tpu.memory_space<vmem>>, vector<1x256xf32>
    tpu.vector_store %arg11[%swap3A_65, %swap3A_66], %add3A_64 {strides = array<i32>} : memref<8x256xf32, #tpu.memory_space<vmem>>, vector<1x256xf32>,
    %get3A_68 = arith.constant 3 : index
    %get3A_69 = arith.constant 0 : index
    %get3A_70 = vector.load %arg11[%get3A_68, %get3A_69] : memref<8x256xf32, #tpu.memory_space<vmem>>, vector<1x256xf32>
    %mul3A_71 = arith.mulf %add3A_19, %add3A_19 : vector<400x256xf32>
    %reduce_sum3A_72 = arith.constant dense<0.000000e+00> : vector<256xf32>
    %reduce_sum3A_73 = vector.multi_reduction <add>, %mul3A_71, %reduce_sum3A_72 [0] : vector<400x256xf32> to vector<256xf32>
    %broadcast_in_dim3A_74 = vector.shape_cast %reduce_sum3A_73 : vector<256xf32> to vector<1x256xf32>
    %add3A_75 = arith.addf %get3A_70, %broadcast_in_dim3A_74 : vector<1x256xf32>
    %swap3A_76 = arith.constant 3 : index
    %swap3A_77 = arith.constant 0 : index
    %swap3A_78 = vector.load %arg11[%swap3A_76, %swap3A_77] : memref<8x256xf32, #tpu.memory_space<vmem>>, vector<1x256xf32>
    tpu.vector_store %arg11[%swap3A_76, %swap3A_77], %add3A_75 {strides = array<i32>} : memref<8x256xf32, #tpu.memory_space<vmem>>, vector<1x256xf32>,
    return
  }
  func.func @transform_0(%arg0: i32) -> (i32, i32) {
    %c0_i32 = arith.constant 0 : i32
    %c0_i32_0 = arith.constant 0 : i32
    return %arg0, %c0_i32 : i32, i32
  }
  func.func @transform_1(%arg0: i32) -> (i32, i32) {
    %c0_i32 = arith.constant 0 : i32
    %c0_i32_0 = arith.constant 0 : i32
    %c0_i32_1 = arith.constant 0 : i32
    return %c0_i32, %c0_i32_0 : i32, i32
  }
  func.func @transform_2(%arg0: i32) -> (i32, i32) {
    %c0_i32 = arith.constant 0 : i32
    %c0_i32_0 = arith.constant 0 : i32
    %c0_i32_1 = arith.constant 0 : i32
    return %c0_i32, %c0_i32_0 : i32, i32
  }
  func.func @transform_3(%arg0: i32) -> (i32, i32) {
    %c0_i32 = arith.constant 0 : i32
    %c0_i32_0 = arith.constant 0 : i32
    %c0_i32_1 = arith.constant 0 : i32
    return %c0_i32, %c0_i32_0 : i32, i32
  }
  func.func @transform_4(%arg0: i32) -> (i32, i32) {
    %c0_i32 = arith.constant 0 : i32
    %c0_i32_0 = arith.constant 0 : i32
    %c0_i32_1 = arith.constant 0 : i32
    return %c0_i32, %c0_i32_0 : i32, i32
  }
  func.func @transform_5(%arg0: i32) -> (i32, i32) {
    %c0_i32 = arith.constant 0 : i32
    %c0_i32_0 = arith.constant 0 : i32
    %c0_i32_1 = arith.constant 0 : i32
    return %c0_i32, %c0_i32_0 : i32, i32
  }
  func.func @transform_6(%arg0: i32) -> (i32, i32) {
    %c0_i32 = arith.constant 0 : i32
    %c0_i32_0 = arith.constant 0 : i32
    %c0_i32_1 = arith.constant 0 : i32
    return %c0_i32, %c0_i32_0 : i32, i32
  }
  func.func @transform_7(%arg0: i32) -> (i32, i32) {
    %c0_i32 = arith.constant 0 : i32
    %c0_i32_0 = arith.constant 0 : i32
    return %arg0, %c0_i32 : i32, i32
  }
  func.func @transform_8(%arg0: i32) -> (i32, i32) {
    %c0_i32 = arith.constant 0 : i32
    %c0_i32_0 = arith.constant 0 : i32
    return %arg0, %c0_i32 : i32, i32
  }
  func.func @transform_9(%arg0: i32) -> (i32, i32) {
    %c0_i32 = arith.constant 0 : i32
    %c0_i32_0 = arith.constant 0 : i32
    return %arg0, %c0_i32 : i32, i32
  }
  func.func @transform_10(%arg0: i32) -> (i32, i32) {
    %c0_i32 = arith.constant 0 : i32
    %c0_i32_0 = arith.constant 0 : i32
    %c0_i32_1 = arith.constant 0 : i32
    return %c0_i32, %c0_i32_0 : i32, i32
  }
}

module attributes {stable_mosaic.version = 14 : i64} {
  func.func @_p3b_body(%arg0: i32, %arg1: memref<400x16x128xf32, #tpu.memory_space<vmem>>, %arg2: memref<400x16xf32, #tpu.memory_space<vmem>>, %arg3: memref<128x16xf32, #tpu.memory_space<vmem>>, %arg4: memref<24x16xf32, #tpu.memory_space<vmem>>) attributes {dimension_semantics = [#tpu.dimension_semantics<arbitrary>], iteration_bounds = array<i64: 25>, scalar_prefetch = 0 : i64, scratch_operands = 0 : i64, tpu.core_type = #tpu.core_type<tc>, window_params = [{transform_indices = @transform_0, window_bounds = array<i64: 400, 16, 128>}, {transform_indices = @transform_1, window_bounds = array<i64: 400, 16>}, {pipeline_mode = #tpu.pipeline_mode<synchronous>, transform_indices = @transform_2, window_bounds = array<i64: 128, 16>}, {pipeline_mode = #tpu.pipeline_mode<synchronous>, transform_indices = @transform_3, window_bounds = array<i64: 24, 16>}]} {
    %get3A = arith.constant 0 : index
    %get3A_0 = arith.constant 0 : index
    %get3A_1 = vector.load %arg2[%get3A, %get3A_0] : memref<400x16xf32, #tpu.memory_space<vmem>>, vector<400x16xf32>
    %get3A_2 = arith.constant 0 : index
    %get3A_3 = arith.constant 0 : index
    %get3A_4 = vector.load %arg3[%get3A_2, %get3A_3] : memref<128x16xf32, #tpu.memory_space<vmem>>, vector<128x16xf32>
    %eq3A = arith.constant 0 : i32
    %eq3A_5 = arith.cmpi eq, %arg0, %eq3A : i32
    %convert_element_type3A = arith.extui %eq3A_5 : i1 to i32
    %cond3A = arith.constant 0 : i32
    %cond3A_6 = arith.cmpi ne, %convert_element_type3A, %cond3A : i32
    scf.if %cond3A_6 {
      %broadcast_in_dim3A_259 = arith.constant 0.000000e+00 : f32
      %broadcast_in_dim3A_260 = vector.broadcast %broadcast_in_dim3A_259 : f32 to vector<24x16xf32>
      %swap3A_261 = arith.constant 0 : index
      %swap3A_262 = arith.constant 0 : index
      %swap3A_263 = vector.load %arg4[%swap3A_261, %swap3A_262] : memref<24x16xf32, #tpu.memory_space<vmem>>, vector<24x16xf32>
      tpu.vector_store %arg4[%swap3A_261, %swap3A_262], %broadcast_in_dim3A_260 {strides = array<i32>} : memref<24x16xf32, #tpu.memory_space<vmem>>, vector<24x16xf32>,
    } else {
    }
    %broadcast_in_dim3A = arith.constant 0.000000e+00 : f32
    %broadcast_in_dim3A_7 = vector.broadcast %broadcast_in_dim3A : f32 to vector<16x16xf32>
    %broadcast_in_dim3A_8 = arith.constant 0.000000e+00 : f32
    %broadcast_in_dim3A_9 = vector.broadcast %broadcast_in_dim3A_8 : f32 to vector<1x16xf32>
    %get3A_10 = arith.constant 0 : index
    %get3A_11 = arith.constant 0 : index
    %get3A_12 = arith.constant 0 : index
    %get3A_13 = vector.load %arg1[%get3A_10, %get3A_11, %get3A_12] : memref<400x16x128xf32, #tpu.memory_space<vmem>>, vector<400x1x128xf32>
    %get3A_14 = vector.shape_cast %get3A_13 : vector<400x1x128xf32> to vector<400x128xf32>
    %dot_general3A = arith.constant dense<0.000000e+00> : vector<400x16xf32>
    %dot_general3A_15 = tpu.matmul %get3A_14, %get3A_4, %dot_general3A {dimension_numbers = #tpu.dot_dimension_numbers<[1], [0], [0], [1], [0, 0, 1, 1], [], []>, transpose_lhs_hint = false} : vector<400x128xf32>, vector<128x16xf32>, vector<400x16xf32> -> vector<400x16xf32>
    %sub3A = arith.subf %dot_general3A_15, %get3A_1 : vector<400x16xf32>
    %dot_general3A_16 = arith.constant dense<0.000000e+00> : vector<16x16xf32>
    %dot_general3A_17 = tpu.matmul %sub3A, %sub3A, %dot_general3A_16 {dimension_numbers = #tpu.dot_dimension_numbers<[0], [0], [1], [1], [0, 1, 1, 1], [], []>, transpose_lhs_hint = false} : vector<400x16xf32>, vector<400x16xf32>, vector<16x16xf32> -> vector<16x16xf32>
    %add3A = arith.addf %broadcast_in_dim3A_7, %dot_general3A_17 : vector<16x16xf32>
    %reduce_sum3A = arith.constant dense<0.000000e+00> : vector<16xf32>
    %reduce_sum3A_18 = vector.multi_reduction <add>, %sub3A, %reduce_sum3A [0] : vector<400x16xf32> to vector<16xf32>
    %broadcast_in_dim3A_19 = vector.shape_cast %reduce_sum3A_18 : vector<16xf32> to vector<1x16xf32>
    %add3A_20 = arith.addf %broadcast_in_dim3A_9, %broadcast_in_dim3A_19 : vector<1x16xf32>
    %get3A_21 = arith.constant 0 : index
    %get3A_22 = arith.constant 1 : index
    %get3A_23 = arith.constant 0 : index
    %get3A_24 = vector.load %arg1[%get3A_21, %get3A_22, %get3A_23] : memref<400x16x128xf32, #tpu.memory_space<vmem>>, vector<400x1x128xf32>
    %get3A_25 = vector.shape_cast %get3A_24 : vector<400x1x128xf32> to vector<400x128xf32>
    %dot_general3A_26 = arith.constant dense<0.000000e+00> : vector<400x16xf32>
    %dot_general3A_27 = tpu.matmul %get3A_25, %get3A_4, %dot_general3A_26 {dimension_numbers = #tpu.dot_dimension_numbers<[1], [0], [0], [1], [0, 0, 1, 1], [], []>, transpose_lhs_hint = false} : vector<400x128xf32>, vector<128x16xf32>, vector<400x16xf32> -> vector<400x16xf32>
    %sub3A_28 = arith.subf %dot_general3A_27, %get3A_1 : vector<400x16xf32>
    %dot_general3A_29 = arith.constant dense<0.000000e+00> : vector<16x16xf32>
    %dot_general3A_30 = tpu.matmul %sub3A_28, %sub3A_28, %dot_general3A_29 {dimension_numbers = #tpu.dot_dimension_numbers<[0], [0], [1], [1], [0, 1, 1, 1], [], []>, transpose_lhs_hint = false} : vector<400x16xf32>, vector<400x16xf32>, vector<16x16xf32> -> vector<16x16xf32>
    %add3A_31 = arith.addf %add3A, %dot_general3A_30 : vector<16x16xf32>
    %reduce_sum3A_32 = arith.constant dense<0.000000e+00> : vector<16xf32>
    %reduce_sum3A_33 = vector.multi_reduction <add>, %sub3A_28, %reduce_sum3A_32 [0] : vector<400x16xf32> to vector<16xf32>
    %broadcast_in_dim3A_34 = vector.shape_cast %reduce_sum3A_33 : vector<16xf32> to vector<1x16xf32>
    %add3A_35 = arith.addf %add3A_20, %broadcast_in_dim3A_34 : vector<1x16xf32>
    %get3A_36 = arith.constant 0 : index
    %get3A_37 = arith.constant 2 : index
    %get3A_38 = arith.constant 0 : index
    %get3A_39 = vector.load %arg1[%get3A_36, %get3A_37, %get3A_38] : memref<400x16x128xf32, #tpu.memory_space<vmem>>, vector<400x1x128xf32>
    %get3A_40 = vector.shape_cast %get3A_39 : vector<400x1x128xf32> to vector<400x128xf32>
    %dot_general3A_41 = arith.constant dense<0.000000e+00> : vector<400x16xf32>
    %dot_general3A_42 = tpu.matmul %get3A_40, %get3A_4, %dot_general3A_41 {dimension_numbers = #tpu.dot_dimension_numbers<[1], [0], [0], [1], [0, 0, 1, 1], [], []>, transpose_lhs_hint = false} : vector<400x128xf32>, vector<128x16xf32>, vector<400x16xf32> -> vector<400x16xf32>
    %sub3A_43 = arith.subf %dot_general3A_42, %get3A_1 : vector<400x16xf32>
    %dot_general3A_44 = arith.constant dense<0.000000e+00> : vector<16x16xf32>
    %dot_general3A_45 = tpu.matmul %sub3A_43, %sub3A_43, %dot_general3A_44 {dimension_numbers = #tpu.dot_dimension_numbers<[0], [0], [1], [1], [0, 1, 1, 1], [], []>, transpose_lhs_hint = false} : vector<400x16xf32>, vector<400x16xf32>, vector<16x16xf32> -> vector<16x16xf32>
    %add3A_46 = arith.addf %add3A_31, %dot_general3A_45 : vector<16x16xf32>
    %reduce_sum3A_47 = arith.constant dense<0.000000e+00> : vector<16xf32>
    %reduce_sum3A_48 = vector.multi_reduction <add>, %sub3A_43, %reduce_sum3A_47 [0] : vector<400x16xf32> to vector<16xf32>
    %broadcast_in_dim3A_49 = vector.shape_cast %reduce_sum3A_48 : vector<16xf32> to vector<1x16xf32>
    %add3A_50 = arith.addf %add3A_35, %broadcast_in_dim3A_49 : vector<1x16xf32>
    %get3A_51 = arith.constant 0 : index
    %get3A_52 = arith.constant 3 : index
    %get3A_53 = arith.constant 0 : index
    %get3A_54 = vector.load %arg1[%get3A_51, %get3A_52, %get3A_53] : memref<400x16x128xf32, #tpu.memory_space<vmem>>, vector<400x1x128xf32>
    %get3A_55 = vector.shape_cast %get3A_54 : vector<400x1x128xf32> to vector<400x128xf32>
    %dot_general3A_56 = arith.constant dense<0.000000e+00> : vector<400x16xf32>
    %dot_general3A_57 = tpu.matmul %get3A_55, %get3A_4, %dot_general3A_56 {dimension_numbers = #tpu.dot_dimension_numbers<[1], [0], [0], [1], [0, 0, 1, 1], [], []>, transpose_lhs_hint = false} : vector<400x128xf32>, vector<128x16xf32>, vector<400x16xf32> -> vector<400x16xf32>
    %sub3A_58 = arith.subf %dot_general3A_57, %get3A_1 : vector<400x16xf32>
    %dot_general3A_59 = arith.constant dense<0.000000e+00> : vector<16x16xf32>
    %dot_general3A_60 = tpu.matmul %sub3A_58, %sub3A_58, %dot_general3A_59 {dimension_numbers = #tpu.dot_dimension_numbers<[0], [0], [1], [1], [0, 1, 1, 1], [], []>, transpose_lhs_hint = false} : vector<400x16xf32>, vector<400x16xf32>, vector<16x16xf32> -> vector<16x16xf32>
    %add3A_61 = arith.addf %add3A_46, %dot_general3A_60 : vector<16x16xf32>
    %reduce_sum3A_62 = arith.constant dense<0.000000e+00> : vector<16xf32>
    %reduce_sum3A_63 = vector.multi_reduction <add>, %sub3A_58, %reduce_sum3A_62 [0] : vector<400x16xf32> to vector<16xf32>
    %broadcast_in_dim3A_64 = vector.shape_cast %reduce_sum3A_63 : vector<16xf32> to vector<1x16xf32>
    %add3A_65 = arith.addf %add3A_50, %broadcast_in_dim3A_64 : vector<1x16xf32>
    %get3A_66 = arith.constant 0 : index
    %get3A_67 = arith.constant 4 : index
    %get3A_68 = arith.constant 0 : index
    %get3A_69 = vector.load %arg1[%get3A_66, %get3A_67, %get3A_68] : memref<400x16x128xf32, #tpu.memory_space<vmem>>, vector<400x1x128xf32>
    %get3A_70 = vector.shape_cast %get3A_69 : vector<400x1x128xf32> to vector<400x128xf32>
    %dot_general3A_71 = arith.constant dense<0.000000e+00> : vector<400x16xf32>
    %dot_general3A_72 = tpu.matmul %get3A_70, %get3A_4, %dot_general3A_71 {dimension_numbers = #tpu.dot_dimension_numbers<[1], [0], [0], [1], [0, 0, 1, 1], [], []>, transpose_lhs_hint = false} : vector<400x128xf32>, vector<128x16xf32>, vector<400x16xf32> -> vector<400x16xf32>
    %sub3A_73 = arith.subf %dot_general3A_72, %get3A_1 : vector<400x16xf32>
    %dot_general3A_74 = arith.constant dense<0.000000e+00> : vector<16x16xf32>
    %dot_general3A_75 = tpu.matmul %sub3A_73, %sub3A_73, %dot_general3A_74 {dimension_numbers = #tpu.dot_dimension_numbers<[0], [0], [1], [1], [0, 1, 1, 1], [], []>, transpose_lhs_hint = false} : vector<400x16xf32>, vector<400x16xf32>, vector<16x16xf32> -> vector<16x16xf32>
    %add3A_76 = arith.addf %add3A_61, %dot_general3A_75 : vector<16x16xf32>
    %reduce_sum3A_77 = arith.constant dense<0.000000e+00> : vector<16xf32>
    %reduce_sum3A_78 = vector.multi_reduction <add>, %sub3A_73, %reduce_sum3A_77 [0] : vector<400x16xf32> to vector<16xf32>
    %broadcast_in_dim3A_79 = vector.shape_cast %reduce_sum3A_78 : vector<16xf32> to vector<1x16xf32>
    %add3A_80 = arith.addf %add3A_65, %broadcast_in_dim3A_79 : vector<1x16xf32>
    %get3A_81 = arith.constant 0 : index
    %get3A_82 = arith.constant 5 : index
    %get3A_83 = arith.constant 0 : index
    %get3A_84 = vector.load %arg1[%get3A_81, %get3A_82, %get3A_83] : memref<400x16x128xf32, #tpu.memory_space<vmem>>, vector<400x1x128xf32>
    %get3A_85 = vector.shape_cast %get3A_84 : vector<400x1x128xf32> to vector<400x128xf32>
    %dot_general3A_86 = arith.constant dense<0.000000e+00> : vector<400x16xf32>
    %dot_general3A_87 = tpu.matmul %get3A_85, %get3A_4, %dot_general3A_86 {dimension_numbers = #tpu.dot_dimension_numbers<[1], [0], [0], [1], [0, 0, 1, 1], [], []>, transpose_lhs_hint = false} : vector<400x128xf32>, vector<128x16xf32>, vector<400x16xf32> -> vector<400x16xf32>
    %sub3A_88 = arith.subf %dot_general3A_87, %get3A_1 : vector<400x16xf32>
    %dot_general3A_89 = arith.constant dense<0.000000e+00> : vector<16x16xf32>
    %dot_general3A_90 = tpu.matmul %sub3A_88, %sub3A_88, %dot_general3A_89 {dimension_numbers = #tpu.dot_dimension_numbers<[0], [0], [1], [1], [0, 1, 1, 1], [], []>, transpose_lhs_hint = false} : vector<400x16xf32>, vector<400x16xf32>, vector<16x16xf32> -> vector<16x16xf32>
    %add3A_91 = arith.addf %add3A_76, %dot_general3A_90 : vector<16x16xf32>
    %reduce_sum3A_92 = arith.constant dense<0.000000e+00> : vector<16xf32>
    %reduce_sum3A_93 = vector.multi_reduction <add>, %sub3A_88, %reduce_sum3A_92 [0] : vector<400x16xf32> to vector<16xf32>
    %broadcast_in_dim3A_94 = vector.shape_cast %reduce_sum3A_93 : vector<16xf32> to vector<1x16xf32>
    %add3A_95 = arith.addf %add3A_80, %broadcast_in_dim3A_94 : vector<1x16xf32>
    %get3A_96 = arith.constant 0 : index
    %get3A_97 = arith.constant 6 : index
    %get3A_98 = arith.constant 0 : index
    %get3A_99 = vector.load %arg1[%get3A_96, %get3A_97, %get3A_98] : memref<400x16x128xf32, #tpu.memory_space<vmem>>, vector<400x1x128xf32>
    %get3A_100 = vector.shape_cast %get3A_99 : vector<400x1x128xf32> to vector<400x128xf32>
    %dot_general3A_101 = arith.constant dense<0.000000e+00> : vector<400x16xf32>
    %dot_general3A_102 = tpu.matmul %get3A_100, %get3A_4, %dot_general3A_101 {dimension_numbers = #tpu.dot_dimension_numbers<[1], [0], [0], [1], [0, 0, 1, 1], [], []>, transpose_lhs_hint = false} : vector<400x128xf32>, vector<128x16xf32>, vector<400x16xf32> -> vector<400x16xf32>
    %sub3A_103 = arith.subf %dot_general3A_102, %get3A_1 : vector<400x16xf32>
    %dot_general3A_104 = arith.constant dense<0.000000e+00> : vector<16x16xf32>
    %dot_general3A_105 = tpu.matmul %sub3A_103, %sub3A_103, %dot_general3A_104 {dimension_numbers = #tpu.dot_dimension_numbers<[0], [0], [1], [1], [0, 1, 1, 1], [], []>, transpose_lhs_hint = false} : vector<400x16xf32>, vector<400x16xf32>, vector<16x16xf32> -> vector<16x16xf32>
    %add3A_106 = arith.addf %add3A_91, %dot_general3A_105 : vector<16x16xf32>
    %reduce_sum3A_107 = arith.constant dense<0.000000e+00> : vector<16xf32>
    %reduce_sum3A_108 = vector.multi_reduction <add>, %sub3A_103, %reduce_sum3A_107 [0] : vector<400x16xf32> to vector<16xf32>
    %broadcast_in_dim3A_109 = vector.shape_cast %reduce_sum3A_108 : vector<16xf32> to vector<1x16xf32>
    %add3A_110 = arith.addf %add3A_95, %broadcast_in_dim3A_109 : vector<1x16xf32>
    %get3A_111 = arith.constant 0 : index
    %get3A_112 = arith.constant 7 : index
    %get3A_113 = arith.constant 0 : index
    %get3A_114 = vector.load %arg1[%get3A_111, %get3A_112, %get3A_113] : memref<400x16x128xf32, #tpu.memory_space<vmem>>, vector<400x1x128xf32>
    %get3A_115 = vector.shape_cast %get3A_114 : vector<400x1x128xf32> to vector<400x128xf32>
    %dot_general3A_116 = arith.constant dense<0.000000e+00> : vector<400x16xf32>
    %dot_general3A_117 = tpu.matmul %get3A_115, %get3A_4, %dot_general3A_116 {dimension_numbers = #tpu.dot_dimension_numbers<[1], [0], [0], [1], [0, 0, 1, 1], [], []>, transpose_lhs_hint = false} : vector<400x128xf32>, vector<128x16xf32>, vector<400x16xf32> -> vector<400x16xf32>
    %sub3A_118 = arith.subf %dot_general3A_117, %get3A_1 : vector<400x16xf32>
    %dot_general3A_119 = arith.constant dense<0.000000e+00> : vector<16x16xf32>
    %dot_general3A_120 = tpu.matmul %sub3A_118, %sub3A_118, %dot_general3A_119 {dimension_numbers = #tpu.dot_dimension_numbers<[0], [0], [1], [1], [0, 1, 1, 1], [], []>, transpose_lhs_hint = false} : vector<400x16xf32>, vector<400x16xf32>, vector<16x16xf32> -> vector<16x16xf32>
    %add3A_121 = arith.addf %add3A_106, %dot_general3A_120 : vector<16x16xf32>
    %reduce_sum3A_122 = arith.constant dense<0.000000e+00> : vector<16xf32>
    %reduce_sum3A_123 = vector.multi_reduction <add>, %sub3A_118, %reduce_sum3A_122 [0] : vector<400x16xf32> to vector<16xf32>
    %broadcast_in_dim3A_124 = vector.shape_cast %reduce_sum3A_123 : vector<16xf32> to vector<1x16xf32>
    %add3A_125 = arith.addf %add3A_110, %broadcast_in_dim3A_124 : vector<1x16xf32>
    %get3A_126 = arith.constant 0 : index
    %get3A_127 = arith.constant 8 : index
    %get3A_128 = arith.constant 0 : index
    %get3A_129 = vector.load %arg1[%get3A_126, %get3A_127, %get3A_128] : memref<400x16x128xf32, #tpu.memory_space<vmem>>, vector<400x1x128xf32>
    %get3A_130 = vector.shape_cast %get3A_129 : vector<400x1x128xf32> to vector<400x128xf32>
    %dot_general3A_131 = arith.constant dense<0.000000e+00> : vector<400x16xf32>
    %dot_general3A_132 = tpu.matmul %get3A_130, %get3A_4, %dot_general3A_131 {dimension_numbers = #tpu.dot_dimension_numbers<[1], [0], [0], [1], [0, 0, 1, 1], [], []>, transpose_lhs_hint = false} : vector<400x128xf32>, vector<128x16xf32>, vector<400x16xf32> -> vector<400x16xf32>
    %sub3A_133 = arith.subf %dot_general3A_132, %get3A_1 : vector<400x16xf32>
    %dot_general3A_134 = arith.constant dense<0.000000e+00> : vector<16x16xf32>
    %dot_general3A_135 = tpu.matmul %sub3A_133, %sub3A_133, %dot_general3A_134 {dimension_numbers = #tpu.dot_dimension_numbers<[0], [0], [1], [1], [0, 1, 1, 1], [], []>, transpose_lhs_hint = false} : vector<400x16xf32>, vector<400x16xf32>, vector<16x16xf32> -> vector<16x16xf32>
    %add3A_136 = arith.addf %add3A_121, %dot_general3A_135 : vector<16x16xf32>
    %reduce_sum3A_137 = arith.constant dense<0.000000e+00> : vector<16xf32>
    %reduce_sum3A_138 = vector.multi_reduction <add>, %sub3A_133, %reduce_sum3A_137 [0] : vector<400x16xf32> to vector<16xf32>
    %broadcast_in_dim3A_139 = vector.shape_cast %reduce_sum3A_138 : vector<16xf32> to vector<1x16xf32>
    %add3A_140 = arith.addf %add3A_125, %broadcast_in_dim3A_139 : vector<1x16xf32>
    %get3A_141 = arith.constant 0 : index
    %get3A_142 = arith.constant 9 : index
    %get3A_143 = arith.constant 0 : index
    %get3A_144 = vector.load %arg1[%get3A_141, %get3A_142, %get3A_143] : memref<400x16x128xf32, #tpu.memory_space<vmem>>, vector<400x1x128xf32>
    %get3A_145 = vector.shape_cast %get3A_144 : vector<400x1x128xf32> to vector<400x128xf32>
    %dot_general3A_146 = arith.constant dense<0.000000e+00> : vector<400x16xf32>
    %dot_general3A_147 = tpu.matmul %get3A_145, %get3A_4, %dot_general3A_146 {dimension_numbers = #tpu.dot_dimension_numbers<[1], [0], [0], [1], [0, 0, 1, 1], [], []>, transpose_lhs_hint = false} : vector<400x128xf32>, vector<128x16xf32>, vector<400x16xf32> -> vector<400x16xf32>
    %sub3A_148 = arith.subf %dot_general3A_147, %get3A_1 : vector<400x16xf32>
    %dot_general3A_149 = arith.constant dense<0.000000e+00> : vector<16x16xf32>
    %dot_general3A_150 = tpu.matmul %sub3A_148, %sub3A_148, %dot_general3A_149 {dimension_numbers = #tpu.dot_dimension_numbers<[0], [0], [1], [1], [0, 1, 1, 1], [], []>, transpose_lhs_hint = false} : vector<400x16xf32>, vector<400x16xf32>, vector<16x16xf32> -> vector<16x16xf32>
    %add3A_151 = arith.addf %add3A_136, %dot_general3A_150 : vector<16x16xf32>
    %reduce_sum3A_152 = arith.constant dense<0.000000e+00> : vector<16xf32>
    %reduce_sum3A_153 = vector.multi_reduction <add>, %sub3A_148, %reduce_sum3A_152 [0] : vector<400x16xf32> to vector<16xf32>
    %broadcast_in_dim3A_154 = vector.shape_cast %reduce_sum3A_153 : vector<16xf32> to vector<1x16xf32>
    %add3A_155 = arith.addf %add3A_140, %broadcast_in_dim3A_154 : vector<1x16xf32>
    %get3A_156 = arith.constant 0 : index
    %get3A_157 = arith.constant 10 : index
    %get3A_158 = arith.constant 0 : index
    %get3A_159 = vector.load %arg1[%get3A_156, %get3A_157, %get3A_158] : memref<400x16x128xf32, #tpu.memory_space<vmem>>, vector<400x1x128xf32>
    %get3A_160 = vector.shape_cast %get3A_159 : vector<400x1x128xf32> to vector<400x128xf32>
    %dot_general3A_161 = arith.constant dense<0.000000e+00> : vector<400x16xf32>
    %dot_general3A_162 = tpu.matmul %get3A_160, %get3A_4, %dot_general3A_161 {dimension_numbers = #tpu.dot_dimension_numbers<[1], [0], [0], [1], [0, 0, 1, 1], [], []>, transpose_lhs_hint = false} : vector<400x128xf32>, vector<128x16xf32>, vector<400x16xf32> -> vector<400x16xf32>
    %sub3A_163 = arith.subf %dot_general3A_162, %get3A_1 : vector<400x16xf32>
    %dot_general3A_164 = arith.constant dense<0.000000e+00> : vector<16x16xf32>
    %dot_general3A_165 = tpu.matmul %sub3A_163, %sub3A_163, %dot_general3A_164 {dimension_numbers = #tpu.dot_dimension_numbers<[0], [0], [1], [1], [0, 1, 1, 1], [], []>, transpose_lhs_hint = false} : vector<400x16xf32>, vector<400x16xf32>, vector<16x16xf32> -> vector<16x16xf32>
    %add3A_166 = arith.addf %add3A_151, %dot_general3A_165 : vector<16x16xf32>
    %reduce_sum3A_167 = arith.constant dense<0.000000e+00> : vector<16xf32>
    %reduce_sum3A_168 = vector.multi_reduction <add>, %sub3A_163, %reduce_sum3A_167 [0] : vector<400x16xf32> to vector<16xf32>
    %broadcast_in_dim3A_169 = vector.shape_cast %reduce_sum3A_168 : vector<16xf32> to vector<1x16xf32>
    %add3A_170 = arith.addf %add3A_155, %broadcast_in_dim3A_169 : vector<1x16xf32>
    %get3A_171 = arith.constant 0 : index
    %get3A_172 = arith.constant 11 : index
    %get3A_173 = arith.constant 0 : index
    %get3A_174 = vector.load %arg1[%get3A_171, %get3A_172, %get3A_173] : memref<400x16x128xf32, #tpu.memory_space<vmem>>, vector<400x1x128xf32>
    %get3A_175 = vector.shape_cast %get3A_174 : vector<400x1x128xf32> to vector<400x128xf32>
    %dot_general3A_176 = arith.constant dense<0.000000e+00> : vector<400x16xf32>
    %dot_general3A_177 = tpu.matmul %get3A_175, %get3A_4, %dot_general3A_176 {dimension_numbers = #tpu.dot_dimension_numbers<[1], [0], [0], [1], [0, 0, 1, 1], [], []>, transpose_lhs_hint = false} : vector<400x128xf32>, vector<128x16xf32>, vector<400x16xf32> -> vector<400x16xf32>
    %sub3A_178 = arith.subf %dot_general3A_177, %get3A_1 : vector<400x16xf32>
    %dot_general3A_179 = arith.constant dense<0.000000e+00> : vector<16x16xf32>
    %dot_general3A_180 = tpu.matmul %sub3A_178, %sub3A_178, %dot_general3A_179 {dimension_numbers = #tpu.dot_dimension_numbers<[0], [0], [1], [1], [0, 1, 1, 1], [], []>, transpose_lhs_hint = false} : vector<400x16xf32>, vector<400x16xf32>, vector<16x16xf32> -> vector<16x16xf32>
    %add3A_181 = arith.addf %add3A_166, %dot_general3A_180 : vector<16x16xf32>
    %reduce_sum3A_182 = arith.constant dense<0.000000e+00> : vector<16xf32>
    %reduce_sum3A_183 = vector.multi_reduction <add>, %sub3A_178, %reduce_sum3A_182 [0] : vector<400x16xf32> to vector<16xf32>
    %broadcast_in_dim3A_184 = vector.shape_cast %reduce_sum3A_183 : vector<16xf32> to vector<1x16xf32>
    %add3A_185 = arith.addf %add3A_170, %broadcast_in_dim3A_184 : vector<1x16xf32>
    %get3A_186 = arith.constant 0 : index
    %get3A_187 = arith.constant 12 : index
    %get3A_188 = arith.constant 0 : index
    %get3A_189 = vector.load %arg1[%get3A_186, %get3A_187, %get3A_188] : memref<400x16x128xf32, #tpu.memory_space<vmem>>, vector<400x1x128xf32>
    %get3A_190 = vector.shape_cast %get3A_189 : vector<400x1x128xf32> to vector<400x128xf32>
    %dot_general3A_191 = arith.constant dense<0.000000e+00> : vector<400x16xf32>
    %dot_general3A_192 = tpu.matmul %get3A_190, %get3A_4, %dot_general3A_191 {dimension_numbers = #tpu.dot_dimension_numbers<[1], [0], [0], [1], [0, 0, 1, 1], [], []>, transpose_lhs_hint = false} : vector<400x128xf32>, vector<128x16xf32>, vector<400x16xf32> -> vector<400x16xf32>
    %sub3A_193 = arith.subf %dot_general3A_192, %get3A_1 : vector<400x16xf32>
    %dot_general3A_194 = arith.constant dense<0.000000e+00> : vector<16x16xf32>
    %dot_general3A_195 = tpu.matmul %sub3A_193, %sub3A_193, %dot_general3A_194 {dimension_numbers = #tpu.dot_dimension_numbers<[0], [0], [1], [1], [0, 1, 1, 1], [], []>, transpose_lhs_hint = false} : vector<400x16xf32>, vector<400x16xf32>, vector<16x16xf32> -> vector<16x16xf32>
    %add3A_196 = arith.addf %add3A_181, %dot_general3A_195 : vector<16x16xf32>
    %reduce_sum3A_197 = arith.constant dense<0.000000e+00> : vector<16xf32>
    %reduce_sum3A_198 = vector.multi_reduction <add>, %sub3A_193, %reduce_sum3A_197 [0] : vector<400x16xf32> to vector<16xf32>
    %broadcast_in_dim3A_199 = vector.shape_cast %reduce_sum3A_198 : vector<16xf32> to vector<1x16xf32>
    %add3A_200 = arith.addf %add3A_185, %broadcast_in_dim3A_199 : vector<1x16xf32>
    %get3A_201 = arith.constant 0 : index
    %get3A_202 = arith.constant 13 : index
    %get3A_203 = arith.constant 0 : index
    %get3A_204 = vector.load %arg1[%get3A_201, %get3A_202, %get3A_203] : memref<400x16x128xf32, #tpu.memory_space<vmem>>, vector<400x1x128xf32>
    %get3A_205 = vector.shape_cast %get3A_204 : vector<400x1x128xf32> to vector<400x128xf32>
    %dot_general3A_206 = arith.constant dense<0.000000e+00> : vector<400x16xf32>
    %dot_general3A_207 = tpu.matmul %get3A_205, %get3A_4, %dot_general3A_206 {dimension_numbers = #tpu.dot_dimension_numbers<[1], [0], [0], [1], [0, 0, 1, 1], [], []>, transpose_lhs_hint = false} : vector<400x128xf32>, vector<128x16xf32>, vector<400x16xf32> -> vector<400x16xf32>
    %sub3A_208 = arith.subf %dot_general3A_207, %get3A_1 : vector<400x16xf32>
    %dot_general3A_209 = arith.constant dense<0.000000e+00> : vector<16x16xf32>
    %dot_general3A_210 = tpu.matmul %sub3A_208, %sub3A_208, %dot_general3A_209 {dimension_numbers = #tpu.dot_dimension_numbers<[0], [0], [1], [1], [0, 1, 1, 1], [], []>, transpose_lhs_hint = false} : vector<400x16xf32>, vector<400x16xf32>, vector<16x16xf32> -> vector<16x16xf32>
    %add3A_211 = arith.addf %add3A_196, %dot_general3A_210 : vector<16x16xf32>
    %reduce_sum3A_212 = arith.constant dense<0.000000e+00> : vector<16xf32>
    %reduce_sum3A_213 = vector.multi_reduction <add>, %sub3A_208, %reduce_sum3A_212 [0] : vector<400x16xf32> to vector<16xf32>
    %broadcast_in_dim3A_214 = vector.shape_cast %reduce_sum3A_213 : vector<16xf32> to vector<1x16xf32>
    %add3A_215 = arith.addf %add3A_200, %broadcast_in_dim3A_214 : vector<1x16xf32>
    %get3A_216 = arith.constant 0 : index
    %get3A_217 = arith.constant 14 : index
    %get3A_218 = arith.constant 0 : index
    %get3A_219 = vector.load %arg1[%get3A_216, %get3A_217, %get3A_218] : memref<400x16x128xf32, #tpu.memory_space<vmem>>, vector<400x1x128xf32>
    %get3A_220 = vector.shape_cast %get3A_219 : vector<400x1x128xf32> to vector<400x128xf32>
    %dot_general3A_221 = arith.constant dense<0.000000e+00> : vector<400x16xf32>
    %dot_general3A_222 = tpu.matmul %get3A_220, %get3A_4, %dot_general3A_221 {dimension_numbers = #tpu.dot_dimension_numbers<[1], [0], [0], [1], [0, 0, 1, 1], [], []>, transpose_lhs_hint = false} : vector<400x128xf32>, vector<128x16xf32>, vector<400x16xf32> -> vector<400x16xf32>
    %sub3A_223 = arith.subf %dot_general3A_222, %get3A_1 : vector<400x16xf32>
    %dot_general3A_224 = arith.constant dense<0.000000e+00> : vector<16x16xf32>
    %dot_general3A_225 = tpu.matmul %sub3A_223, %sub3A_223, %dot_general3A_224 {dimension_numbers = #tpu.dot_dimension_numbers<[0], [0], [1], [1], [0, 1, 1, 1], [], []>, transpose_lhs_hint = false} : vector<400x16xf32>, vector<400x16xf32>, vector<16x16xf32> -> vector<16x16xf32>
    %add3A_226 = arith.addf %add3A_211, %dot_general3A_225 : vector<16x16xf32>
    %reduce_sum3A_227 = arith.constant dense<0.000000e+00> : vector<16xf32>
    %reduce_sum3A_228 = vector.multi_reduction <add>, %sub3A_223, %reduce_sum3A_227 [0] : vector<400x16xf32> to vector<16xf32>
    %broadcast_in_dim3A_229 = vector.shape_cast %reduce_sum3A_228 : vector<16xf32> to vector<1x16xf32>
    %add3A_230 = arith.addf %add3A_215, %broadcast_in_dim3A_229 : vector<1x16xf32>
    %get3A_231 = arith.constant 0 : index
    %get3A_232 = arith.constant 15 : index
    %get3A_233 = arith.constant 0 : index
    %get3A_234 = vector.load %arg1[%get3A_231, %get3A_232, %get3A_233] : memref<400x16x128xf32, #tpu.memory_space<vmem>>, vector<400x1x128xf32>
    %get3A_235 = vector.shape_cast %get3A_234 : vector<400x1x128xf32> to vector<400x128xf32>
    %dot_general3A_236 = arith.constant dense<0.000000e+00> : vector<400x16xf32>
    %dot_general3A_237 = tpu.matmul %get3A_235, %get3A_4, %dot_general3A_236 {dimension_numbers = #tpu.dot_dimension_numbers<[1], [0], [0], [1], [0, 0, 1, 1], [], []>, transpose_lhs_hint = false} : vector<400x128xf32>, vector<128x16xf32>, vector<400x16xf32> -> vector<400x16xf32>
    %sub3A_238 = arith.subf %dot_general3A_237, %get3A_1 : vector<400x16xf32>
    %dot_general3A_239 = arith.constant dense<0.000000e+00> : vector<16x16xf32>
    %dot_general3A_240 = tpu.matmul %sub3A_238, %sub3A_238, %dot_general3A_239 {dimension_numbers = #tpu.dot_dimension_numbers<[0], [0], [1], [1], [0, 1, 1, 1], [], []>, transpose_lhs_hint = false} : vector<400x16xf32>, vector<400x16xf32>, vector<16x16xf32> -> vector<16x16xf32>
    %add3A_241 = arith.addf %add3A_226, %dot_general3A_240 : vector<16x16xf32>
    %reduce_sum3A_242 = arith.constant dense<0.000000e+00> : vector<16xf32>
    %reduce_sum3A_243 = vector.multi_reduction <add>, %sub3A_238, %reduce_sum3A_242 [0] : vector<400x16xf32> to vector<16xf32>
    %broadcast_in_dim3A_244 = vector.shape_cast %reduce_sum3A_243 : vector<16xf32> to vector<1x16xf32>
    %add3A_245 = arith.addf %add3A_230, %broadcast_in_dim3A_244 : vector<1x16xf32>
    %get3A_246 = arith.constant 0 : index
    %get3A_247 = arith.constant 0 : index
    %get3A_248 = vector.load %arg4[%get3A_246, %get3A_247] : memref<24x16xf32, #tpu.memory_space<vmem>>, vector<16x16xf32>
    %add3A_249 = arith.addf %get3A_248, %add3A_241 : vector<16x16xf32>
    %swap3A = arith.constant 0 : index
    %swap3A_250 = arith.constant 0 : index
    %swap3A_251 = vector.load %arg4[%swap3A, %swap3A_250] : memref<24x16xf32, #tpu.memory_space<vmem>>, vector<16x16xf32>
    tpu.vector_store %arg4[%swap3A, %swap3A_250], %add3A_249 {strides = array<i32>} : memref<24x16xf32, #tpu.memory_space<vmem>>, vector<16x16xf32>,
    %get3A_252 = arith.constant 16 : index
    %get3A_253 = arith.constant 0 : index
    %get3A_254 = vector.load %arg4[%get3A_252, %get3A_253] : memref<24x16xf32, #tpu.memory_space<vmem>>, vector<1x16xf32>
    %add3A_255 = arith.addf %get3A_254, %add3A_245 : vector<1x16xf32>
    %swap3A_256 = arith.constant 16 : index
    %swap3A_257 = arith.constant 0 : index
    %swap3A_258 = vector.load %arg4[%swap3A_256, %swap3A_257] : memref<24x16xf32, #tpu.memory_space<vmem>>, vector<1x16xf32>
    tpu.vector_store %arg4[%swap3A_256, %swap3A_257], %add3A_255 {strides = array<i32>} : memref<24x16xf32, #tpu.memory_space<vmem>>, vector<1x16xf32>,
    return
  }
  func.func @transform_0(%arg0: i32) -> (i32, i32, i32) {
    %c0_i32 = arith.constant 0 : i32
    %c0_i32_0 = arith.constant 0 : i32
    %c0_i32_1 = arith.constant 0 : i32
    return %arg0, %c0_i32, %c0_i32_0 : i32, i32, i32
  }
  func.func @transform_1(%arg0: i32) -> (i32, i32) {
    %c0_i32 = arith.constant 0 : i32
    %c0_i32_0 = arith.constant 0 : i32
    return %arg0, %c0_i32 : i32, i32
  }
  func.func @transform_2(%arg0: i32) -> (i32, i32) {
    %c0_i32 = arith.constant 0 : i32
    %c0_i32_0 = arith.constant 0 : i32
    %c0_i32_1 = arith.constant 0 : i32
    return %c0_i32, %c0_i32_0 : i32, i32
  }
  func.func @transform_3(%arg0: i32) -> (i32, i32) {
    %c0_i32 = arith.constant 0 : i32
    %c0_i32_0 = arith.constant 0 : i32
    %c0_i32_1 = arith.constant 0 : i32
    return %c0_i32, %c0_i32_0 : i32, i32
  }
}

module attributes {stable_mosaic.version = 14 : i64} {
  func.func @_p4_body(%arg0: i32, %arg1: memref<400x16x128xf32, #tpu.memory_space<vmem>>, %arg2: memref<400x16xf32, #tpu.memory_space<vmem>>, %arg3: memref<400x16xf32, #tpu.memory_space<vmem>>, %arg4: memref<24x16xf32, #tpu.memory_space<vmem>>, %arg5: memref<128x16xf32, #tpu.memory_space<vmem>>, %arg6: memref<128x16xf32, #tpu.memory_space<vmem>>, %arg7: memref<16x256xf32, #tpu.memory_space<vmem>>, %arg8: memref<1x256xf32, #tpu.memory_space<vmem>>, %arg9: memref<1x256xf32, #tpu.memory_space<vmem>>, %arg10: memref<1x256xf32, #tpu.memory_space<vmem>>, %arg11: memref<256x256xf32, #tpu.memory_space<vmem>>, %arg12: memref<256x16xf32, #tpu.memory_space<vmem>>, %arg13: memref<1x256xf32, #tpu.memory_space<vmem>>, %arg14: memref<1x16xf32, #tpu.memory_space<vmem>>, %arg15: memref<400x16x16xf32, #tpu.memory_space<vmem>>, %arg16: memref<8x16xf32, #tpu.memory_space<vmem>>) attributes {dimension_semantics = [#tpu.dimension_semantics<arbitrary>], iteration_bounds = array<i64: 25>, scalar_prefetch = 0 : i64, scratch_operands = 0 : i64, tpu.core_type = #tpu.core_type<tc>, window_params = [{transform_indices = @transform_0, window_bounds = array<i64: 400, 16, 128>}, {transform_indices = @transform_1, window_bounds = array<i64: 400, 16>}, {transform_indices = @transform_2, window_bounds = array<i64: 400, 16>}, {pipeline_mode = #tpu.pipeline_mode<synchronous>, transform_indices = @transform_3, window_bounds = array<i64: 24, 16>}, {pipeline_mode = #tpu.pipeline_mode<synchronous>, transform_indices = @transform_4, window_bounds = array<i64: 128, 16>}, {pipeline_mode = #tpu.pipeline_mode<synchronous>, transform_indices = @transform_5, window_bounds = array<i64: 128, 16>}, {pipeline_mode = #tpu.pipeline_mode<synchronous>, transform_indices = @transform_6, window_bounds = array<i64: 16, 256>}, {pipeline_mode = #tpu.pipeline_mode<synchronous>, transform_indices = @transform_7, window_bounds = array<i64: 1, 256>}, {pipeline_mode = #tpu.pipeline_mode<synchronous>, transform_indices = @transform_8, window_bounds = array<i64: 1, 256>}, {pipeline_mode = #tpu.pipeline_mode<synchronous>, transform_indices = @transform_9, window_bounds = array<i64: 1, 256>}, {pipeline_mode = #tpu.pipeline_mode<synchronous>, transform_indices = @transform_10, window_bounds = array<i64: 256, 256>}, {pipeline_mode = #tpu.pipeline_mode<synchronous>, transform_indices = @transform_11, window_bounds = array<i64: 256, 16>}, {pipeline_mode = #tpu.pipeline_mode<synchronous>, transform_indices = @transform_12, window_bounds = array<i64: 1, 256>}, {pipeline_mode = #tpu.pipeline_mode<synchronous>, transform_indices = @transform_13, window_bounds = array<i64: 1, 16>}, {transform_indices = @transform_14, window_bounds = array<i64: 400, 16, 16>}, {pipeline_mode = #tpu.pipeline_mode<synchronous>, transform_indices = @transform_15, window_bounds = array<i64: 8, 16>}]} {
    %get3A = arith.constant 0 : index
    %get3A_0 = arith.constant 0 : index
    %get3A_1 = vector.load %arg4[%get3A, %get3A_0] : memref<24x16xf32, #tpu.memory_space<vmem>>, vector<24x16xf32>
    %get3A_2 = arith.constant 0 : index
    %get3A_3 = arith.constant 0 : index
    %get3A_4 = vector.load %arg7[%get3A_2, %get3A_3] : memref<16x256xf32, #tpu.memory_space<vmem>>, vector<16x256xf32>
    %get3A_5 = arith.constant 0 : index
    %get3A_6 = arith.constant 0 : index
    %get3A_7 = vector.load %arg8[%get3A_5, %get3A_6] : memref<1x256xf32, #tpu.memory_space<vmem>>, vector<1x256xf32>
    %get3A_8 = arith.constant 0 : index
    %get3A_9 = arith.constant 0 : index
    %get3A_10 = vector.load %arg9[%get3A_8, %get3A_9] : memref<1x256xf32, #tpu.memory_space<vmem>>, vector<1x256xf32>
    %get3A_11 = arith.constant 0 : index
    %get3A_12 = arith.constant 0 : index
    %get3A_13 = vector.load %arg10[%get3A_11, %get3A_12] : memref<1x256xf32, #tpu.memory_space<vmem>>, vector<1x256xf32>
    %slice3A = vector.extract_strided_slice %get3A_1 {offsets = [0, 0], sizes = [16, 16], strides = [1, 1]} : vector<24x16xf32> to vector<16x16xf32>
    %div3A = arith.constant 1.600000e+05 : f32
    %div3A_14 = vector.broadcast %div3A : f32 to vector<16x16xf32>
    %div3A_15 = arith.divf %slice3A, %div3A_14 : vector<16x16xf32>
    %slice3A_16 = vector.extract_strided_slice %get3A_1 {offsets = [16, 0], sizes = [1, 16], strides = [1, 1]} : vector<24x16xf32> to vector<1x16xf32>
    %div3A_17 = arith.constant 1.600000e+05 : f32
    %div3A_18 = vector.broadcast %div3A_17 : f32 to vector<1x16xf32>
    %div3A_19 = arith.divf %slice3A_16, %div3A_18 : vector<1x16xf32>
    %dot_general3A = arith.constant dense<0.000000e+00> : vector<16x256xf32>
    %dot_general3A_20 = tpu.matmul %div3A_15, %get3A_4, %dot_general3A {dimension_numbers = #tpu.dot_dimension_numbers<[1], [0], [0], [1], [0, 0, 1, 1], [], []>, transpose_lhs_hint = false} : vector<16x16xf32>, vector<16x256xf32>, vector<16x256xf32> -> vector<16x256xf32>
    %mul3A = arith.mulf %get3A_4, %dot_general3A_20 : vector<16x256xf32>
    %reduce_sum3A = arith.constant dense<0.000000e+00> : vector<256xf32>
    %reduce_sum3A_21 = vector.multi_reduction <add>, %mul3A, %reduce_sum3A [0] : vector<16x256xf32> to vector<256xf32>
    %broadcast_in_dim3A = vector.shape_cast %reduce_sum3A_21 : vector<256xf32> to vector<1x256xf32>
    %dot_general3A_22 = arith.constant dense<0.000000e+00> : vector<1x256xf32>
    %dot_general3A_23 = tpu.matmul %div3A_19, %get3A_4, %dot_general3A_22 {dimension_numbers = #tpu.dot_dimension_numbers<[1], [0], [0], [1], [0, 0, 1, 1], [], []>, transpose_lhs_hint = false} : vector<1x16xf32>, vector<16x256xf32>, vector<1x256xf32> -> vector<1x256xf32>
    %mul3A_24 = arith.mulf %dot_general3A_23, %dot_general3A_23 : vector<1x256xf32>
    %sub3A = arith.subf %broadcast_in_dim3A, %mul3A_24 : vector<1x256xf32>
    %add3A = arith.addf %dot_general3A_23, %get3A_7 : vector<1x256xf32>
    %add3A_25 = arith.constant 9.99999974E-6 : f32
    %add3A_26 = vector.broadcast %add3A_25 : f32 to vector<1x256xf32>
    %add3A_27 = arith.addf %sub3A, %add3A_26 : vector<1x256xf32>
    %rsqrt3A = math.rsqrt %add3A_27 : vector<1x256xf32>
    %mul3A_28 = arith.mulf %get3A_10, %rsqrt3A : vector<1x256xf32>
    %mul3A_29 = arith.mulf %add3A, %mul3A_28 : vector<1x256xf32>
    %sub3A_30 = arith.subf %get3A_13, %mul3A_29 : vector<1x256xf32>
    %get3A_31 = arith.constant 0 : index
    %get3A_32 = arith.constant 0 : index
    %get3A_33 = vector.load %arg11[%get3A_31, %get3A_32] : memref<256x256xf32, #tpu.memory_space<vmem>>, vector<256x256xf32>
    %get3A_34 = arith.constant 0 : index
    %get3A_35 = arith.constant 0 : index
    %get3A_36 = vector.load %arg12[%get3A_34, %get3A_35] : memref<256x16xf32, #tpu.memory_space<vmem>>, vector<256x16xf32>
    %dot_general3A_37 = arith.constant dense<0.000000e+00> : vector<256x16xf32>
    %dot_general3A_38 = tpu.matmul %get3A_33, %get3A_36, %dot_general3A_37 {dimension_numbers = #tpu.dot_dimension_numbers<[1], [0], [0], [1], [0, 0, 1, 1], [], []>, transpose_lhs_hint = false} : vector<256x256xf32>, vector<256x16xf32>, vector<256x16xf32> -> vector<256x16xf32>
    %get3A_39 = arith.constant 0 : index
    %get3A_40 = arith.constant 0 : index
    %get3A_41 = vector.load %arg13[%get3A_39, %get3A_40] : memref<1x256xf32, #tpu.memory_space<vmem>>, vector<1x256xf32>
    %get3A_42 = arith.constant 0 : index
    %get3A_43 = arith.constant 0 : index
    %get3A_44 = vector.load %arg12[%get3A_42, %get3A_43] : memref<256x16xf32, #tpu.memory_space<vmem>>, vector<256x16xf32>
    %dot_general3A_45 = arith.constant dense<0.000000e+00> : vector<1x16xf32>
    %dot_general3A_46 = tpu.matmul %get3A_41, %get3A_44, %dot_general3A_45 {dimension_numbers = #tpu.dot_dimension_numbers<[1], [0], [0], [1], [0, 0, 1, 1], [], []>, transpose_lhs_hint = false} : vector<1x256xf32>, vector<256x16xf32>, vector<1x16xf32> -> vector<1x16xf32>
    %get3A_47 = arith.constant 0 : index
    %get3A_48 = arith.constant 0 : index
    %get3A_49 = vector.load %arg14[%get3A_47, %get3A_48] : memref<1x16xf32, #tpu.memory_space<vmem>>, vector<1x16xf32>
    %add3A_50 = arith.addf %dot_general3A_46, %get3A_49 : vector<1x16xf32>
    %get3A_51 = arith.constant 0 : index
    %get3A_52 = arith.constant 0 : index
    %get3A_53 = vector.load %arg3[%get3A_51, %get3A_52] : memref<400x16xf32, #tpu.memory_space<vmem>>, vector<400x16xf32>
    %get3A_54 = arith.constant 0 : index
    %get3A_55 = arith.constant 0 : index
    %get3A_56 = vector.load %arg2[%get3A_54, %get3A_55] : memref<400x16xf32, #tpu.memory_space<vmem>>, vector<400x16xf32>
    %get3A_57 = arith.constant 0 : index
    %get3A_58 = arith.constant 0 : index
    %get3A_59 = vector.load %arg5[%get3A_57, %get3A_58] : memref<128x16xf32, #tpu.memory_space<vmem>>, vector<128x16xf32>
    %get3A_60 = arith.constant 0 : index
    %get3A_61 = arith.constant 0 : index
    %get3A_62 = vector.load %arg6[%get3A_60, %get3A_61] : memref<128x16xf32, #tpu.memory_space<vmem>>, vector<128x16xf32>
    %get3A_63 = arith.constant 0 : index
    %get3A_64 = arith.constant 0 : index
    %get3A_65 = vector.load %arg7[%get3A_63, %get3A_64] : memref<16x256xf32, #tpu.memory_space<vmem>>, vector<16x256xf32>
    %get3A_66 = arith.constant 0 : index
    %get3A_67 = arith.constant 0 : index
    %get3A_68 = vector.load %arg8[%get3A_66, %get3A_67] : memref<1x256xf32, #tpu.memory_space<vmem>>, vector<1x256xf32>
    %broadcast_in_dim3A_69 = arith.constant 0.000000e+00 : f32
    %broadcast_in_dim3A_70 = vector.broadcast %broadcast_in_dim3A_69 : f32 to vector<1x16xf32>
    %broadcast_in_dim3A_71 = arith.constant 0.000000e+00 : f32
    %broadcast_in_dim3A_72 = vector.broadcast %broadcast_in_dim3A_71 : f32 to vector<1x16xf32>
    %get3A_73 = arith.constant 0 : index
    %get3A_74 = arith.constant 0 : index
    %get3A_75 = arith.constant 0 : index
    %get3A_76 = vector.load %arg1[%get3A_73, %get3A_74, %get3A_75] : memref<400x16x128xf32, #tpu.memory_space<vmem>>, vector<400x1x128xf32>
    %get3A_77 = vector.shape_cast %get3A_76 : vector<400x1x128xf32> to vector<400x128xf32>
    %dot_general3A_78 = arith.constant dense<0.000000e+00> : vector<400x16xf32>
    %dot_general3A_79 = tpu.matmul %get3A_77, %get3A_59, %dot_general3A_78 {dimension_numbers = #tpu.dot_dimension_numbers<[1], [0], [0], [1], [0, 0, 1, 1], [], []>, transpose_lhs_hint = false} : vector<400x128xf32>, vector<128x16xf32>, vector<400x16xf32> -> vector<400x16xf32>
    %sub3A_80 = arith.subf %dot_general3A_79, %get3A_53 : vector<400x16xf32>
    %dot_general3A_81 = arith.constant dense<0.000000e+00> : vector<400x256xf32>
    %dot_general3A_82 = tpu.matmul %sub3A_80, %get3A_65, %dot_general3A_81 {dimension_numbers = #tpu.dot_dimension_numbers<[1], [0], [0], [1], [0, 0, 1, 1], [], []>, transpose_lhs_hint = false} : vector<400x16xf32>, vector<16x256xf32>, vector<400x256xf32> -> vector<400x256xf32>
    %add3A_83 = vector.broadcast %get3A_68 : vector<1x256xf32> to vector<400x256xf32>
    %add3A_84 = arith.addf %dot_general3A_82, %add3A_83 : vector<400x256xf32>
    %mul3A_85 = vector.broadcast %mul3A_28 : vector<1x256xf32> to vector<400x256xf32>
    %mul3A_86 = arith.mulf %add3A_84, %mul3A_85 : vector<400x256xf32>
    %add3A_87 = vector.broadcast %sub3A_30 : vector<1x256xf32> to vector<400x256xf32>
    %add3A_88 = arith.addf %mul3A_86, %add3A_87 : vector<400x256xf32>
    %max3A = arith.constant 0.000000e+00 : f32
    %max3A_89 = vector.broadcast %max3A : f32 to vector<400x256xf32>
    %max3A_90 = arith.maximumf %add3A_88, %max3A_89 : vector<400x256xf32>
    %dot_general3A_91 = arith.constant dense<0.000000e+00> : vector<400x16xf32>
    %dot_general3A_92 = tpu.matmul %max3A_90, %dot_general3A_38, %dot_general3A_91 {dimension_numbers = #tpu.dot_dimension_numbers<[1], [0], [0], [1], [0, 0, 1, 1], [], []>, transpose_lhs_hint = false} : vector<400x256xf32>, vector<256x16xf32>, vector<400x16xf32> -> vector<400x16xf32>
    %dot_general3A_93 = arith.constant dense<0.000000e+00> : vector<400x16xf32>
    %dot_general3A_94 = tpu.matmul %get3A_77, %get3A_62, %dot_general3A_93 {dimension_numbers = #tpu.dot_dimension_numbers<[1], [0], [0], [1], [0, 0, 1, 1], [], []>, transpose_lhs_hint = false} : vector<400x128xf32>, vector<128x16xf32>, vector<400x16xf32> -> vector<400x16xf32>
    %sub3A_95 = arith.subf %dot_general3A_94, %get3A_56 : vector<400x16xf32>
    %add3A_96 = arith.addf %sub3A_95, %dot_general3A_92 : vector<400x16xf32>
    %add3A_97 = vector.broadcast %add3A_50 : vector<1x16xf32> to vector<400x16xf32>
    %add3A_98 = arith.addf %add3A_96, %add3A_97 : vector<400x16xf32>
    %swap3A = arith.constant 0 : index
    %swap3A_99 = arith.constant 0 : index
    %swap3A_100 = arith.constant 0 : index
    %swap3A_101 = vector.load %arg15[%swap3A, %swap3A_99, %swap3A_100] : memref<400x16x16xf32, #tpu.memory_space<vmem>>, vector<400x1x16xf32>
    %swap3A_102 = vector.shape_cast %swap3A_101 : vector<400x1x16xf32> to vector<400x16xf32>
    %swap3A_103 = vector.shape_cast %add3A_98 : vector<400x16xf32> to vector<400x1x16xf32>
    tpu.vector_store %arg15[%swap3A, %swap3A_99, %swap3A_100], %swap3A_103 {strides = array<i32>} : memref<400x16x16xf32, #tpu.memory_space<vmem>>, vector<400x1x16xf32>,
    %reduce_sum3A_104 = arith.constant dense<0.000000e+00> : vector<16xf32>
    %reduce_sum3A_105 = vector.multi_reduction <add>, %add3A_98, %reduce_sum3A_104 [0] : vector<400x16xf32> to vector<16xf32>
    %broadcast_in_dim3A_106 = vector.shape_cast %reduce_sum3A_105 : vector<16xf32> to vector<1x16xf32>
    %add3A_107 = arith.addf %broadcast_in_dim3A_70, %broadcast_in_dim3A_106 : vector<1x16xf32>
    %mul3A_108 = arith.mulf %add3A_98, %add3A_98 : vector<400x16xf32>
    %reduce_sum3A_109 = arith.constant dense<0.000000e+00> : vector<16xf32>
    %reduce_sum3A_110 = vector.multi_reduction <add>, %mul3A_108, %reduce_sum3A_109 [0] : vector<400x16xf32> to vector<16xf32>
    %broadcast_in_dim3A_111 = vector.shape_cast %reduce_sum3A_110 : vector<16xf32> to vector<1x16xf32>
    %add3A_112 = arith.addf %broadcast_in_dim3A_72, %broadcast_in_dim3A_111 : vector<1x16xf32>
    %get3A_113 = arith.constant 0 : index
    %get3A_114 = arith.constant 1 : index
    %get3A_115 = arith.constant 0 : index
    %get3A_116 = vector.load %arg1[%get3A_113, %get3A_114, %get3A_115] : memref<400x16x128xf32, #tpu.memory_space<vmem>>, vector<400x1x128xf32>
    %get3A_117 = vector.shape_cast %get3A_116 : vector<400x1x128xf32> to vector<400x128xf32>
    %dot_general3A_118 = arith.constant dense<0.000000e+00> : vector<400x16xf32>
    %dot_general3A_119 = tpu.matmul %get3A_117, %get3A_59, %dot_general3A_118 {dimension_numbers = #tpu.dot_dimension_numbers<[1], [0], [0], [1], [0, 0, 1, 1], [], []>, transpose_lhs_hint = false} : vector<400x128xf32>, vector<128x16xf32>, vector<400x16xf32> -> vector<400x16xf32>
    %sub3A_120 = arith.subf %dot_general3A_119, %get3A_53 : vector<400x16xf32>
    %dot_general3A_121 = arith.constant dense<0.000000e+00> : vector<400x256xf32>
    %dot_general3A_122 = tpu.matmul %sub3A_120, %get3A_65, %dot_general3A_121 {dimension_numbers = #tpu.dot_dimension_numbers<[1], [0], [0], [1], [0, 0, 1, 1], [], []>, transpose_lhs_hint = false} : vector<400x16xf32>, vector<16x256xf32>, vector<400x256xf32> -> vector<400x256xf32>
    %add3A_123 = vector.broadcast %get3A_68 : vector<1x256xf32> to vector<400x256xf32>
    %add3A_124 = arith.addf %dot_general3A_122, %add3A_123 : vector<400x256xf32>
    %mul3A_125 = vector.broadcast %mul3A_28 : vector<1x256xf32> to vector<400x256xf32>
    %mul3A_126 = arith.mulf %add3A_124, %mul3A_125 : vector<400x256xf32>
    %add3A_127 = vector.broadcast %sub3A_30 : vector<1x256xf32> to vector<400x256xf32>
    %add3A_128 = arith.addf %mul3A_126, %add3A_127 : vector<400x256xf32>
    %max3A_129 = arith.constant 0.000000e+00 : f32
    %max3A_130 = vector.broadcast %max3A_129 : f32 to vector<400x256xf32>
    %max3A_131 = arith.maximumf %add3A_128, %max3A_130 : vector<400x256xf32>
    %dot_general3A_132 = arith.constant dense<0.000000e+00> : vector<400x16xf32>
    %dot_general3A_133 = tpu.matmul %max3A_131, %dot_general3A_38, %dot_general3A_132 {dimension_numbers = #tpu.dot_dimension_numbers<[1], [0], [0], [1], [0, 0, 1, 1], [], []>, transpose_lhs_hint = false} : vector<400x256xf32>, vector<256x16xf32>, vector<400x16xf32> -> vector<400x16xf32>
    %dot_general3A_134 = arith.constant dense<0.000000e+00> : vector<400x16xf32>
    %dot_general3A_135 = tpu.matmul %get3A_117, %get3A_62, %dot_general3A_134 {dimension_numbers = #tpu.dot_dimension_numbers<[1], [0], [0], [1], [0, 0, 1, 1], [], []>, transpose_lhs_hint = false} : vector<400x128xf32>, vector<128x16xf32>, vector<400x16xf32> -> vector<400x16xf32>
    %sub3A_136 = arith.subf %dot_general3A_135, %get3A_56 : vector<400x16xf32>
    %add3A_137 = arith.addf %sub3A_136, %dot_general3A_133 : vector<400x16xf32>
    %add3A_138 = vector.broadcast %add3A_50 : vector<1x16xf32> to vector<400x16xf32>
    %add3A_139 = arith.addf %add3A_137, %add3A_138 : vector<400x16xf32>
    %swap3A_140 = arith.constant 0 : index
    %swap3A_141 = arith.constant 1 : index
    %swap3A_142 = arith.constant 0 : index
    %swap3A_143 = vector.load %arg15[%swap3A_140, %swap3A_141, %swap3A_142] : memref<400x16x16xf32, #tpu.memory_space<vmem>>, vector<400x1x16xf32>
    %swap3A_144 = vector.shape_cast %swap3A_143 : vector<400x1x16xf32> to vector<400x16xf32>
    %swap3A_145 = vector.shape_cast %add3A_139 : vector<400x16xf32> to vector<400x1x16xf32>
    tpu.vector_store %arg15[%swap3A_140, %swap3A_141, %swap3A_142], %swap3A_145 {strides = array<i32>} : memref<400x16x16xf32, #tpu.memory_space<vmem>>, vector<400x1x16xf32>,
    %reduce_sum3A_146 = arith.constant dense<0.000000e+00> : vector<16xf32>
    %reduce_sum3A_147 = vector.multi_reduction <add>, %add3A_139, %reduce_sum3A_146 [0] : vector<400x16xf32> to vector<16xf32>
    %broadcast_in_dim3A_148 = vector.shape_cast %reduce_sum3A_147 : vector<16xf32> to vector<1x16xf32>
    %add3A_149 = arith.addf %add3A_107, %broadcast_in_dim3A_148 : vector<1x16xf32>
    %mul3A_150 = arith.mulf %add3A_139, %add3A_139 : vector<400x16xf32>
    %reduce_sum3A_151 = arith.constant dense<0.000000e+00> : vector<16xf32>
    %reduce_sum3A_152 = vector.multi_reduction <add>, %mul3A_150, %reduce_sum3A_151 [0] : vector<400x16xf32> to vector<16xf32>
    %broadcast_in_dim3A_153 = vector.shape_cast %reduce_sum3A_152 : vector<16xf32> to vector<1x16xf32>
    %add3A_154 = arith.addf %add3A_112, %broadcast_in_dim3A_153 : vector<1x16xf32>
    %get3A_155 = arith.constant 0 : index
    %get3A_156 = arith.constant 2 : index
    %get3A_157 = arith.constant 0 : index
    %get3A_158 = vector.load %arg1[%get3A_155, %get3A_156, %get3A_157] : memref<400x16x128xf32, #tpu.memory_space<vmem>>, vector<400x1x128xf32>
    %get3A_159 = vector.shape_cast %get3A_158 : vector<400x1x128xf32> to vector<400x128xf32>
    %dot_general3A_160 = arith.constant dense<0.000000e+00> : vector<400x16xf32>
    %dot_general3A_161 = tpu.matmul %get3A_159, %get3A_59, %dot_general3A_160 {dimension_numbers = #tpu.dot_dimension_numbers<[1], [0], [0], [1], [0, 0, 1, 1], [], []>, transpose_lhs_hint = false} : vector<400x128xf32>, vector<128x16xf32>, vector<400x16xf32> -> vector<400x16xf32>
    %sub3A_162 = arith.subf %dot_general3A_161, %get3A_53 : vector<400x16xf32>
    %dot_general3A_163 = arith.constant dense<0.000000e+00> : vector<400x256xf32>
    %dot_general3A_164 = tpu.matmul %sub3A_162, %get3A_65, %dot_general3A_163 {dimension_numbers = #tpu.dot_dimension_numbers<[1], [0], [0], [1], [0, 0, 1, 1], [], []>, transpose_lhs_hint = false} : vector<400x16xf32>, vector<16x256xf32>, vector<400x256xf32> -> vector<400x256xf32>
    %add3A_165 = vector.broadcast %get3A_68 : vector<1x256xf32> to vector<400x256xf32>
    %add3A_166 = arith.addf %dot_general3A_164, %add3A_165 : vector<400x256xf32>
    %mul3A_167 = vector.broadcast %mul3A_28 : vector<1x256xf32> to vector<400x256xf32>
    %mul3A_168 = arith.mulf %add3A_166, %mul3A_167 : vector<400x256xf32>
    %add3A_169 = vector.broadcast %sub3A_30 : vector<1x256xf32> to vector<400x256xf32>
    %add3A_170 = arith.addf %mul3A_168, %add3A_169 : vector<400x256xf32>
    %max3A_171 = arith.constant 0.000000e+00 : f32
    %max3A_172 = vector.broadcast %max3A_171 : f32 to vector<400x256xf32>
    %max3A_173 = arith.maximumf %add3A_170, %max3A_172 : vector<400x256xf32>
    %dot_general3A_174 = arith.constant dense<0.000000e+00> : vector<400x16xf32>
    %dot_general3A_175 = tpu.matmul %max3A_173, %dot_general3A_38, %dot_general3A_174 {dimension_numbers = #tpu.dot_dimension_numbers<[1], [0], [0], [1], [0, 0, 1, 1], [], []>, transpose_lhs_hint = false} : vector<400x256xf32>, vector<256x16xf32>, vector<400x16xf32> -> vector<400x16xf32>
    %dot_general3A_176 = arith.constant dense<0.000000e+00> : vector<400x16xf32>
    %dot_general3A_177 = tpu.matmul %get3A_159, %get3A_62, %dot_general3A_176 {dimension_numbers = #tpu.dot_dimension_numbers<[1], [0], [0], [1], [0, 0, 1, 1], [], []>, transpose_lhs_hint = false} : vector<400x128xf32>, vector<128x16xf32>, vector<400x16xf32> -> vector<400x16xf32>
    %sub3A_178 = arith.subf %dot_general3A_177, %get3A_56 : vector<400x16xf32>
    %add3A_179 = arith.addf %sub3A_178, %dot_general3A_175 : vector<400x16xf32>
    %add3A_180 = vector.broadcast %add3A_50 : vector<1x16xf32> to vector<400x16xf32>
    %add3A_181 = arith.addf %add3A_179, %add3A_180 : vector<400x16xf32>
    %swap3A_182 = arith.constant 0 : index
    %swap3A_183 = arith.constant 2 : index
    %swap3A_184 = arith.constant 0 : index
    %swap3A_185 = vector.load %arg15[%swap3A_182, %swap3A_183, %swap3A_184] : memref<400x16x16xf32, #tpu.memory_space<vmem>>, vector<400x1x16xf32>
    %swap3A_186 = vector.shape_cast %swap3A_185 : vector<400x1x16xf32> to vector<400x16xf32>
    %swap3A_187 = vector.shape_cast %add3A_181 : vector<400x16xf32> to vector<400x1x16xf32>
    tpu.vector_store %arg15[%swap3A_182, %swap3A_183, %swap3A_184], %swap3A_187 {strides = array<i32>} : memref<400x16x16xf32, #tpu.memory_space<vmem>>, vector<400x1x16xf32>,
    %reduce_sum3A_188 = arith.constant dense<0.000000e+00> : vector<16xf32>
    %reduce_sum3A_189 = vector.multi_reduction <add>, %add3A_181, %reduce_sum3A_188 [0] : vector<400x16xf32> to vector<16xf32>
    %broadcast_in_dim3A_190 = vector.shape_cast %reduce_sum3A_189 : vector<16xf32> to vector<1x16xf32>
    %add3A_191 = arith.addf %add3A_149, %broadcast_in_dim3A_190 : vector<1x16xf32>
    %mul3A_192 = arith.mulf %add3A_181, %add3A_181 : vector<400x16xf32>
    %reduce_sum3A_193 = arith.constant dense<0.000000e+00> : vector<16xf32>
    %reduce_sum3A_194 = vector.multi_reduction <add>, %mul3A_192, %reduce_sum3A_193 [0] : vector<400x16xf32> to vector<16xf32>
    %broadcast_in_dim3A_195 = vector.shape_cast %reduce_sum3A_194 : vector<16xf32> to vector<1x16xf32>
    %add3A_196 = arith.addf %add3A_154, %broadcast_in_dim3A_195 : vector<1x16xf32>
    %get3A_197 = arith.constant 0 : index
    %get3A_198 = arith.constant 3 : index
    %get3A_199 = arith.constant 0 : index
    %get3A_200 = vector.load %arg1[%get3A_197, %get3A_198, %get3A_199] : memref<400x16x128xf32, #tpu.memory_space<vmem>>, vector<400x1x128xf32>
    %get3A_201 = vector.shape_cast %get3A_200 : vector<400x1x128xf32> to vector<400x128xf32>
    %dot_general3A_202 = arith.constant dense<0.000000e+00> : vector<400x16xf32>
    %dot_general3A_203 = tpu.matmul %get3A_201, %get3A_59, %dot_general3A_202 {dimension_numbers = #tpu.dot_dimension_numbers<[1], [0], [0], [1], [0, 0, 1, 1], [], []>, transpose_lhs_hint = false} : vector<400x128xf32>, vector<128x16xf32>, vector<400x16xf32> -> vector<400x16xf32>
    %sub3A_204 = arith.subf %dot_general3A_203, %get3A_53 : vector<400x16xf32>
    %dot_general3A_205 = arith.constant dense<0.000000e+00> : vector<400x256xf32>
    %dot_general3A_206 = tpu.matmul %sub3A_204, %get3A_65, %dot_general3A_205 {dimension_numbers = #tpu.dot_dimension_numbers<[1], [0], [0], [1], [0, 0, 1, 1], [], []>, transpose_lhs_hint = false} : vector<400x16xf32>, vector<16x256xf32>, vector<400x256xf32> -> vector<400x256xf32>
    %add3A_207 = vector.broadcast %get3A_68 : vector<1x256xf32> to vector<400x256xf32>
    %add3A_208 = arith.addf %dot_general3A_206, %add3A_207 : vector<400x256xf32>
    %mul3A_209 = vector.broadcast %mul3A_28 : vector<1x256xf32> to vector<400x256xf32>
    %mul3A_210 = arith.mulf %add3A_208, %mul3A_209 : vector<400x256xf32>
    %add3A_211 = vector.broadcast %sub3A_30 : vector<1x256xf32> to vector<400x256xf32>
    %add3A_212 = arith.addf %mul3A_210, %add3A_211 : vector<400x256xf32>
    %max3A_213 = arith.constant 0.000000e+00 : f32
    %max3A_214 = vector.broadcast %max3A_213 : f32 to vector<400x256xf32>
    %max3A_215 = arith.maximumf %add3A_212, %max3A_214 : vector<400x256xf32>
    %dot_general3A_216 = arith.constant dense<0.000000e+00> : vector<400x16xf32>
    %dot_general3A_217 = tpu.matmul %max3A_215, %dot_general3A_38, %dot_general3A_216 {dimension_numbers = #tpu.dot_dimension_numbers<[1], [0], [0], [1], [0, 0, 1, 1], [], []>, transpose_lhs_hint = false} : vector<400x256xf32>, vector<256x16xf32>, vector<400x16xf32> -> vector<400x16xf32>
    %dot_general3A_218 = arith.constant dense<0.000000e+00> : vector<400x16xf32>
    %dot_general3A_219 = tpu.matmul %get3A_201, %get3A_62, %dot_general3A_218 {dimension_numbers = #tpu.dot_dimension_numbers<[1], [0], [0], [1], [0, 0, 1, 1], [], []>, transpose_lhs_hint = false} : vector<400x128xf32>, vector<128x16xf32>, vector<400x16xf32> -> vector<400x16xf32>
    %sub3A_220 = arith.subf %dot_general3A_219, %get3A_56 : vector<400x16xf32>
    %add3A_221 = arith.addf %sub3A_220, %dot_general3A_217 : vector<400x16xf32>
    %add3A_222 = vector.broadcast %add3A_50 : vector<1x16xf32> to vector<400x16xf32>
    %add3A_223 = arith.addf %add3A_221, %add3A_222 : vector<400x16xf32>
    %swap3A_224 = arith.constant 0 : index
    %swap3A_225 = arith.constant 3 : index
    %swap3A_226 = arith.constant 0 : index
    %swap3A_227 = vector.load %arg15[%swap3A_224, %swap3A_225, %swap3A_226] : memref<400x16x16xf32, #tpu.memory_space<vmem>>, vector<400x1x16xf32>
    %swap3A_228 = vector.shape_cast %swap3A_227 : vector<400x1x16xf32> to vector<400x16xf32>
    %swap3A_229 = vector.shape_cast %add3A_223 : vector<400x16xf32> to vector<400x1x16xf32>
    tpu.vector_store %arg15[%swap3A_224, %swap3A_225, %swap3A_226], %swap3A_229 {strides = array<i32>} : memref<400x16x16xf32, #tpu.memory_space<vmem>>, vector<400x1x16xf32>,
    %reduce_sum3A_230 = arith.constant dense<0.000000e+00> : vector<16xf32>
    %reduce_sum3A_231 = vector.multi_reduction <add>, %add3A_223, %reduce_sum3A_230 [0] : vector<400x16xf32> to vector<16xf32>
    %broadcast_in_dim3A_232 = vector.shape_cast %reduce_sum3A_231 : vector<16xf32> to vector<1x16xf32>
    %add3A_233 = arith.addf %add3A_191, %broadcast_in_dim3A_232 : vector<1x16xf32>
    %mul3A_234 = arith.mulf %add3A_223, %add3A_223 : vector<400x16xf32>
    %reduce_sum3A_235 = arith.constant dense<0.000000e+00> : vector<16xf32>
    %reduce_sum3A_236 = vector.multi_reduction <add>, %mul3A_234, %reduce_sum3A_235 [0] : vector<400x16xf32> to vector<16xf32>
    %broadcast_in_dim3A_237 = vector.shape_cast %reduce_sum3A_236 : vector<16xf32> to vector<1x16xf32>
    %add3A_238 = arith.addf %add3A_196, %broadcast_in_dim3A_237 : vector<1x16xf32>
    %get3A_239 = arith.constant 0 : index
    %get3A_240 = arith.constant 4 : index
    %get3A_241 = arith.constant 0 : index
    %get3A_242 = vector.load %arg1[%get3A_239, %get3A_240, %get3A_241] : memref<400x16x128xf32, #tpu.memory_space<vmem>>, vector<400x1x128xf32>
    %get3A_243 = vector.shape_cast %get3A_242 : vector<400x1x128xf32> to vector<400x128xf32>
    %dot_general3A_244 = arith.constant dense<0.000000e+00> : vector<400x16xf32>
    %dot_general3A_245 = tpu.matmul %get3A_243, %get3A_59, %dot_general3A_244 {dimension_numbers = #tpu.dot_dimension_numbers<[1], [0], [0], [1], [0, 0, 1, 1], [], []>, transpose_lhs_hint = false} : vector<400x128xf32>, vector<128x16xf32>, vector<400x16xf32> -> vector<400x16xf32>
    %sub3A_246 = arith.subf %dot_general3A_245, %get3A_53 : vector<400x16xf32>
    %dot_general3A_247 = arith.constant dense<0.000000e+00> : vector<400x256xf32>
    %dot_general3A_248 = tpu.matmul %sub3A_246, %get3A_65, %dot_general3A_247 {dimension_numbers = #tpu.dot_dimension_numbers<[1], [0], [0], [1], [0, 0, 1, 1], [], []>, transpose_lhs_hint = false} : vector<400x16xf32>, vector<16x256xf32>, vector<400x256xf32> -> vector<400x256xf32>
    %add3A_249 = vector.broadcast %get3A_68 : vector<1x256xf32> to vector<400x256xf32>
    %add3A_250 = arith.addf %dot_general3A_248, %add3A_249 : vector<400x256xf32>
    %mul3A_251 = vector.broadcast %mul3A_28 : vector<1x256xf32> to vector<400x256xf32>
    %mul3A_252 = arith.mulf %add3A_250, %mul3A_251 : vector<400x256xf32>
    %add3A_253 = vector.broadcast %sub3A_30 : vector<1x256xf32> to vector<400x256xf32>
    %add3A_254 = arith.addf %mul3A_252, %add3A_253 : vector<400x256xf32>
    %max3A_255 = arith.constant 0.000000e+00 : f32
    %max3A_256 = vector.broadcast %max3A_255 : f32 to vector<400x256xf32>
    %max3A_257 = arith.maximumf %add3A_254, %max3A_256 : vector<400x256xf32>
    %dot_general3A_258 = arith.constant dense<0.000000e+00> : vector<400x16xf32>
    %dot_general3A_259 = tpu.matmul %max3A_257, %dot_general3A_38, %dot_general3A_258 {dimension_numbers = #tpu.dot_dimension_numbers<[1], [0], [0], [1], [0, 0, 1, 1], [], []>, transpose_lhs_hint = false} : vector<400x256xf32>, vector<256x16xf32>, vector<400x16xf32> -> vector<400x16xf32>
    %dot_general3A_260 = arith.constant dense<0.000000e+00> : vector<400x16xf32>
    %dot_general3A_261 = tpu.matmul %get3A_243, %get3A_62, %dot_general3A_260 {dimension_numbers = #tpu.dot_dimension_numbers<[1], [0], [0], [1], [0, 0, 1, 1], [], []>, transpose_lhs_hint = false} : vector<400x128xf32>, vector<128x16xf32>, vector<400x16xf32> -> vector<400x16xf32>
    %sub3A_262 = arith.subf %dot_general3A_261, %get3A_56 : vector<400x16xf32>
    %add3A_263 = arith.addf %sub3A_262, %dot_general3A_259 : vector<400x16xf32>
    %add3A_264 = vector.broadcast %add3A_50 : vector<1x16xf32> to vector<400x16xf32>
    %add3A_265 = arith.addf %add3A_263, %add3A_264 : vector<400x16xf32>
    %swap3A_266 = arith.constant 0 : index
    %swap3A_267 = arith.constant 4 : index
    %swap3A_268 = arith.constant 0 : index
    %swap3A_269 = vector.load %arg15[%swap3A_266, %swap3A_267, %swap3A_268] : memref<400x16x16xf32, #tpu.memory_space<vmem>>, vector<400x1x16xf32>
    %swap3A_270 = vector.shape_cast %swap3A_269 : vector<400x1x16xf32> to vector<400x16xf32>
    %swap3A_271 = vector.shape_cast %add3A_265 : vector<400x16xf32> to vector<400x1x16xf32>
    tpu.vector_store %arg15[%swap3A_266, %swap3A_267, %swap3A_268], %swap3A_271 {strides = array<i32>} : memref<400x16x16xf32, #tpu.memory_space<vmem>>, vector<400x1x16xf32>,
    %reduce_sum3A_272 = arith.constant dense<0.000000e+00> : vector<16xf32>
    %reduce_sum3A_273 = vector.multi_reduction <add>, %add3A_265, %reduce_sum3A_272 [0] : vector<400x16xf32> to vector<16xf32>
    %broadcast_in_dim3A_274 = vector.shape_cast %reduce_sum3A_273 : vector<16xf32> to vector<1x16xf32>
    %add3A_275 = arith.addf %add3A_233, %broadcast_in_dim3A_274 : vector<1x16xf32>
    %mul3A_276 = arith.mulf %add3A_265, %add3A_265 : vector<400x16xf32>
    %reduce_sum3A_277 = arith.constant dense<0.000000e+00> : vector<16xf32>
    %reduce_sum3A_278 = vector.multi_reduction <add>, %mul3A_276, %reduce_sum3A_277 [0] : vector<400x16xf32> to vector<16xf32>
    %broadcast_in_dim3A_279 = vector.shape_cast %reduce_sum3A_278 : vector<16xf32> to vector<1x16xf32>
    %add3A_280 = arith.addf %add3A_238, %broadcast_in_dim3A_279 : vector<1x16xf32>
    %get3A_281 = arith.constant 0 : index
    %get3A_282 = arith.constant 5 : index
    %get3A_283 = arith.constant 0 : index
    %get3A_284 = vector.load %arg1[%get3A_281, %get3A_282, %get3A_283] : memref<400x16x128xf32, #tpu.memory_space<vmem>>, vector<400x1x128xf32>
    %get3A_285 = vector.shape_cast %get3A_284 : vector<400x1x128xf32> to vector<400x128xf32>
    %dot_general3A_286 = arith.constant dense<0.000000e+00> : vector<400x16xf32>
    %dot_general3A_287 = tpu.matmul %get3A_285, %get3A_59, %dot_general3A_286 {dimension_numbers = #tpu.dot_dimension_numbers<[1], [0], [0], [1], [0, 0, 1, 1], [], []>, transpose_lhs_hint = false} : vector<400x128xf32>, vector<128x16xf32>, vector<400x16xf32> -> vector<400x16xf32>
    %sub3A_288 = arith.subf %dot_general3A_287, %get3A_53 : vector<400x16xf32>
    %dot_general3A_289 = arith.constant dense<0.000000e+00> : vector<400x256xf32>
    %dot_general3A_290 = tpu.matmul %sub3A_288, %get3A_65, %dot_general3A_289 {dimension_numbers = #tpu.dot_dimension_numbers<[1], [0], [0], [1], [0, 0, 1, 1], [], []>, transpose_lhs_hint = false} : vector<400x16xf32>, vector<16x256xf32>, vector<400x256xf32> -> vector<400x256xf32>
    %add3A_291 = vector.broadcast %get3A_68 : vector<1x256xf32> to vector<400x256xf32>
    %add3A_292 = arith.addf %dot_general3A_290, %add3A_291 : vector<400x256xf32>
    %mul3A_293 = vector.broadcast %mul3A_28 : vector<1x256xf32> to vector<400x256xf32>
    %mul3A_294 = arith.mulf %add3A_292, %mul3A_293 : vector<400x256xf32>
    %add3A_295 = vector.broadcast %sub3A_30 : vector<1x256xf32> to vector<400x256xf32>
    %add3A_296 = arith.addf %mul3A_294, %add3A_295 : vector<400x256xf32>
    %max3A_297 = arith.constant 0.000000e+00 : f32
    %max3A_298 = vector.broadcast %max3A_297 : f32 to vector<400x256xf32>
    %max3A_299 = arith.maximumf %add3A_296, %max3A_298 : vector<400x256xf32>
    %dot_general3A_300 = arith.constant dense<0.000000e+00> : vector<400x16xf32>
    %dot_general3A_301 = tpu.matmul %max3A_299, %dot_general3A_38, %dot_general3A_300 {dimension_numbers = #tpu.dot_dimension_numbers<[1], [0], [0], [1], [0, 0, 1, 1], [], []>, transpose_lhs_hint = false} : vector<400x256xf32>, vector<256x16xf32>, vector<400x16xf32> -> vector<400x16xf32>
    %dot_general3A_302 = arith.constant dense<0.000000e+00> : vector<400x16xf32>
    %dot_general3A_303 = tpu.matmul %get3A_285, %get3A_62, %dot_general3A_302 {dimension_numbers = #tpu.dot_dimension_numbers<[1], [0], [0], [1], [0, 0, 1, 1], [], []>, transpose_lhs_hint = false} : vector<400x128xf32>, vector<128x16xf32>, vector<400x16xf32> -> vector<400x16xf32>
    %sub3A_304 = arith.subf %dot_general3A_303, %get3A_56 : vector<400x16xf32>
    %add3A_305 = arith.addf %sub3A_304, %dot_general3A_301 : vector<400x16xf32>
    %add3A_306 = vector.broadcast %add3A_50 : vector<1x16xf32> to vector<400x16xf32>
    %add3A_307 = arith.addf %add3A_305, %add3A_306 : vector<400x16xf32>
    %swap3A_308 = arith.constant 0 : index
    %swap3A_309 = arith.constant 5 : index
    %swap3A_310 = arith.constant 0 : index
    %swap3A_311 = vector.load %arg15[%swap3A_308, %swap3A_309, %swap3A_310] : memref<400x16x16xf32, #tpu.memory_space<vmem>>, vector<400x1x16xf32>
    %swap3A_312 = vector.shape_cast %swap3A_311 : vector<400x1x16xf32> to vector<400x16xf32>
    %swap3A_313 = vector.shape_cast %add3A_307 : vector<400x16xf32> to vector<400x1x16xf32>
    tpu.vector_store %arg15[%swap3A_308, %swap3A_309, %swap3A_310], %swap3A_313 {strides = array<i32>} : memref<400x16x16xf32, #tpu.memory_space<vmem>>, vector<400x1x16xf32>,
    %reduce_sum3A_314 = arith.constant dense<0.000000e+00> : vector<16xf32>
    %reduce_sum3A_315 = vector.multi_reduction <add>, %add3A_307, %reduce_sum3A_314 [0] : vector<400x16xf32> to vector<16xf32>
    %broadcast_in_dim3A_316 = vector.shape_cast %reduce_sum3A_315 : vector<16xf32> to vector<1x16xf32>
    %add3A_317 = arith.addf %add3A_275, %broadcast_in_dim3A_316 : vector<1x16xf32>
    %mul3A_318 = arith.mulf %add3A_307, %add3A_307 : vector<400x16xf32>
    %reduce_sum3A_319 = arith.constant dense<0.000000e+00> : vector<16xf32>
    %reduce_sum3A_320 = vector.multi_reduction <add>, %mul3A_318, %reduce_sum3A_319 [0] : vector<400x16xf32> to vector<16xf32>
    %broadcast_in_dim3A_321 = vector.shape_cast %reduce_sum3A_320 : vector<16xf32> to vector<1x16xf32>
    %add3A_322 = arith.addf %add3A_280, %broadcast_in_dim3A_321 : vector<1x16xf32>
    %get3A_323 = arith.constant 0 : index
    %get3A_324 = arith.constant 6 : index
    %get3A_325 = arith.constant 0 : index
    %get3A_326 = vector.load %arg1[%get3A_323, %get3A_324, %get3A_325] : memref<400x16x128xf32, #tpu.memory_space<vmem>>, vector<400x1x128xf32>
    %get3A_327 = vector.shape_cast %get3A_326 : vector<400x1x128xf32> to vector<400x128xf32>
    %dot_general3A_328 = arith.constant dense<0.000000e+00> : vector<400x16xf32>
    %dot_general3A_329 = tpu.matmul %get3A_327, %get3A_59, %dot_general3A_328 {dimension_numbers = #tpu.dot_dimension_numbers<[1], [0], [0], [1], [0, 0, 1, 1], [], []>, transpose_lhs_hint = false} : vector<400x128xf32>, vector<128x16xf32>, vector<400x16xf32> -> vector<400x16xf32>
    %sub3A_330 = arith.subf %dot_general3A_329, %get3A_53 : vector<400x16xf32>
    %dot_general3A_331 = arith.constant dense<0.000000e+00> : vector<400x256xf32>
    %dot_general3A_332 = tpu.matmul %sub3A_330, %get3A_65, %dot_general3A_331 {dimension_numbers = #tpu.dot_dimension_numbers<[1], [0], [0], [1], [0, 0, 1, 1], [], []>, transpose_lhs_hint = false} : vector<400x16xf32>, vector<16x256xf32>, vector<400x256xf32> -> vector<400x256xf32>
    %add3A_333 = vector.broadcast %get3A_68 : vector<1x256xf32> to vector<400x256xf32>
    %add3A_334 = arith.addf %dot_general3A_332, %add3A_333 : vector<400x256xf32>
    %mul3A_335 = vector.broadcast %mul3A_28 : vector<1x256xf32> to vector<400x256xf32>
    %mul3A_336 = arith.mulf %add3A_334, %mul3A_335 : vector<400x256xf32>
    %add3A_337 = vector.broadcast %sub3A_30 : vector<1x256xf32> to vector<400x256xf32>
    %add3A_338 = arith.addf %mul3A_336, %add3A_337 : vector<400x256xf32>
    %max3A_339 = arith.constant 0.000000e+00 : f32
    %max3A_340 = vector.broadcast %max3A_339 : f32 to vector<400x256xf32>
    %max3A_341 = arith.maximumf %add3A_338, %max3A_340 : vector<400x256xf32>
    %dot_general3A_342 = arith.constant dense<0.000000e+00> : vector<400x16xf32>
    %dot_general3A_343 = tpu.matmul %max3A_341, %dot_general3A_38, %dot_general3A_342 {dimension_numbers = #tpu.dot_dimension_numbers<[1], [0], [0], [1], [0, 0, 1, 1], [], []>, transpose_lhs_hint = false} : vector<400x256xf32>, vector<256x16xf32>, vector<400x16xf32> -> vector<400x16xf32>
    %dot_general3A_344 = arith.constant dense<0.000000e+00> : vector<400x16xf32>
    %dot_general3A_345 = tpu.matmul %get3A_327, %get3A_62, %dot_general3A_344 {dimension_numbers = #tpu.dot_dimension_numbers<[1], [0], [0], [1], [0, 0, 1, 1], [], []>, transpose_lhs_hint = false} : vector<400x128xf32>, vector<128x16xf32>, vector<400x16xf32> -> vector<400x16xf32>
    %sub3A_346 = arith.subf %dot_general3A_345, %get3A_56 : vector<400x16xf32>
    %add3A_347 = arith.addf %sub3A_346, %dot_general3A_343 : vector<400x16xf32>
    %add3A_348 = vector.broadcast %add3A_50 : vector<1x16xf32> to vector<400x16xf32>
    %add3A_349 = arith.addf %add3A_347, %add3A_348 : vector<400x16xf32>
    %swap3A_350 = arith.constant 0 : index
    %swap3A_351 = arith.constant 6 : index
    %swap3A_352 = arith.constant 0 : index
    %swap3A_353 = vector.load %arg15[%swap3A_350, %swap3A_351, %swap3A_352] : memref<400x16x16xf32, #tpu.memory_space<vmem>>, vector<400x1x16xf32>
    %swap3A_354 = vector.shape_cast %swap3A_353 : vector<400x1x16xf32> to vector<400x16xf32>
    %swap3A_355 = vector.shape_cast %add3A_349 : vector<400x16xf32> to vector<400x1x16xf32>
    tpu.vector_store %arg15[%swap3A_350, %swap3A_351, %swap3A_352], %swap3A_355 {strides = array<i32>} : memref<400x16x16xf32, #tpu.memory_space<vmem>>, vector<400x1x16xf32>,
    %reduce_sum3A_356 = arith.constant dense<0.000000e+00> : vector<16xf32>
    %reduce_sum3A_357 = vector.multi_reduction <add>, %add3A_349, %reduce_sum3A_356 [0] : vector<400x16xf32> to vector<16xf32>
    %broadcast_in_dim3A_358 = vector.shape_cast %reduce_sum3A_357 : vector<16xf32> to vector<1x16xf32>
    %add3A_359 = arith.addf %add3A_317, %broadcast_in_dim3A_358 : vector<1x16xf32>
    %mul3A_360 = arith.mulf %add3A_349, %add3A_349 : vector<400x16xf32>
    %reduce_sum3A_361 = arith.constant dense<0.000000e+00> : vector<16xf32>
    %reduce_sum3A_362 = vector.multi_reduction <add>, %mul3A_360, %reduce_sum3A_361 [0] : vector<400x16xf32> to vector<16xf32>
    %broadcast_in_dim3A_363 = vector.shape_cast %reduce_sum3A_362 : vector<16xf32> to vector<1x16xf32>
    %add3A_364 = arith.addf %add3A_322, %broadcast_in_dim3A_363 : vector<1x16xf32>
    %get3A_365 = arith.constant 0 : index
    %get3A_366 = arith.constant 7 : index
    %get3A_367 = arith.constant 0 : index
    %get3A_368 = vector.load %arg1[%get3A_365, %get3A_366, %get3A_367] : memref<400x16x128xf32, #tpu.memory_space<vmem>>, vector<400x1x128xf32>
    %get3A_369 = vector.shape_cast %get3A_368 : vector<400x1x128xf32> to vector<400x128xf32>
    %dot_general3A_370 = arith.constant dense<0.000000e+00> : vector<400x16xf32>
    %dot_general3A_371 = tpu.matmul %get3A_369, %get3A_59, %dot_general3A_370 {dimension_numbers = #tpu.dot_dimension_numbers<[1], [0], [0], [1], [0, 0, 1, 1], [], []>, transpose_lhs_hint = false} : vector<400x128xf32>, vector<128x16xf32>, vector<400x16xf32> -> vector<400x16xf32>
    %sub3A_372 = arith.subf %dot_general3A_371, %get3A_53 : vector<400x16xf32>
    %dot_general3A_373 = arith.constant dense<0.000000e+00> : vector<400x256xf32>
    %dot_general3A_374 = tpu.matmul %sub3A_372, %get3A_65, %dot_general3A_373 {dimension_numbers = #tpu.dot_dimension_numbers<[1], [0], [0], [1], [0, 0, 1, 1], [], []>, transpose_lhs_hint = false} : vector<400x16xf32>, vector<16x256xf32>, vector<400x256xf32> -> vector<400x256xf32>
    %add3A_375 = vector.broadcast %get3A_68 : vector<1x256xf32> to vector<400x256xf32>
    %add3A_376 = arith.addf %dot_general3A_374, %add3A_375 : vector<400x256xf32>
    %mul3A_377 = vector.broadcast %mul3A_28 : vector<1x256xf32> to vector<400x256xf32>
    %mul3A_378 = arith.mulf %add3A_376, %mul3A_377 : vector<400x256xf32>
    %add3A_379 = vector.broadcast %sub3A_30 : vector<1x256xf32> to vector<400x256xf32>
    %add3A_380 = arith.addf %mul3A_378, %add3A_379 : vector<400x256xf32>
    %max3A_381 = arith.constant 0.000000e+00 : f32
    %max3A_382 = vector.broadcast %max3A_381 : f32 to vector<400x256xf32>
    %max3A_383 = arith.maximumf %add3A_380, %max3A_382 : vector<400x256xf32>
    %dot_general3A_384 = arith.constant dense<0.000000e+00> : vector<400x16xf32>
    %dot_general3A_385 = tpu.matmul %max3A_383, %dot_general3A_38, %dot_general3A_384 {dimension_numbers = #tpu.dot_dimension_numbers<[1], [0], [0], [1], [0, 0, 1, 1], [], []>, transpose_lhs_hint = false} : vector<400x256xf32>, vector<256x16xf32>, vector<400x16xf32> -> vector<400x16xf32>
    %dot_general3A_386 = arith.constant dense<0.000000e+00> : vector<400x16xf32>
    %dot_general3A_387 = tpu.matmul %get3A_369, %get3A_62, %dot_general3A_386 {dimension_numbers = #tpu.dot_dimension_numbers<[1], [0], [0], [1], [0, 0, 1, 1], [], []>, transpose_lhs_hint = false} : vector<400x128xf32>, vector<128x16xf32>, vector<400x16xf32> -> vector<400x16xf32>
    %sub3A_388 = arith.subf %dot_general3A_387, %get3A_56 : vector<400x16xf32>
    %add3A_389 = arith.addf %sub3A_388, %dot_general3A_385 : vector<400x16xf32>
    %add3A_390 = vector.broadcast %add3A_50 : vector<1x16xf32> to vector<400x16xf32>
    %add3A_391 = arith.addf %add3A_389, %add3A_390 : vector<400x16xf32>
    %swap3A_392 = arith.constant 0 : index
    %swap3A_393 = arith.constant 7 : index
    %swap3A_394 = arith.constant 0 : index
    %swap3A_395 = vector.load %arg15[%swap3A_392, %swap3A_393, %swap3A_394] : memref<400x16x16xf32, #tpu.memory_space<vmem>>, vector<400x1x16xf32>
    %swap3A_396 = vector.shape_cast %swap3A_395 : vector<400x1x16xf32> to vector<400x16xf32>
    %swap3A_397 = vector.shape_cast %add3A_391 : vector<400x16xf32> to vector<400x1x16xf32>
    tpu.vector_store %arg15[%swap3A_392, %swap3A_393, %swap3A_394], %swap3A_397 {strides = array<i32>} : memref<400x16x16xf32, #tpu.memory_space<vmem>>, vector<400x1x16xf32>,
    %reduce_sum3A_398 = arith.constant dense<0.000000e+00> : vector<16xf32>
    %reduce_sum3A_399 = vector.multi_reduction <add>, %add3A_391, %reduce_sum3A_398 [0] : vector<400x16xf32> to vector<16xf32>
    %broadcast_in_dim3A_400 = vector.shape_cast %reduce_sum3A_399 : vector<16xf32> to vector<1x16xf32>
    %add3A_401 = arith.addf %add3A_359, %broadcast_in_dim3A_400 : vector<1x16xf32>
    %mul3A_402 = arith.mulf %add3A_391, %add3A_391 : vector<400x16xf32>
    %reduce_sum3A_403 = arith.constant dense<0.000000e+00> : vector<16xf32>
    %reduce_sum3A_404 = vector.multi_reduction <add>, %mul3A_402, %reduce_sum3A_403 [0] : vector<400x16xf32> to vector<16xf32>
    %broadcast_in_dim3A_405 = vector.shape_cast %reduce_sum3A_404 : vector<16xf32> to vector<1x16xf32>
    %add3A_406 = arith.addf %add3A_364, %broadcast_in_dim3A_405 : vector<1x16xf32>
    %get3A_407 = arith.constant 0 : index
    %get3A_408 = arith.constant 8 : index
    %get3A_409 = arith.constant 0 : index
    %get3A_410 = vector.load %arg1[%get3A_407, %get3A_408, %get3A_409] : memref<400x16x128xf32, #tpu.memory_space<vmem>>, vector<400x1x128xf32>
    %get3A_411 = vector.shape_cast %get3A_410 : vector<400x1x128xf32> to vector<400x128xf32>
    %dot_general3A_412 = arith.constant dense<0.000000e+00> : vector<400x16xf32>
    %dot_general3A_413 = tpu.matmul %get3A_411, %get3A_59, %dot_general3A_412 {dimension_numbers = #tpu.dot_dimension_numbers<[1], [0], [0], [1], [0, 0, 1, 1], [], []>, transpose_lhs_hint = false} : vector<400x128xf32>, vector<128x16xf32>, vector<400x16xf32> -> vector<400x16xf32>
    %sub3A_414 = arith.subf %dot_general3A_413, %get3A_53 : vector<400x16xf32>
    %dot_general3A_415 = arith.constant dense<0.000000e+00> : vector<400x256xf32>
    %dot_general3A_416 = tpu.matmul %sub3A_414, %get3A_65, %dot_general3A_415 {dimension_numbers = #tpu.dot_dimension_numbers<[1], [0], [0], [1], [0, 0, 1, 1], [], []>, transpose_lhs_hint = false} : vector<400x16xf32>, vector<16x256xf32>, vector<400x256xf32> -> vector<400x256xf32>
    %add3A_417 = vector.broadcast %get3A_68 : vector<1x256xf32> to vector<400x256xf32>
    %add3A_418 = arith.addf %dot_general3A_416, %add3A_417 : vector<400x256xf32>
    %mul3A_419 = vector.broadcast %mul3A_28 : vector<1x256xf32> to vector<400x256xf32>
    %mul3A_420 = arith.mulf %add3A_418, %mul3A_419 : vector<400x256xf32>
    %add3A_421 = vector.broadcast %sub3A_30 : vector<1x256xf32> to vector<400x256xf32>
    %add3A_422 = arith.addf %mul3A_420, %add3A_421 : vector<400x256xf32>
    %max3A_423 = arith.constant 0.000000e+00 : f32
    %max3A_424 = vector.broadcast %max3A_423 : f32 to vector<400x256xf32>
    %max3A_425 = arith.maximumf %add3A_422, %max3A_424 : vector<400x256xf32>
    %dot_general3A_426 = arith.constant dense<0.000000e+00> : vector<400x16xf32>
    %dot_general3A_427 = tpu.matmul %max3A_425, %dot_general3A_38, %dot_general3A_426 {dimension_numbers = #tpu.dot_dimension_numbers<[1], [0], [0], [1], [0, 0, 1, 1], [], []>, transpose_lhs_hint = false} : vector<400x256xf32>, vector<256x16xf32>, vector<400x16xf32> -> vector<400x16xf32>
    %dot_general3A_428 = arith.constant dense<0.000000e+00> : vector<400x16xf32>
    %dot_general3A_429 = tpu.matmul %get3A_411, %get3A_62, %dot_general3A_428 {dimension_numbers = #tpu.dot_dimension_numbers<[1], [0], [0], [1], [0, 0, 1, 1], [], []>, transpose_lhs_hint = false} : vector<400x128xf32>, vector<128x16xf32>, vector<400x16xf32> -> vector<400x16xf32>
    %sub3A_430 = arith.subf %dot_general3A_429, %get3A_56 : vector<400x16xf32>
    %add3A_431 = arith.addf %sub3A_430, %dot_general3A_427 : vector<400x16xf32>
    %add3A_432 = vector.broadcast %add3A_50 : vector<1x16xf32> to vector<400x16xf32>
    %add3A_433 = arith.addf %add3A_431, %add3A_432 : vector<400x16xf32>
    %swap3A_434 = arith.constant 0 : index
    %swap3A_435 = arith.constant 8 : index
    %swap3A_436 = arith.constant 0 : index
    %swap3A_437 = vector.load %arg15[%swap3A_434, %swap3A_435, %swap3A_436] : memref<400x16x16xf32, #tpu.memory_space<vmem>>, vector<400x1x16xf32>
    %swap3A_438 = vector.shape_cast %swap3A_437 : vector<400x1x16xf32> to vector<400x16xf32>
    %swap3A_439 = vector.shape_cast %add3A_433 : vector<400x16xf32> to vector<400x1x16xf32>
    tpu.vector_store %arg15[%swap3A_434, %swap3A_435, %swap3A_436], %swap3A_439 {strides = array<i32>} : memref<400x16x16xf32, #tpu.memory_space<vmem>>, vector<400x1x16xf32>,
    %reduce_sum3A_440 = arith.constant dense<0.000000e+00> : vector<16xf32>
    %reduce_sum3A_441 = vector.multi_reduction <add>, %add3A_433, %reduce_sum3A_440 [0] : vector<400x16xf32> to vector<16xf32>
    %broadcast_in_dim3A_442 = vector.shape_cast %reduce_sum3A_441 : vector<16xf32> to vector<1x16xf32>
    %add3A_443 = arith.addf %add3A_401, %broadcast_in_dim3A_442 : vector<1x16xf32>
    %mul3A_444 = arith.mulf %add3A_433, %add3A_433 : vector<400x16xf32>
    %reduce_sum3A_445 = arith.constant dense<0.000000e+00> : vector<16xf32>
    %reduce_sum3A_446 = vector.multi_reduction <add>, %mul3A_444, %reduce_sum3A_445 [0] : vector<400x16xf32> to vector<16xf32>
    %broadcast_in_dim3A_447 = vector.shape_cast %reduce_sum3A_446 : vector<16xf32> to vector<1x16xf32>
    %add3A_448 = arith.addf %add3A_406, %broadcast_in_dim3A_447 : vector<1x16xf32>
    %get3A_449 = arith.constant 0 : index
    %get3A_450 = arith.constant 9 : index
    %get3A_451 = arith.constant 0 : index
    %get3A_452 = vector.load %arg1[%get3A_449, %get3A_450, %get3A_451] : memref<400x16x128xf32, #tpu.memory_space<vmem>>, vector<400x1x128xf32>
    %get3A_453 = vector.shape_cast %get3A_452 : vector<400x1x128xf32> to vector<400x128xf32>
    %dot_general3A_454 = arith.constant dense<0.000000e+00> : vector<400x16xf32>
    %dot_general3A_455 = tpu.matmul %get3A_453, %get3A_59, %dot_general3A_454 {dimension_numbers = #tpu.dot_dimension_numbers<[1], [0], [0], [1], [0, 0, 1, 1], [], []>, transpose_lhs_hint = false} : vector<400x128xf32>, vector<128x16xf32>, vector<400x16xf32> -> vector<400x16xf32>
    %sub3A_456 = arith.subf %dot_general3A_455, %get3A_53 : vector<400x16xf32>
    %dot_general3A_457 = arith.constant dense<0.000000e+00> : vector<400x256xf32>
    %dot_general3A_458 = tpu.matmul %sub3A_456, %get3A_65, %dot_general3A_457 {dimension_numbers = #tpu.dot_dimension_numbers<[1], [0], [0], [1], [0, 0, 1, 1], [], []>, transpose_lhs_hint = false} : vector<400x16xf32>, vector<16x256xf32>, vector<400x256xf32> -> vector<400x256xf32>
    %add3A_459 = vector.broadcast %get3A_68 : vector<1x256xf32> to vector<400x256xf32>
    %add3A_460 = arith.addf %dot_general3A_458, %add3A_459 : vector<400x256xf32>
    %mul3A_461 = vector.broadcast %mul3A_28 : vector<1x256xf32> to vector<400x256xf32>
    %mul3A_462 = arith.mulf %add3A_460, %mul3A_461 : vector<400x256xf32>
    %add3A_463 = vector.broadcast %sub3A_30 : vector<1x256xf32> to vector<400x256xf32>
    %add3A_464 = arith.addf %mul3A_462, %add3A_463 : vector<400x256xf32>
    %max3A_465 = arith.constant 0.000000e+00 : f32
    %max3A_466 = vector.broadcast %max3A_465 : f32 to vector<400x256xf32>
    %max3A_467 = arith.maximumf %add3A_464, %max3A_466 : vector<400x256xf32>
    %dot_general3A_468 = arith.constant dense<0.000000e+00> : vector<400x16xf32>
    %dot_general3A_469 = tpu.matmul %max3A_467, %dot_general3A_38, %dot_general3A_468 {dimension_numbers = #tpu.dot_dimension_numbers<[1], [0], [0], [1], [0, 0, 1, 1], [], []>, transpose_lhs_hint = false} : vector<400x256xf32>, vector<256x16xf32>, vector<400x16xf32> -> vector<400x16xf32>
    %dot_general3A_470 = arith.constant dense<0.000000e+00> : vector<400x16xf32>
    %dot_general3A_471 = tpu.matmul %get3A_453, %get3A_62, %dot_general3A_470 {dimension_numbers = #tpu.dot_dimension_numbers<[1], [0], [0], [1], [0, 0, 1, 1], [], []>, transpose_lhs_hint = false} : vector<400x128xf32>, vector<128x16xf32>, vector<400x16xf32> -> vector<400x16xf32>
    %sub3A_472 = arith.subf %dot_general3A_471, %get3A_56 : vector<400x16xf32>
    %add3A_473 = arith.addf %sub3A_472, %dot_general3A_469 : vector<400x16xf32>
    %add3A_474 = vector.broadcast %add3A_50 : vector<1x16xf32> to vector<400x16xf32>
    %add3A_475 = arith.addf %add3A_473, %add3A_474 : vector<400x16xf32>
    %swap3A_476 = arith.constant 0 : index
    %swap3A_477 = arith.constant 9 : index
    %swap3A_478 = arith.constant 0 : index
    %swap3A_479 = vector.load %arg15[%swap3A_476, %swap3A_477, %swap3A_478] : memref<400x16x16xf32, #tpu.memory_space<vmem>>, vector<400x1x16xf32>
    %swap3A_480 = vector.shape_cast %swap3A_479 : vector<400x1x16xf32> to vector<400x16xf32>
    %swap3A_481 = vector.shape_cast %add3A_475 : vector<400x16xf32> to vector<400x1x16xf32>
    tpu.vector_store %arg15[%swap3A_476, %swap3A_477, %swap3A_478], %swap3A_481 {strides = array<i32>} : memref<400x16x16xf32, #tpu.memory_space<vmem>>, vector<400x1x16xf32>,
    %reduce_sum3A_482 = arith.constant dense<0.000000e+00> : vector<16xf32>
    %reduce_sum3A_483 = vector.multi_reduction <add>, %add3A_475, %reduce_sum3A_482 [0] : vector<400x16xf32> to vector<16xf32>
    %broadcast_in_dim3A_484 = vector.shape_cast %reduce_sum3A_483 : vector<16xf32> to vector<1x16xf32>
    %add3A_485 = arith.addf %add3A_443, %broadcast_in_dim3A_484 : vector<1x16xf32>
    %mul3A_486 = arith.mulf %add3A_475, %add3A_475 : vector<400x16xf32>
    %reduce_sum3A_487 = arith.constant dense<0.000000e+00> : vector<16xf32>
    %reduce_sum3A_488 = vector.multi_reduction <add>, %mul3A_486, %reduce_sum3A_487 [0] : vector<400x16xf32> to vector<16xf32>
    %broadcast_in_dim3A_489 = vector.shape_cast %reduce_sum3A_488 : vector<16xf32> to vector<1x16xf32>
    %add3A_490 = arith.addf %add3A_448, %broadcast_in_dim3A_489 : vector<1x16xf32>
    %get3A_491 = arith.constant 0 : index
    %get3A_492 = arith.constant 10 : index
    %get3A_493 = arith.constant 0 : index
    %get3A_494 = vector.load %arg1[%get3A_491, %get3A_492, %get3A_493] : memref<400x16x128xf32, #tpu.memory_space<vmem>>, vector<400x1x128xf32>
    %get3A_495 = vector.shape_cast %get3A_494 : vector<400x1x128xf32> to vector<400x128xf32>
    %dot_general3A_496 = arith.constant dense<0.000000e+00> : vector<400x16xf32>
    %dot_general3A_497 = tpu.matmul %get3A_495, %get3A_59, %dot_general3A_496 {dimension_numbers = #tpu.dot_dimension_numbers<[1], [0], [0], [1], [0, 0, 1, 1], [], []>, transpose_lhs_hint = false} : vector<400x128xf32>, vector<128x16xf32>, vector<400x16xf32> -> vector<400x16xf32>
    %sub3A_498 = arith.subf %dot_general3A_497, %get3A_53 : vector<400x16xf32>
    %dot_general3A_499 = arith.constant dense<0.000000e+00> : vector<400x256xf32>
    %dot_general3A_500 = tpu.matmul %sub3A_498, %get3A_65, %dot_general3A_499 {dimension_numbers = #tpu.dot_dimension_numbers<[1], [0], [0], [1], [0, 0, 1, 1], [], []>, transpose_lhs_hint = false} : vector<400x16xf32>, vector<16x256xf32>, vector<400x256xf32> -> vector<400x256xf32>
    %add3A_501 = vector.broadcast %get3A_68 : vector<1x256xf32> to vector<400x256xf32>
    %add3A_502 = arith.addf %dot_general3A_500, %add3A_501 : vector<400x256xf32>
    %mul3A_503 = vector.broadcast %mul3A_28 : vector<1x256xf32> to vector<400x256xf32>
    %mul3A_504 = arith.mulf %add3A_502, %mul3A_503 : vector<400x256xf32>
    %add3A_505 = vector.broadcast %sub3A_30 : vector<1x256xf32> to vector<400x256xf32>
    %add3A_506 = arith.addf %mul3A_504, %add3A_505 : vector<400x256xf32>
    %max3A_507 = arith.constant 0.000000e+00 : f32
    %max3A_508 = vector.broadcast %max3A_507 : f32 to vector<400x256xf32>
    %max3A_509 = arith.maximumf %add3A_506, %max3A_508 : vector<400x256xf32>
    %dot_general3A_510 = arith.constant dense<0.000000e+00> : vector<400x16xf32>
    %dot_general3A_511 = tpu.matmul %max3A_509, %dot_general3A_38, %dot_general3A_510 {dimension_numbers = #tpu.dot_dimension_numbers<[1], [0], [0], [1], [0, 0, 1, 1], [], []>, transpose_lhs_hint = false} : vector<400x256xf32>, vector<256x16xf32>, vector<400x16xf32> -> vector<400x16xf32>
    %dot_general3A_512 = arith.constant dense<0.000000e+00> : vector<400x16xf32>
    %dot_general3A_513 = tpu.matmul %get3A_495, %get3A_62, %dot_general3A_512 {dimension_numbers = #tpu.dot_dimension_numbers<[1], [0], [0], [1], [0, 0, 1, 1], [], []>, transpose_lhs_hint = false} : vector<400x128xf32>, vector<128x16xf32>, vector<400x16xf32> -> vector<400x16xf32>
    %sub3A_514 = arith.subf %dot_general3A_513, %get3A_56 : vector<400x16xf32>
    %add3A_515 = arith.addf %sub3A_514, %dot_general3A_511 : vector<400x16xf32>
    %add3A_516 = vector.broadcast %add3A_50 : vector<1x16xf32> to vector<400x16xf32>
    %add3A_517 = arith.addf %add3A_515, %add3A_516 : vector<400x16xf32>
    %swap3A_518 = arith.constant 0 : index
    %swap3A_519 = arith.constant 10 : index
    %swap3A_520 = arith.constant 0 : index
    %swap3A_521 = vector.load %arg15[%swap3A_518, %swap3A_519, %swap3A_520] : memref<400x16x16xf32, #tpu.memory_space<vmem>>, vector<400x1x16xf32>
    %swap3A_522 = vector.shape_cast %swap3A_521 : vector<400x1x16xf32> to vector<400x16xf32>
    %swap3A_523 = vector.shape_cast %add3A_517 : vector<400x16xf32> to vector<400x1x16xf32>
    tpu.vector_store %arg15[%swap3A_518, %swap3A_519, %swap3A_520], %swap3A_523 {strides = array<i32>} : memref<400x16x16xf32, #tpu.memory_space<vmem>>, vector<400x1x16xf32>,
    %reduce_sum3A_524 = arith.constant dense<0.000000e+00> : vector<16xf32>
    %reduce_sum3A_525 = vector.multi_reduction <add>, %add3A_517, %reduce_sum3A_524 [0] : vector<400x16xf32> to vector<16xf32>
    %broadcast_in_dim3A_526 = vector.shape_cast %reduce_sum3A_525 : vector<16xf32> to vector<1x16xf32>
    %add3A_527 = arith.addf %add3A_485, %broadcast_in_dim3A_526 : vector<1x16xf32>
    %mul3A_528 = arith.mulf %add3A_517, %add3A_517 : vector<400x16xf32>
    %reduce_sum3A_529 = arith.constant dense<0.000000e+00> : vector<16xf32>
    %reduce_sum3A_530 = vector.multi_reduction <add>, %mul3A_528, %reduce_sum3A_529 [0] : vector<400x16xf32> to vector<16xf32>
    %broadcast_in_dim3A_531 = vector.shape_cast %reduce_sum3A_530 : vector<16xf32> to vector<1x16xf32>
    %add3A_532 = arith.addf %add3A_490, %broadcast_in_dim3A_531 : vector<1x16xf32>
    %get3A_533 = arith.constant 0 : index
    %get3A_534 = arith.constant 11 : index
    %get3A_535 = arith.constant 0 : index
    %get3A_536 = vector.load %arg1[%get3A_533, %get3A_534, %get3A_535] : memref<400x16x128xf32, #tpu.memory_space<vmem>>, vector<400x1x128xf32>
    %get3A_537 = vector.shape_cast %get3A_536 : vector<400x1x128xf32> to vector<400x128xf32>
    %dot_general3A_538 = arith.constant dense<0.000000e+00> : vector<400x16xf32>
    %dot_general3A_539 = tpu.matmul %get3A_537, %get3A_59, %dot_general3A_538 {dimension_numbers = #tpu.dot_dimension_numbers<[1], [0], [0], [1], [0, 0, 1, 1], [], []>, transpose_lhs_hint = false} : vector<400x128xf32>, vector<128x16xf32>, vector<400x16xf32> -> vector<400x16xf32>
    %sub3A_540 = arith.subf %dot_general3A_539, %get3A_53 : vector<400x16xf32>
    %dot_general3A_541 = arith.constant dense<0.000000e+00> : vector<400x256xf32>
    %dot_general3A_542 = tpu.matmul %sub3A_540, %get3A_65, %dot_general3A_541 {dimension_numbers = #tpu.dot_dimension_numbers<[1], [0], [0], [1], [0, 0, 1, 1], [], []>, transpose_lhs_hint = false} : vector<400x16xf32>, vector<16x256xf32>, vector<400x256xf32> -> vector<400x256xf32>
    %add3A_543 = vector.broadcast %get3A_68 : vector<1x256xf32> to vector<400x256xf32>
    %add3A_544 = arith.addf %dot_general3A_542, %add3A_543 : vector<400x256xf32>
    %mul3A_545 = vector.broadcast %mul3A_28 : vector<1x256xf32> to vector<400x256xf32>
    %mul3A_546 = arith.mulf %add3A_544, %mul3A_545 : vector<400x256xf32>
    %add3A_547 = vector.broadcast %sub3A_30 : vector<1x256xf32> to vector<400x256xf32>
    %add3A_548 = arith.addf %mul3A_546, %add3A_547 : vector<400x256xf32>
    %max3A_549 = arith.constant 0.000000e+00 : f32
    %max3A_550 = vector.broadcast %max3A_549 : f32 to vector<400x256xf32>
    %max3A_551 = arith.maximumf %add3A_548, %max3A_550 : vector<400x256xf32>
    %dot_general3A_552 = arith.constant dense<0.000000e+00> : vector<400x16xf32>
    %dot_general3A_553 = tpu.matmul %max3A_551, %dot_general3A_38, %dot_general3A_552 {dimension_numbers = #tpu.dot_dimension_numbers<[1], [0], [0], [1], [0, 0, 1, 1], [], []>, transpose_lhs_hint = false} : vector<400x256xf32>, vector<256x16xf32>, vector<400x16xf32> -> vector<400x16xf32>
    %dot_general3A_554 = arith.constant dense<0.000000e+00> : vector<400x16xf32>
    %dot_general3A_555 = tpu.matmul %get3A_537, %get3A_62, %dot_general3A_554 {dimension_numbers = #tpu.dot_dimension_numbers<[1], [0], [0], [1], [0, 0, 1, 1], [], []>, transpose_lhs_hint = false} : vector<400x128xf32>, vector<128x16xf32>, vector<400x16xf32> -> vector<400x16xf32>
    %sub3A_556 = arith.subf %dot_general3A_555, %get3A_56 : vector<400x16xf32>
    %add3A_557 = arith.addf %sub3A_556, %dot_general3A_553 : vector<400x16xf32>
    %add3A_558 = vector.broadcast %add3A_50 : vector<1x16xf32> to vector<400x16xf32>
    %add3A_559 = arith.addf %add3A_557, %add3A_558 : vector<400x16xf32>
    %swap3A_560 = arith.constant 0 : index
    %swap3A_561 = arith.constant 11 : index
    %swap3A_562 = arith.constant 0 : index
    %swap3A_563 = vector.load %arg15[%swap3A_560, %swap3A_561, %swap3A_562] : memref<400x16x16xf32, #tpu.memory_space<vmem>>, vector<400x1x16xf32>
    %swap3A_564 = vector.shape_cast %swap3A_563 : vector<400x1x16xf32> to vector<400x16xf32>
    %swap3A_565 = vector.shape_cast %add3A_559 : vector<400x16xf32> to vector<400x1x16xf32>
    tpu.vector_store %arg15[%swap3A_560, %swap3A_561, %swap3A_562], %swap3A_565 {strides = array<i32>} : memref<400x16x16xf32, #tpu.memory_space<vmem>>, vector<400x1x16xf32>,
    %reduce_sum3A_566 = arith.constant dense<0.000000e+00> : vector<16xf32>
    %reduce_sum3A_567 = vector.multi_reduction <add>, %add3A_559, %reduce_sum3A_566 [0] : vector<400x16xf32> to vector<16xf32>
    %broadcast_in_dim3A_568 = vector.shape_cast %reduce_sum3A_567 : vector<16xf32> to vector<1x16xf32>
    %add3A_569 = arith.addf %add3A_527, %broadcast_in_dim3A_568 : vector<1x16xf32>
    %mul3A_570 = arith.mulf %add3A_559, %add3A_559 : vector<400x16xf32>
    %reduce_sum3A_571 = arith.constant dense<0.000000e+00> : vector<16xf32>
    %reduce_sum3A_572 = vector.multi_reduction <add>, %mul3A_570, %reduce_sum3A_571 [0] : vector<400x16xf32> to vector<16xf32>
    %broadcast_in_dim3A_573 = vector.shape_cast %reduce_sum3A_572 : vector<16xf32> to vector<1x16xf32>
    %add3A_574 = arith.addf %add3A_532, %broadcast_in_dim3A_573 : vector<1x16xf32>
    %get3A_575 = arith.constant 0 : index
    %get3A_576 = arith.constant 12 : index
    %get3A_577 = arith.constant 0 : index
    %get3A_578 = vector.load %arg1[%get3A_575, %get3A_576, %get3A_577] : memref<400x16x128xf32, #tpu.memory_space<vmem>>, vector<400x1x128xf32>
    %get3A_579 = vector.shape_cast %get3A_578 : vector<400x1x128xf32> to vector<400x128xf32>
    %dot_general3A_580 = arith.constant dense<0.000000e+00> : vector<400x16xf32>
    %dot_general3A_581 = tpu.matmul %get3A_579, %get3A_59, %dot_general3A_580 {dimension_numbers = #tpu.dot_dimension_numbers<[1], [0], [0], [1], [0, 0, 1, 1], [], []>, transpose_lhs_hint = false} : vector<400x128xf32>, vector<128x16xf32>, vector<400x16xf32> -> vector<400x16xf32>
    %sub3A_582 = arith.subf %dot_general3A_581, %get3A_53 : vector<400x16xf32>
    %dot_general3A_583 = arith.constant dense<0.000000e+00> : vector<400x256xf32>
    %dot_general3A_584 = tpu.matmul %sub3A_582, %get3A_65, %dot_general3A_583 {dimension_numbers = #tpu.dot_dimension_numbers<[1], [0], [0], [1], [0, 0, 1, 1], [], []>, transpose_lhs_hint = false} : vector<400x16xf32>, vector<16x256xf32>, vector<400x256xf32> -> vector<400x256xf32>
    %add3A_585 = vector.broadcast %get3A_68 : vector<1x256xf32> to vector<400x256xf32>
    %add3A_586 = arith.addf %dot_general3A_584, %add3A_585 : vector<400x256xf32>
    %mul3A_587 = vector.broadcast %mul3A_28 : vector<1x256xf32> to vector<400x256xf32>
    %mul3A_588 = arith.mulf %add3A_586, %mul3A_587 : vector<400x256xf32>
    %add3A_589 = vector.broadcast %sub3A_30 : vector<1x256xf32> to vector<400x256xf32>
    %add3A_590 = arith.addf %mul3A_588, %add3A_589 : vector<400x256xf32>
    %max3A_591 = arith.constant 0.000000e+00 : f32
    %max3A_592 = vector.broadcast %max3A_591 : f32 to vector<400x256xf32>
    %max3A_593 = arith.maximumf %add3A_590, %max3A_592 : vector<400x256xf32>
    %dot_general3A_594 = arith.constant dense<0.000000e+00> : vector<400x16xf32>
    %dot_general3A_595 = tpu.matmul %max3A_593, %dot_general3A_38, %dot_general3A_594 {dimension_numbers = #tpu.dot_dimension_numbers<[1], [0], [0], [1], [0, 0, 1, 1], [], []>, transpose_lhs_hint = false} : vector<400x256xf32>, vector<256x16xf32>, vector<400x16xf32> -> vector<400x16xf32>
    %dot_general3A_596 = arith.constant dense<0.000000e+00> : vector<400x16xf32>
    %dot_general3A_597 = tpu.matmul %get3A_579, %get3A_62, %dot_general3A_596 {dimension_numbers = #tpu.dot_dimension_numbers<[1], [0], [0], [1], [0, 0, 1, 1], [], []>, transpose_lhs_hint = false} : vector<400x128xf32>, vector<128x16xf32>, vector<400x16xf32> -> vector<400x16xf32>
    %sub3A_598 = arith.subf %dot_general3A_597, %get3A_56 : vector<400x16xf32>
    %add3A_599 = arith.addf %sub3A_598, %dot_general3A_595 : vector<400x16xf32>
    %add3A_600 = vector.broadcast %add3A_50 : vector<1x16xf32> to vector<400x16xf32>
    %add3A_601 = arith.addf %add3A_599, %add3A_600 : vector<400x16xf32>
    %swap3A_602 = arith.constant 0 : index
    %swap3A_603 = arith.constant 12 : index
    %swap3A_604 = arith.constant 0 : index
    %swap3A_605 = vector.load %arg15[%swap3A_602, %swap3A_603, %swap3A_604] : memref<400x16x16xf32, #tpu.memory_space<vmem>>, vector<400x1x16xf32>
    %swap3A_606 = vector.shape_cast %swap3A_605 : vector<400x1x16xf32> to vector<400x16xf32>
    %swap3A_607 = vector.shape_cast %add3A_601 : vector<400x16xf32> to vector<400x1x16xf32>
    tpu.vector_store %arg15[%swap3A_602, %swap3A_603, %swap3A_604], %swap3A_607 {strides = array<i32>} : memref<400x16x16xf32, #tpu.memory_space<vmem>>, vector<400x1x16xf32>,
    %reduce_sum3A_608 = arith.constant dense<0.000000e+00> : vector<16xf32>
    %reduce_sum3A_609 = vector.multi_reduction <add>, %add3A_601, %reduce_sum3A_608 [0] : vector<400x16xf32> to vector<16xf32>
    %broadcast_in_dim3A_610 = vector.shape_cast %reduce_sum3A_609 : vector<16xf32> to vector<1x16xf32>
    %add3A_611 = arith.addf %add3A_569, %broadcast_in_dim3A_610 : vector<1x16xf32>
    %mul3A_612 = arith.mulf %add3A_601, %add3A_601 : vector<400x16xf32>
    %reduce_sum3A_613 = arith.constant dense<0.000000e+00> : vector<16xf32>
    %reduce_sum3A_614 = vector.multi_reduction <add>, %mul3A_612, %reduce_sum3A_613 [0] : vector<400x16xf32> to vector<16xf32>
    %broadcast_in_dim3A_615 = vector.shape_cast %reduce_sum3A_614 : vector<16xf32> to vector<1x16xf32>
    %add3A_616 = arith.addf %add3A_574, %broadcast_in_dim3A_615 : vector<1x16xf32>
    %get3A_617 = arith.constant 0 : index
    %get3A_618 = arith.constant 13 : index
    %get3A_619 = arith.constant 0 : index
    %get3A_620 = vector.load %arg1[%get3A_617, %get3A_618, %get3A_619] : memref<400x16x128xf32, #tpu.memory_space<vmem>>, vector<400x1x128xf32>
    %get3A_621 = vector.shape_cast %get3A_620 : vector<400x1x128xf32> to vector<400x128xf32>
    %dot_general3A_622 = arith.constant dense<0.000000e+00> : vector<400x16xf32>
    %dot_general3A_623 = tpu.matmul %get3A_621, %get3A_59, %dot_general3A_622 {dimension_numbers = #tpu.dot_dimension_numbers<[1], [0], [0], [1], [0, 0, 1, 1], [], []>, transpose_lhs_hint = false} : vector<400x128xf32>, vector<128x16xf32>, vector<400x16xf32> -> vector<400x16xf32>
    %sub3A_624 = arith.subf %dot_general3A_623, %get3A_53 : vector<400x16xf32>
    %dot_general3A_625 = arith.constant dense<0.000000e+00> : vector<400x256xf32>
    %dot_general3A_626 = tpu.matmul %sub3A_624, %get3A_65, %dot_general3A_625 {dimension_numbers = #tpu.dot_dimension_numbers<[1], [0], [0], [1], [0, 0, 1, 1], [], []>, transpose_lhs_hint = false} : vector<400x16xf32>, vector<16x256xf32>, vector<400x256xf32> -> vector<400x256xf32>
    %add3A_627 = vector.broadcast %get3A_68 : vector<1x256xf32> to vector<400x256xf32>
    %add3A_628 = arith.addf %dot_general3A_626, %add3A_627 : vector<400x256xf32>
    %mul3A_629 = vector.broadcast %mul3A_28 : vector<1x256xf32> to vector<400x256xf32>
    %mul3A_630 = arith.mulf %add3A_628, %mul3A_629 : vector<400x256xf32>
    %add3A_631 = vector.broadcast %sub3A_30 : vector<1x256xf32> to vector<400x256xf32>
    %add3A_632 = arith.addf %mul3A_630, %add3A_631 : vector<400x256xf32>
    %max3A_633 = arith.constant 0.000000e+00 : f32
    %max3A_634 = vector.broadcast %max3A_633 : f32 to vector<400x256xf32>
    %max3A_635 = arith.maximumf %add3A_632, %max3A_634 : vector<400x256xf32>
    %dot_general3A_636 = arith.constant dense<0.000000e+00> : vector<400x16xf32>
    %dot_general3A_637 = tpu.matmul %max3A_635, %dot_general3A_38, %dot_general3A_636 {dimension_numbers = #tpu.dot_dimension_numbers<[1], [0], [0], [1], [0, 0, 1, 1], [], []>, transpose_lhs_hint = false} : vector<400x256xf32>, vector<256x16xf32>, vector<400x16xf32> -> vector<400x16xf32>
    %dot_general3A_638 = arith.constant dense<0.000000e+00> : vector<400x16xf32>
    %dot_general3A_639 = tpu.matmul %get3A_621, %get3A_62, %dot_general3A_638 {dimension_numbers = #tpu.dot_dimension_numbers<[1], [0], [0], [1], [0, 0, 1, 1], [], []>, transpose_lhs_hint = false} : vector<400x128xf32>, vector<128x16xf32>, vector<400x16xf32> -> vector<400x16xf32>
    %sub3A_640 = arith.subf %dot_general3A_639, %get3A_56 : vector<400x16xf32>
    %add3A_641 = arith.addf %sub3A_640, %dot_general3A_637 : vector<400x16xf32>
    %add3A_642 = vector.broadcast %add3A_50 : vector<1x16xf32> to vector<400x16xf32>
    %add3A_643 = arith.addf %add3A_641, %add3A_642 : vector<400x16xf32>
    %swap3A_644 = arith.constant 0 : index
    %swap3A_645 = arith.constant 13 : index
    %swap3A_646 = arith.constant 0 : index
    %swap3A_647 = vector.load %arg15[%swap3A_644, %swap3A_645, %swap3A_646] : memref<400x16x16xf32, #tpu.memory_space<vmem>>, vector<400x1x16xf32>
    %swap3A_648 = vector.shape_cast %swap3A_647 : vector<400x1x16xf32> to vector<400x16xf32>
    %swap3A_649 = vector.shape_cast %add3A_643 : vector<400x16xf32> to vector<400x1x16xf32>
    tpu.vector_store %arg15[%swap3A_644, %swap3A_645, %swap3A_646], %swap3A_649 {strides = array<i32>} : memref<400x16x16xf32, #tpu.memory_space<vmem>>, vector<400x1x16xf32>,
    %reduce_sum3A_650 = arith.constant dense<0.000000e+00> : vector<16xf32>
    %reduce_sum3A_651 = vector.multi_reduction <add>, %add3A_643, %reduce_sum3A_650 [0] : vector<400x16xf32> to vector<16xf32>
    %broadcast_in_dim3A_652 = vector.shape_cast %reduce_sum3A_651 : vector<16xf32> to vector<1x16xf32>
    %add3A_653 = arith.addf %add3A_611, %broadcast_in_dim3A_652 : vector<1x16xf32>
    %mul3A_654 = arith.mulf %add3A_643, %add3A_643 : vector<400x16xf32>
    %reduce_sum3A_655 = arith.constant dense<0.000000e+00> : vector<16xf32>
    %reduce_sum3A_656 = vector.multi_reduction <add>, %mul3A_654, %reduce_sum3A_655 [0] : vector<400x16xf32> to vector<16xf32>
    %broadcast_in_dim3A_657 = vector.shape_cast %reduce_sum3A_656 : vector<16xf32> to vector<1x16xf32>
    %add3A_658 = arith.addf %add3A_616, %broadcast_in_dim3A_657 : vector<1x16xf32>
    %get3A_659 = arith.constant 0 : index
    %get3A_660 = arith.constant 14 : index
    %get3A_661 = arith.constant 0 : index
    %get3A_662 = vector.load %arg1[%get3A_659, %get3A_660, %get3A_661] : memref<400x16x128xf32, #tpu.memory_space<vmem>>, vector<400x1x128xf32>
    %get3A_663 = vector.shape_cast %get3A_662 : vector<400x1x128xf32> to vector<400x128xf32>
    %dot_general3A_664 = arith.constant dense<0.000000e+00> : vector<400x16xf32>
    %dot_general3A_665 = tpu.matmul %get3A_663, %get3A_59, %dot_general3A_664 {dimension_numbers = #tpu.dot_dimension_numbers<[1], [0], [0], [1], [0, 0, 1, 1], [], []>, transpose_lhs_hint = false} : vector<400x128xf32>, vector<128x16xf32>, vector<400x16xf32> -> vector<400x16xf32>
    %sub3A_666 = arith.subf %dot_general3A_665, %get3A_53 : vector<400x16xf32>
    %dot_general3A_667 = arith.constant dense<0.000000e+00> : vector<400x256xf32>
    %dot_general3A_668 = tpu.matmul %sub3A_666, %get3A_65, %dot_general3A_667 {dimension_numbers = #tpu.dot_dimension_numbers<[1], [0], [0], [1], [0, 0, 1, 1], [], []>, transpose_lhs_hint = false} : vector<400x16xf32>, vector<16x256xf32>, vector<400x256xf32> -> vector<400x256xf32>
    %add3A_669 = vector.broadcast %get3A_68 : vector<1x256xf32> to vector<400x256xf32>
    %add3A_670 = arith.addf %dot_general3A_668, %add3A_669 : vector<400x256xf32>
    %mul3A_671 = vector.broadcast %mul3A_28 : vector<1x256xf32> to vector<400x256xf32>
    %mul3A_672 = arith.mulf %add3A_670, %mul3A_671 : vector<400x256xf32>
    %add3A_673 = vector.broadcast %sub3A_30 : vector<1x256xf32> to vector<400x256xf32>
    %add3A_674 = arith.addf %mul3A_672, %add3A_673 : vector<400x256xf32>
    %max3A_675 = arith.constant 0.000000e+00 : f32
    %max3A_676 = vector.broadcast %max3A_675 : f32 to vector<400x256xf32>
    %max3A_677 = arith.maximumf %add3A_674, %max3A_676 : vector<400x256xf32>
    %dot_general3A_678 = arith.constant dense<0.000000e+00> : vector<400x16xf32>
    %dot_general3A_679 = tpu.matmul %max3A_677, %dot_general3A_38, %dot_general3A_678 {dimension_numbers = #tpu.dot_dimension_numbers<[1], [0], [0], [1], [0, 0, 1, 1], [], []>, transpose_lhs_hint = false} : vector<400x256xf32>, vector<256x16xf32>, vector<400x16xf32> -> vector<400x16xf32>
    %dot_general3A_680 = arith.constant dense<0.000000e+00> : vector<400x16xf32>
    %dot_general3A_681 = tpu.matmul %get3A_663, %get3A_62, %dot_general3A_680 {dimension_numbers = #tpu.dot_dimension_numbers<[1], [0], [0], [1], [0, 0, 1, 1], [], []>, transpose_lhs_hint = false} : vector<400x128xf32>, vector<128x16xf32>, vector<400x16xf32> -> vector<400x16xf32>
    %sub3A_682 = arith.subf %dot_general3A_681, %get3A_56 : vector<400x16xf32>
    %add3A_683 = arith.addf %sub3A_682, %dot_general3A_679 : vector<400x16xf32>
    %add3A_684 = vector.broadcast %add3A_50 : vector<1x16xf32> to vector<400x16xf32>
    %add3A_685 = arith.addf %add3A_683, %add3A_684 : vector<400x16xf32>
    %swap3A_686 = arith.constant 0 : index
    %swap3A_687 = arith.constant 14 : index
    %swap3A_688 = arith.constant 0 : index
    %swap3A_689 = vector.load %arg15[%swap3A_686, %swap3A_687, %swap3A_688] : memref<400x16x16xf32, #tpu.memory_space<vmem>>, vector<400x1x16xf32>
    %swap3A_690 = vector.shape_cast %swap3A_689 : vector<400x1x16xf32> to vector<400x16xf32>
    %swap3A_691 = vector.shape_cast %add3A_685 : vector<400x16xf32> to vector<400x1x16xf32>
    tpu.vector_store %arg15[%swap3A_686, %swap3A_687, %swap3A_688], %swap3A_691 {strides = array<i32>} : memref<400x16x16xf32, #tpu.memory_space<vmem>>, vector<400x1x16xf32>,
    %reduce_sum3A_692 = arith.constant dense<0.000000e+00> : vector<16xf32>
    %reduce_sum3A_693 = vector.multi_reduction <add>, %add3A_685, %reduce_sum3A_692 [0] : vector<400x16xf32> to vector<16xf32>
    %broadcast_in_dim3A_694 = vector.shape_cast %reduce_sum3A_693 : vector<16xf32> to vector<1x16xf32>
    %add3A_695 = arith.addf %add3A_653, %broadcast_in_dim3A_694 : vector<1x16xf32>
    %mul3A_696 = arith.mulf %add3A_685, %add3A_685 : vector<400x16xf32>
    %reduce_sum3A_697 = arith.constant dense<0.000000e+00> : vector<16xf32>
    %reduce_sum3A_698 = vector.multi_reduction <add>, %mul3A_696, %reduce_sum3A_697 [0] : vector<400x16xf32> to vector<16xf32>
    %broadcast_in_dim3A_699 = vector.shape_cast %reduce_sum3A_698 : vector<16xf32> to vector<1x16xf32>
    %add3A_700 = arith.addf %add3A_658, %broadcast_in_dim3A_699 : vector<1x16xf32>
    %get3A_701 = arith.constant 0 : index
    %get3A_702 = arith.constant 15 : index
    %get3A_703 = arith.constant 0 : index
    %get3A_704 = vector.load %arg1[%get3A_701, %get3A_702, %get3A_703] : memref<400x16x128xf32, #tpu.memory_space<vmem>>, vector<400x1x128xf32>
    %get3A_705 = vector.shape_cast %get3A_704 : vector<400x1x128xf32> to vector<400x128xf32>
    %dot_general3A_706 = arith.constant dense<0.000000e+00> : vector<400x16xf32>
    %dot_general3A_707 = tpu.matmul %get3A_705, %get3A_59, %dot_general3A_706 {dimension_numbers = #tpu.dot_dimension_numbers<[1], [0], [0], [1], [0, 0, 1, 1], [], []>, transpose_lhs_hint = false} : vector<400x128xf32>, vector<128x16xf32>, vector<400x16xf32> -> vector<400x16xf32>
    %sub3A_708 = arith.subf %dot_general3A_707, %get3A_53 : vector<400x16xf32>
    %dot_general3A_709 = arith.constant dense<0.000000e+00> : vector<400x256xf32>
    %dot_general3A_710 = tpu.matmul %sub3A_708, %get3A_65, %dot_general3A_709 {dimension_numbers = #tpu.dot_dimension_numbers<[1], [0], [0], [1], [0, 0, 1, 1], [], []>, transpose_lhs_hint = false} : vector<400x16xf32>, vector<16x256xf32>, vector<400x256xf32> -> vector<400x256xf32>
    %add3A_711 = vector.broadcast %get3A_68 : vector<1x256xf32> to vector<400x256xf32>
    %add3A_712 = arith.addf %dot_general3A_710, %add3A_711 : vector<400x256xf32>
    %mul3A_713 = vector.broadcast %mul3A_28 : vector<1x256xf32> to vector<400x256xf32>
    %mul3A_714 = arith.mulf %add3A_712, %mul3A_713 : vector<400x256xf32>
    %add3A_715 = vector.broadcast %sub3A_30 : vector<1x256xf32> to vector<400x256xf32>
    %add3A_716 = arith.addf %mul3A_714, %add3A_715 : vector<400x256xf32>
    %max3A_717 = arith.constant 0.000000e+00 : f32
    %max3A_718 = vector.broadcast %max3A_717 : f32 to vector<400x256xf32>
    %max3A_719 = arith.maximumf %add3A_716, %max3A_718 : vector<400x256xf32>
    %dot_general3A_720 = arith.constant dense<0.000000e+00> : vector<400x16xf32>
    %dot_general3A_721 = tpu.matmul %max3A_719, %dot_general3A_38, %dot_general3A_720 {dimension_numbers = #tpu.dot_dimension_numbers<[1], [0], [0], [1], [0, 0, 1, 1], [], []>, transpose_lhs_hint = false} : vector<400x256xf32>, vector<256x16xf32>, vector<400x16xf32> -> vector<400x16xf32>
    %dot_general3A_722 = arith.constant dense<0.000000e+00> : vector<400x16xf32>
    %dot_general3A_723 = tpu.matmul %get3A_705, %get3A_62, %dot_general3A_722 {dimension_numbers = #tpu.dot_dimension_numbers<[1], [0], [0], [1], [0, 0, 1, 1], [], []>, transpose_lhs_hint = false} : vector<400x128xf32>, vector<128x16xf32>, vector<400x16xf32> -> vector<400x16xf32>
    %sub3A_724 = arith.subf %dot_general3A_723, %get3A_56 : vector<400x16xf32>
    %add3A_725 = arith.addf %sub3A_724, %dot_general3A_721 : vector<400x16xf32>
    %add3A_726 = vector.broadcast %add3A_50 : vector<1x16xf32> to vector<400x16xf32>
    %add3A_727 = arith.addf %add3A_725, %add3A_726 : vector<400x16xf32>
    %swap3A_728 = arith.constant 0 : index
    %swap3A_729 = arith.constant 15 : index
    %swap3A_730 = arith.constant 0 : index
    %swap3A_731 = vector.load %arg15[%swap3A_728, %swap3A_729, %swap3A_730] : memref<400x16x16xf32, #tpu.memory_space<vmem>>, vector<400x1x16xf32>
    %swap3A_732 = vector.shape_cast %swap3A_731 : vector<400x1x16xf32> to vector<400x16xf32>
    %swap3A_733 = vector.shape_cast %add3A_727 : vector<400x16xf32> to vector<400x1x16xf32>
    tpu.vector_store %arg15[%swap3A_728, %swap3A_729, %swap3A_730], %swap3A_733 {strides = array<i32>} : memref<400x16x16xf32, #tpu.memory_space<vmem>>, vector<400x1x16xf32>,
    %reduce_sum3A_734 = arith.constant dense<0.000000e+00> : vector<16xf32>
    %reduce_sum3A_735 = vector.multi_reduction <add>, %add3A_727, %reduce_sum3A_734 [0] : vector<400x16xf32> to vector<16xf32>
    %broadcast_in_dim3A_736 = vector.shape_cast %reduce_sum3A_735 : vector<16xf32> to vector<1x16xf32>
    %add3A_737 = arith.addf %add3A_695, %broadcast_in_dim3A_736 : vector<1x16xf32>
    %mul3A_738 = arith.mulf %add3A_727, %add3A_727 : vector<400x16xf32>
    %reduce_sum3A_739 = arith.constant dense<0.000000e+00> : vector<16xf32>
    %reduce_sum3A_740 = vector.multi_reduction <add>, %mul3A_738, %reduce_sum3A_739 [0] : vector<400x16xf32> to vector<16xf32>
    %broadcast_in_dim3A_741 = vector.shape_cast %reduce_sum3A_740 : vector<16xf32> to vector<1x16xf32>
    %add3A_742 = arith.addf %add3A_700, %broadcast_in_dim3A_741 : vector<1x16xf32>
    %eq3A = arith.constant 0 : i32
    %eq3A_743 = arith.cmpi eq, %arg0, %eq3A : i32
    %convert_element_type3A = arith.extui %eq3A_743 : i1 to i32
    %cond3A = arith.constant 0 : i32
    %cond3A_744 = arith.cmpi ne, %convert_element_type3A, %cond3A : i32
    scf.if %cond3A_744 {
      %broadcast_in_dim3A_759 = arith.constant 0.000000e+00 : f32
      %broadcast_in_dim3A_760 = vector.broadcast %broadcast_in_dim3A_759 : f32 to vector<8x16xf32>
      %swap3A_761 = arith.constant 0 : index
      %swap3A_762 = arith.constant 0 : index
      %swap3A_763 = vector.load %arg16[%swap3A_761, %swap3A_762] : memref<8x16xf32, #tpu.memory_space<vmem>>, vector<8x16xf32>
      tpu.vector_store %arg16[%swap3A_761, %swap3A_762], %broadcast_in_dim3A_760 {strides = array<i32>} : memref<8x16xf32, #tpu.memory_space<vmem>>, vector<8x16xf32>,
    } else {
    }
    %get3A_745 = arith.constant 0 : index
    %get3A_746 = arith.constant 0 : index
    %get3A_747 = vector.load %arg16[%get3A_745, %get3A_746] : memref<8x16xf32, #tpu.memory_space<vmem>>, vector<1x16xf32>
    %add3A_748 = arith.addf %get3A_747, %add3A_737 : vector<1x16xf32>
    %swap3A_749 = arith.constant 0 : index
    %swap3A_750 = arith.constant 0 : index
    %swap3A_751 = vector.load %arg16[%swap3A_749, %swap3A_750] : memref<8x16xf32, #tpu.memory_space<vmem>>, vector<1x16xf32>
    tpu.vector_store %arg16[%swap3A_749, %swap3A_750], %add3A_748 {strides = array<i32>} : memref<8x16xf32, #tpu.memory_space<vmem>>, vector<1x16xf32>,
    %get3A_752 = arith.constant 1 : index
    %get3A_753 = arith.constant 0 : index
    %get3A_754 = vector.load %arg16[%get3A_752, %get3A_753] : memref<8x16xf32, #tpu.memory_space<vmem>>, vector<1x16xf32>
    %add3A_755 = arith.addf %get3A_754, %add3A_742 : vector<1x16xf32>
    %swap3A_756 = arith.constant 1 : index
    %swap3A_757 = arith.constant 0 : index
    %swap3A_758 = vector.load %arg16[%swap3A_756, %swap3A_757] : memref<8x16xf32, #tpu.memory_space<vmem>>, vector<1x16xf32>
    tpu.vector_store %arg16[%swap3A_756, %swap3A_757], %add3A_755 {strides = array<i32>} : memref<8x16xf32, #tpu.memory_space<vmem>>, vector<1x16xf32>,
    return
  }
  func.func @transform_0(%arg0: i32) -> (i32, i32, i32) {
    %c0_i32 = arith.constant 0 : i32
    %c0_i32_0 = arith.constant 0 : i32
    %c0_i32_1 = arith.constant 0 : i32
    return %arg0, %c0_i32, %c0_i32_0 : i32, i32, i32
  }
  func.func @transform_1(%arg0: i32) -> (i32, i32) {
    %c0_i32 = arith.constant 0 : i32
    %c0_i32_0 = arith.constant 0 : i32
    return %arg0, %c0_i32 : i32, i32
  }
  func.func @transform_2(%arg0: i32) -> (i32, i32) {
    %c0_i32 = arith.constant 0 : i32
    %c0_i32_0 = arith.constant 0 : i32
    return %arg0, %c0_i32 : i32, i32
  }
  func.func @transform_3(%arg0: i32) -> (i32, i32) {
    %c0_i32 = arith.constant 0 : i32
    %c0_i32_0 = arith.constant 0 : i32
    %c0_i32_1 = arith.constant 0 : i32
    return %c0_i32, %c0_i32_0 : i32, i32
  }
  func.func @transform_4(%arg0: i32) -> (i32, i32) {
    %c0_i32 = arith.constant 0 : i32
    %c0_i32_0 = arith.constant 0 : i32
    %c0_i32_1 = arith.constant 0 : i32
    return %c0_i32, %c0_i32_0 : i32, i32
  }
  func.func @transform_5(%arg0: i32) -> (i32, i32) {
    %c0_i32 = arith.constant 0 : i32
    %c0_i32_0 = arith.constant 0 : i32
    %c0_i32_1 = arith.constant 0 : i32
    return %c0_i32, %c0_i32_0 : i32, i32
  }
  func.func @transform_6(%arg0: i32) -> (i32, i32) {
    %c0_i32 = arith.constant 0 : i32
    %c0_i32_0 = arith.constant 0 : i32
    %c0_i32_1 = arith.constant 0 : i32
    return %c0_i32, %c0_i32_0 : i32, i32
  }
  func.func @transform_7(%arg0: i32) -> (i32, i32) {
    %c0_i32 = arith.constant 0 : i32
    %c0_i32_0 = arith.constant 0 : i32
    %c0_i32_1 = arith.constant 0 : i32
    return %c0_i32, %c0_i32_0 : i32, i32
  }
  func.func @transform_8(%arg0: i32) -> (i32, i32) {
    %c0_i32 = arith.constant 0 : i32
    %c0_i32_0 = arith.constant 0 : i32
    %c0_i32_1 = arith.constant 0 : i32
    return %c0_i32, %c0_i32_0 : i32, i32
  }
  func.func @transform_9(%arg0: i32) -> (i32, i32) {
    %c0_i32 = arith.constant 0 : i32
    %c0_i32_0 = arith.constant 0 : i32
    %c0_i32_1 = arith.constant 0 : i32
    return %c0_i32, %c0_i32_0 : i32, i32
  }
  func.func @transform_10(%arg0: i32) -> (i32, i32) {
    %c0_i32 = arith.constant 0 : i32
    %c0_i32_0 = arith.constant 0 : i32
    %c0_i32_1 = arith.constant 0 : i32
    return %c0_i32, %c0_i32_0 : i32, i32
  }
  func.func @transform_11(%arg0: i32) -> (i32, i32) {
    %c0_i32 = arith.constant 0 : i32
    %c0_i32_0 = arith.constant 0 : i32
    %c0_i32_1 = arith.constant 0 : i32
    return %c0_i32, %c0_i32_0 : i32, i32
  }
  func.func @transform_12(%arg0: i32) -> (i32, i32) {
    %c0_i32 = arith.constant 0 : i32
    %c0_i32_0 = arith.constant 0 : i32
    %c0_i32_1 = arith.constant 0 : i32
    return %c0_i32, %c0_i32_0 : i32, i32
  }
  func.func @transform_13(%arg0: i32) -> (i32, i32) {
    %c0_i32 = arith.constant 0 : i32
    %c0_i32_0 = arith.constant 0 : i32
    %c0_i32_1 = arith.constant 0 : i32
    return %c0_i32, %c0_i32_0 : i32, i32
  }
  func.func @transform_14(%arg0: i32) -> (i32, i32, i32) {
    %c0_i32 = arith.constant 0 : i32
    %c0_i32_0 = arith.constant 0 : i32
    %c0_i32_1 = arith.constant 0 : i32
    return %arg0, %c0_i32, %c0_i32_0 : i32, i32, i32
  }
  func.func @transform_15(%arg0: i32) -> (i32, i32) {
    %c0_i32 = arith.constant 0 : i32
    %c0_i32_0 = arith.constant 0 : i32
    %c0_i32_1 = arith.constant 0 : i32
    return %c0_i32, %c0_i32_0 : i32, i32
  }
}

module attributes {stable_mosaic.version = 14 : i64} {
  func.func @_p5_body(%arg0: i32, %arg1: memref<400x16x128xf32, #tpu.memory_space<vmem>>, %arg2: memref<400x16x256xf32, #tpu.memory_space<vmem>>, %arg3: memref<400x16x16xf32, #tpu.memory_space<vmem>>, %arg4: memref<400x16xf32, #tpu.memory_space<vmem>>, %arg5: memref<24x16xf32, #tpu.memory_space<vmem>>, %arg6: memref<8x16xf32, #tpu.memory_space<vmem>>, %arg7: memref<128x16xf32, #tpu.memory_space<vmem>>, %arg8: memref<16x256xf32, #tpu.memory_space<vmem>>, %arg9: memref<1x256xf32, #tpu.memory_space<vmem>>, %arg10: memref<1x256xf32, #tpu.memory_space<vmem>>, %arg11: memref<1x256xf32, #tpu.memory_space<vmem>>, %arg12: memref<256x256xf32, #tpu.memory_space<vmem>>, %arg13: memref<1x256xf32, #tpu.memory_space<vmem>>, %arg14: memref<1x16xf32, #tpu.memory_space<vmem>>, %arg15: memref<1x16xf32, #tpu.memory_space<vmem>>, %arg16: memref<16x16xf32, #tpu.memory_space<vmem>>, %arg17: memref<1x16xf32, #tpu.memory_space<vmem>>, %arg18: memref<16x256xf32, #tpu.memory_space<vmem>>, %arg19: memref<400x256xf32, #tpu.memory_space<vmem>>) attributes {dimension_semantics = [#tpu.dimension_semantics<arbitrary>], iteration_bounds = array<i64: 25>, scalar_prefetch = 0 : i64, scratch_operands = 0 : i64, tpu.core_type = #tpu.core_type<tc>, window_params = [{transform_indices = @transform_0, window_bounds = array<i64: 400, 16, 128>}, {transform_indices = @transform_1, window_bounds = array<i64: 400, 16, 256>}, {transform_indices = @transform_2, window_bounds = array<i64: 400, 16, 16>}, {transform_indices = @transform_3, window_bounds = array<i64: 400, 16>}, {pipeline_mode = #tpu.pipeline_mode<synchronous>, transform_indices = @transform_4, window_bounds = array<i64: 24, 16>}, {pipeline_mode = #tpu.pipeline_mode<synchronous>, transform_indices = @transform_5, window_bounds = array<i64: 8, 16>}, {pipeline_mode = #tpu.pipeline_mode<synchronous>, transform_indices = @transform_6, window_bounds = array<i64: 128, 16>}, {pipeline_mode = #tpu.pipeline_mode<synchronous>, transform_indices = @transform_7, window_bounds = array<i64: 16, 256>}, {pipeline_mode = #tpu.pipeline_mode<synchronous>, transform_indices = @transform_8, window_bounds = array<i64: 1, 256>}, {pipeline_mode = #tpu.pipeline_mode<synchronous>, transform_indices = @transform_9, window_bounds = array<i64: 1, 256>}, {pipeline_mode = #tpu.pipeline_mode<synchronous>, transform_indices = @transform_10, window_bounds = array<i64: 1, 256>}, {pipeline_mode = #tpu.pipeline_mode<synchronous>, transform_indices = @transform_11, window_bounds = array<i64: 256, 256>}, {pipeline_mode = #tpu.pipeline_mode<synchronous>, transform_indices = @transform_12, window_bounds = array<i64: 1, 256>}, {pipeline_mode = #tpu.pipeline_mode<synchronous>, transform_indices = @transform_13, window_bounds = array<i64: 1, 16>}, {pipeline_mode = #tpu.pipeline_mode<synchronous>, transform_indices = @transform_14, window_bounds = array<i64: 1, 16>}, {pipeline_mode = #tpu.pipeline_mode<synchronous>, transform_indices = @transform_15, window_bounds = array<i64: 16, 16>}, {pipeline_mode = #tpu.pipeline_mode<synchronous>, transform_indices = @transform_16, window_bounds = array<i64: 1, 16>}, {pipeline_mode = #tpu.pipeline_mode<synchronous>, transform_indices = @transform_17, window_bounds = array<i64: 16, 256>}, {transform_indices = @transform_18, window_bounds = array<i64: 400, 256>}]} {
    %get3A = arith.constant 0 : index
    %get3A_0 = arith.constant 0 : index
    %get3A_1 = vector.load %arg5[%get3A, %get3A_0] : memref<24x16xf32, #tpu.memory_space<vmem>>, vector<24x16xf32>
    %get3A_2 = arith.constant 0 : index
    %get3A_3 = arith.constant 0 : index
    %get3A_4 = vector.load %arg8[%get3A_2, %get3A_3] : memref<16x256xf32, #tpu.memory_space<vmem>>, vector<16x256xf32>
    %get3A_5 = arith.constant 0 : index
    %get3A_6 = arith.constant 0 : index
    %get3A_7 = vector.load %arg9[%get3A_5, %get3A_6] : memref<1x256xf32, #tpu.memory_space<vmem>>, vector<1x256xf32>
    %get3A_8 = arith.constant 0 : index
    %get3A_9 = arith.constant 0 : index
    %get3A_10 = vector.load %arg10[%get3A_8, %get3A_9] : memref<1x256xf32, #tpu.memory_space<vmem>>, vector<1x256xf32>
    %get3A_11 = arith.constant 0 : index
    %get3A_12 = arith.constant 0 : index
    %get3A_13 = vector.load %arg11[%get3A_11, %get3A_12] : memref<1x256xf32, #tpu.memory_space<vmem>>, vector<1x256xf32>
    %slice3A = vector.extract_strided_slice %get3A_1 {offsets = [0, 0], sizes = [16, 16], strides = [1, 1]} : vector<24x16xf32> to vector<16x16xf32>
    %div3A = arith.constant 1.600000e+05 : f32
    %div3A_14 = vector.broadcast %div3A : f32 to vector<16x16xf32>
    %div3A_15 = arith.divf %slice3A, %div3A_14 : vector<16x16xf32>
    %slice3A_16 = vector.extract_strided_slice %get3A_1 {offsets = [16, 0], sizes = [1, 16], strides = [1, 1]} : vector<24x16xf32> to vector<1x16xf32>
    %div3A_17 = arith.constant 1.600000e+05 : f32
    %div3A_18 = vector.broadcast %div3A_17 : f32 to vector<1x16xf32>
    %div3A_19 = arith.divf %slice3A_16, %div3A_18 : vector<1x16xf32>
    %dot_general3A = arith.constant dense<0.000000e+00> : vector<16x256xf32>
    %dot_general3A_20 = tpu.matmul %div3A_15, %get3A_4, %dot_general3A {dimension_numbers = #tpu.dot_dimension_numbers<[1], [0], [0], [1], [0, 0, 1, 1], [], []>, transpose_lhs_hint = false} : vector<16x16xf32>, vector<16x256xf32>, vector<16x256xf32> -> vector<16x256xf32>
    %mul3A = arith.mulf %get3A_4, %dot_general3A_20 : vector<16x256xf32>
    %reduce_sum3A = arith.constant dense<0.000000e+00> : vector<256xf32>
    %reduce_sum3A_21 = vector.multi_reduction <add>, %mul3A, %reduce_sum3A [0] : vector<16x256xf32> to vector<256xf32>
    %broadcast_in_dim3A = vector.shape_cast %reduce_sum3A_21 : vector<256xf32> to vector<1x256xf32>
    %dot_general3A_22 = arith.constant dense<0.000000e+00> : vector<1x256xf32>
    %dot_general3A_23 = tpu.matmul %div3A_19, %get3A_4, %dot_general3A_22 {dimension_numbers = #tpu.dot_dimension_numbers<[1], [0], [0], [1], [0, 0, 1, 1], [], []>, transpose_lhs_hint = false} : vector<1x16xf32>, vector<16x256xf32>, vector<1x256xf32> -> vector<1x256xf32>
    %mul3A_24 = arith.mulf %dot_general3A_23, %dot_general3A_23 : vector<1x256xf32>
    %sub3A = arith.subf %broadcast_in_dim3A, %mul3A_24 : vector<1x256xf32>
    %add3A = arith.addf %dot_general3A_23, %get3A_7 : vector<1x256xf32>
    %add3A_25 = arith.constant 9.99999974E-6 : f32
    %add3A_26 = vector.broadcast %add3A_25 : f32 to vector<1x256xf32>
    %add3A_27 = arith.addf %sub3A, %add3A_26 : vector<1x256xf32>
    %rsqrt3A = math.rsqrt %add3A_27 : vector<1x256xf32>
    %mul3A_28 = arith.mulf %get3A_10, %rsqrt3A : vector<1x256xf32>
    %mul3A_29 = arith.mulf %add3A, %mul3A_28 : vector<1x256xf32>
    %sub3A_30 = arith.subf %get3A_13, %mul3A_29 : vector<1x256xf32>
    %get3A_31 = arith.constant 0 : index
    %get3A_32 = arith.constant 0 : index
    %get3A_33 = vector.load %arg6[%get3A_31, %get3A_32] : memref<8x16xf32, #tpu.memory_space<vmem>>, vector<8x16xf32>
    %slice3A_34 = vector.extract_strided_slice %get3A_33 {offsets = [0, 0], sizes = [1, 16], strides = [1, 1]} : vector<8x16xf32> to vector<1x16xf32>
    %slice3A_35 = vector.extract_strided_slice %get3A_33 {offsets = [1, 0], sizes = [1, 16], strides = [1, 1]} : vector<8x16xf32> to vector<1x16xf32>
    %get3A_36 = arith.constant 0 : index
    %get3A_37 = arith.constant 0 : index
    %get3A_38 = vector.load %arg14[%get3A_36, %get3A_37] : memref<1x16xf32, #tpu.memory_space<vmem>>, vector<1x16xf32>
    %get3A_39 = arith.constant 0 : index
    %get3A_40 = arith.constant 0 : index
    %get3A_41 = vector.load %arg15[%get3A_39, %get3A_40] : memref<1x16xf32, #tpu.memory_space<vmem>>, vector<1x16xf32>
    %div3A_42 = arith.constant 1.600000e+05 : f32
    %div3A_43 = vector.broadcast %div3A_42 : f32 to vector<1x16xf32>
    %div3A_44 = arith.divf %slice3A_34, %div3A_43 : vector<1x16xf32>
    %div3A_45 = arith.constant 1.600000e+05 : f32
    %div3A_46 = vector.broadcast %div3A_45 : f32 to vector<1x16xf32>
    %div3A_47 = arith.divf %slice3A_35, %div3A_46 : vector<1x16xf32>
    %mul3A_48 = arith.mulf %div3A_44, %div3A_44 : vector<1x16xf32>
    %sub3A_49 = arith.subf %div3A_47, %mul3A_48 : vector<1x16xf32>
    %add3A_50 = arith.constant 9.99999974E-6 : f32
    %add3A_51 = vector.broadcast %add3A_50 : f32 to vector<1x16xf32>
    %add3A_52 = arith.addf %sub3A_49, %add3A_51 : vector<1x16xf32>
    %rsqrt3A_53 = math.rsqrt %add3A_52 : vector<1x16xf32>
    %mul3A_54 = arith.mulf %get3A_38, %rsqrt3A_53 : vector<1x16xf32>
    %mul3A_55 = arith.mulf %div3A_44, %mul3A_54 : vector<1x16xf32>
    %sub3A_56 = arith.subf %get3A_41, %mul3A_55 : vector<1x16xf32>
    %get3A_57 = arith.constant 0 : index
    %get3A_58 = arith.constant 0 : index
    %get3A_59 = vector.load %arg16[%get3A_57, %get3A_58] : memref<16x16xf32, #tpu.memory_space<vmem>>, vector<16x16xf32>
    %get3A_60 = arith.constant 0 : index
    %get3A_61 = arith.constant 0 : index
    %get3A_62 = vector.load %arg17[%get3A_60, %get3A_61] : memref<1x16xf32, #tpu.memory_space<vmem>>, vector<1x16xf32>
    %get3A_63 = arith.constant 0 : index
    %get3A_64 = arith.constant 0 : index
    %get3A_65 = vector.load %arg4[%get3A_63, %get3A_64] : memref<400x16xf32, #tpu.memory_space<vmem>>, vector<400x16xf32>
    %get3A_66 = arith.constant 0 : index
    %get3A_67 = arith.constant 0 : index
    %get3A_68 = arith.constant 0 : index
    %get3A_69 = vector.load %arg3[%get3A_66, %get3A_67, %get3A_68] : memref<400x16x16xf32, #tpu.memory_space<vmem>>, vector<400x1x16xf32>
    %get3A_70 = vector.shape_cast %get3A_69 : vector<400x1x16xf32> to vector<400x16xf32>
    %mul3A_71 = vector.broadcast %mul3A_54 : vector<1x16xf32> to vector<400x16xf32>
    %mul3A_72 = arith.mulf %get3A_70, %mul3A_71 : vector<400x16xf32>
    %add3A_73 = vector.broadcast %sub3A_56 : vector<1x16xf32> to vector<400x16xf32>
    %add3A_74 = arith.addf %mul3A_72, %add3A_73 : vector<400x16xf32>
    %max3A = arith.constant 0.000000e+00 : f32
    %max3A_75 = vector.broadcast %max3A : f32 to vector<400x16xf32>
    %max3A_76 = arith.maximumf %add3A_74, %max3A_75 : vector<400x16xf32>
    %dot_general3A_77 = arith.constant dense<0.000000e+00> : vector<400x16xf32>
    %dot_general3A_78 = tpu.matmul %max3A_76, %get3A_59, %dot_general3A_77 {dimension_numbers = #tpu.dot_dimension_numbers<[1], [0], [0], [1], [0, 0, 1, 1], [], []>, transpose_lhs_hint = false} : vector<400x16xf32>, vector<16x16xf32>, vector<400x16xf32> -> vector<400x16xf32>
    %add3A_79 = vector.broadcast %get3A_62 : vector<1x16xf32> to vector<400x16xf32>
    %add3A_80 = arith.addf %dot_general3A_78, %add3A_79 : vector<400x16xf32>
    %get3A_81 = arith.constant 0 : index
    %get3A_82 = arith.constant 1 : index
    %get3A_83 = arith.constant 0 : index
    %get3A_84 = vector.load %arg3[%get3A_81, %get3A_82, %get3A_83] : memref<400x16x16xf32, #tpu.memory_space<vmem>>, vector<400x1x16xf32>
    %get3A_85 = vector.shape_cast %get3A_84 : vector<400x1x16xf32> to vector<400x16xf32>
    %mul3A_86 = vector.broadcast %mul3A_54 : vector<1x16xf32> to vector<400x16xf32>
    %mul3A_87 = arith.mulf %get3A_85, %mul3A_86 : vector<400x16xf32>
    %add3A_88 = vector.broadcast %sub3A_56 : vector<1x16xf32> to vector<400x16xf32>
    %add3A_89 = arith.addf %mul3A_87, %add3A_88 : vector<400x16xf32>
    %max3A_90 = arith.constant 0.000000e+00 : f32
    %max3A_91 = vector.broadcast %max3A_90 : f32 to vector<400x16xf32>
    %max3A_92 = arith.maximumf %add3A_89, %max3A_91 : vector<400x16xf32>
    %dot_general3A_93 = arith.constant dense<0.000000e+00> : vector<400x16xf32>
    %dot_general3A_94 = tpu.matmul %max3A_92, %get3A_59, %dot_general3A_93 {dimension_numbers = #tpu.dot_dimension_numbers<[1], [0], [0], [1], [0, 0, 1, 1], [], []>, transpose_lhs_hint = false} : vector<400x16xf32>, vector<16x16xf32>, vector<400x16xf32> -> vector<400x16xf32>
    %add3A_95 = vector.broadcast %get3A_62 : vector<1x16xf32> to vector<400x16xf32>
    %add3A_96 = arith.addf %dot_general3A_94, %add3A_95 : vector<400x16xf32>
    %get3A_97 = arith.constant 0 : index
    %get3A_98 = arith.constant 2 : index
    %get3A_99 = arith.constant 0 : index
    %get3A_100 = vector.load %arg3[%get3A_97, %get3A_98, %get3A_99] : memref<400x16x16xf32, #tpu.memory_space<vmem>>, vector<400x1x16xf32>
    %get3A_101 = vector.shape_cast %get3A_100 : vector<400x1x16xf32> to vector<400x16xf32>
    %mul3A_102 = vector.broadcast %mul3A_54 : vector<1x16xf32> to vector<400x16xf32>
    %mul3A_103 = arith.mulf %get3A_101, %mul3A_102 : vector<400x16xf32>
    %add3A_104 = vector.broadcast %sub3A_56 : vector<1x16xf32> to vector<400x16xf32>
    %add3A_105 = arith.addf %mul3A_103, %add3A_104 : vector<400x16xf32>
    %max3A_106 = arith.constant 0.000000e+00 : f32
    %max3A_107 = vector.broadcast %max3A_106 : f32 to vector<400x16xf32>
    %max3A_108 = arith.maximumf %add3A_105, %max3A_107 : vector<400x16xf32>
    %dot_general3A_109 = arith.constant dense<0.000000e+00> : vector<400x16xf32>
    %dot_general3A_110 = tpu.matmul %max3A_108, %get3A_59, %dot_general3A_109 {dimension_numbers = #tpu.dot_dimension_numbers<[1], [0], [0], [1], [0, 0, 1, 1], [], []>, transpose_lhs_hint = false} : vector<400x16xf32>, vector<16x16xf32>, vector<400x16xf32> -> vector<400x16xf32>
    %add3A_111 = vector.broadcast %get3A_62 : vector<1x16xf32> to vector<400x16xf32>
    %add3A_112 = arith.addf %dot_general3A_110, %add3A_111 : vector<400x16xf32>
    %get3A_113 = arith.constant 0 : index
    %get3A_114 = arith.constant 3 : index
    %get3A_115 = arith.constant 0 : index
    %get3A_116 = vector.load %arg3[%get3A_113, %get3A_114, %get3A_115] : memref<400x16x16xf32, #tpu.memory_space<vmem>>, vector<400x1x16xf32>
    %get3A_117 = vector.shape_cast %get3A_116 : vector<400x1x16xf32> to vector<400x16xf32>
    %mul3A_118 = vector.broadcast %mul3A_54 : vector<1x16xf32> to vector<400x16xf32>
    %mul3A_119 = arith.mulf %get3A_117, %mul3A_118 : vector<400x16xf32>
    %add3A_120 = vector.broadcast %sub3A_56 : vector<1x16xf32> to vector<400x16xf32>
    %add3A_121 = arith.addf %mul3A_119, %add3A_120 : vector<400x16xf32>
    %max3A_122 = arith.constant 0.000000e+00 : f32
    %max3A_123 = vector.broadcast %max3A_122 : f32 to vector<400x16xf32>
    %max3A_124 = arith.maximumf %add3A_121, %max3A_123 : vector<400x16xf32>
    %dot_general3A_125 = arith.constant dense<0.000000e+00> : vector<400x16xf32>
    %dot_general3A_126 = tpu.matmul %max3A_124, %get3A_59, %dot_general3A_125 {dimension_numbers = #tpu.dot_dimension_numbers<[1], [0], [0], [1], [0, 0, 1, 1], [], []>, transpose_lhs_hint = false} : vector<400x16xf32>, vector<16x16xf32>, vector<400x16xf32> -> vector<400x16xf32>
    %add3A_127 = vector.broadcast %get3A_62 : vector<1x16xf32> to vector<400x16xf32>
    %add3A_128 = arith.addf %dot_general3A_126, %add3A_127 : vector<400x16xf32>
    %get3A_129 = arith.constant 0 : index
    %get3A_130 = arith.constant 4 : index
    %get3A_131 = arith.constant 0 : index
    %get3A_132 = vector.load %arg3[%get3A_129, %get3A_130, %get3A_131] : memref<400x16x16xf32, #tpu.memory_space<vmem>>, vector<400x1x16xf32>
    %get3A_133 = vector.shape_cast %get3A_132 : vector<400x1x16xf32> to vector<400x16xf32>
    %mul3A_134 = vector.broadcast %mul3A_54 : vector<1x16xf32> to vector<400x16xf32>
    %mul3A_135 = arith.mulf %get3A_133, %mul3A_134 : vector<400x16xf32>
    %add3A_136 = vector.broadcast %sub3A_56 : vector<1x16xf32> to vector<400x16xf32>
    %add3A_137 = arith.addf %mul3A_135, %add3A_136 : vector<400x16xf32>
    %max3A_138 = arith.constant 0.000000e+00 : f32
    %max3A_139 = vector.broadcast %max3A_138 : f32 to vector<400x16xf32>
    %max3A_140 = arith.maximumf %add3A_137, %max3A_139 : vector<400x16xf32>
    %dot_general3A_141 = arith.constant dense<0.000000e+00> : vector<400x16xf32>
    %dot_general3A_142 = tpu.matmul %max3A_140, %get3A_59, %dot_general3A_141 {dimension_numbers = #tpu.dot_dimension_numbers<[1], [0], [0], [1], [0, 0, 1, 1], [], []>, transpose_lhs_hint = false} : vector<400x16xf32>, vector<16x16xf32>, vector<400x16xf32> -> vector<400x16xf32>
    %add3A_143 = vector.broadcast %get3A_62 : vector<1x16xf32> to vector<400x16xf32>
    %add3A_144 = arith.addf %dot_general3A_142, %add3A_143 : vector<400x16xf32>
    %get3A_145 = arith.constant 0 : index
    %get3A_146 = arith.constant 5 : index
    %get3A_147 = arith.constant 0 : index
    %get3A_148 = vector.load %arg3[%get3A_145, %get3A_146, %get3A_147] : memref<400x16x16xf32, #tpu.memory_space<vmem>>, vector<400x1x16xf32>
    %get3A_149 = vector.shape_cast %get3A_148 : vector<400x1x16xf32> to vector<400x16xf32>
    %mul3A_150 = vector.broadcast %mul3A_54 : vector<1x16xf32> to vector<400x16xf32>
    %mul3A_151 = arith.mulf %get3A_149, %mul3A_150 : vector<400x16xf32>
    %add3A_152 = vector.broadcast %sub3A_56 : vector<1x16xf32> to vector<400x16xf32>
    %add3A_153 = arith.addf %mul3A_151, %add3A_152 : vector<400x16xf32>
    %max3A_154 = arith.constant 0.000000e+00 : f32
    %max3A_155 = vector.broadcast %max3A_154 : f32 to vector<400x16xf32>
    %max3A_156 = arith.maximumf %add3A_153, %max3A_155 : vector<400x16xf32>
    %dot_general3A_157 = arith.constant dense<0.000000e+00> : vector<400x16xf32>
    %dot_general3A_158 = tpu.matmul %max3A_156, %get3A_59, %dot_general3A_157 {dimension_numbers = #tpu.dot_dimension_numbers<[1], [0], [0], [1], [0, 0, 1, 1], [], []>, transpose_lhs_hint = false} : vector<400x16xf32>, vector<16x16xf32>, vector<400x16xf32> -> vector<400x16xf32>
    %add3A_159 = vector.broadcast %get3A_62 : vector<1x16xf32> to vector<400x16xf32>
    %add3A_160 = arith.addf %dot_general3A_158, %add3A_159 : vector<400x16xf32>
    %get3A_161 = arith.constant 0 : index
    %get3A_162 = arith.constant 6 : index
    %get3A_163 = arith.constant 0 : index
    %get3A_164 = vector.load %arg3[%get3A_161, %get3A_162, %get3A_163] : memref<400x16x16xf32, #tpu.memory_space<vmem>>, vector<400x1x16xf32>
    %get3A_165 = vector.shape_cast %get3A_164 : vector<400x1x16xf32> to vector<400x16xf32>
    %mul3A_166 = vector.broadcast %mul3A_54 : vector<1x16xf32> to vector<400x16xf32>
    %mul3A_167 = arith.mulf %get3A_165, %mul3A_166 : vector<400x16xf32>
    %add3A_168 = vector.broadcast %sub3A_56 : vector<1x16xf32> to vector<400x16xf32>
    %add3A_169 = arith.addf %mul3A_167, %add3A_168 : vector<400x16xf32>
    %max3A_170 = arith.constant 0.000000e+00 : f32
    %max3A_171 = vector.broadcast %max3A_170 : f32 to vector<400x16xf32>
    %max3A_172 = arith.maximumf %add3A_169, %max3A_171 : vector<400x16xf32>
    %dot_general3A_173 = arith.constant dense<0.000000e+00> : vector<400x16xf32>
    %dot_general3A_174 = tpu.matmul %max3A_172, %get3A_59, %dot_general3A_173 {dimension_numbers = #tpu.dot_dimension_numbers<[1], [0], [0], [1], [0, 0, 1, 1], [], []>, transpose_lhs_hint = false} : vector<400x16xf32>, vector<16x16xf32>, vector<400x16xf32> -> vector<400x16xf32>
    %add3A_175 = vector.broadcast %get3A_62 : vector<1x16xf32> to vector<400x16xf32>
    %add3A_176 = arith.addf %dot_general3A_174, %add3A_175 : vector<400x16xf32>
    %get3A_177 = arith.constant 0 : index
    %get3A_178 = arith.constant 7 : index
    %get3A_179 = arith.constant 0 : index
    %get3A_180 = vector.load %arg3[%get3A_177, %get3A_178, %get3A_179] : memref<400x16x16xf32, #tpu.memory_space<vmem>>, vector<400x1x16xf32>
    %get3A_181 = vector.shape_cast %get3A_180 : vector<400x1x16xf32> to vector<400x16xf32>
    %mul3A_182 = vector.broadcast %mul3A_54 : vector<1x16xf32> to vector<400x16xf32>
    %mul3A_183 = arith.mulf %get3A_181, %mul3A_182 : vector<400x16xf32>
    %add3A_184 = vector.broadcast %sub3A_56 : vector<1x16xf32> to vector<400x16xf32>
    %add3A_185 = arith.addf %mul3A_183, %add3A_184 : vector<400x16xf32>
    %max3A_186 = arith.constant 0.000000e+00 : f32
    %max3A_187 = vector.broadcast %max3A_186 : f32 to vector<400x16xf32>
    %max3A_188 = arith.maximumf %add3A_185, %max3A_187 : vector<400x16xf32>
    %dot_general3A_189 = arith.constant dense<0.000000e+00> : vector<400x16xf32>
    %dot_general3A_190 = tpu.matmul %max3A_188, %get3A_59, %dot_general3A_189 {dimension_numbers = #tpu.dot_dimension_numbers<[1], [0], [0], [1], [0, 0, 1, 1], [], []>, transpose_lhs_hint = false} : vector<400x16xf32>, vector<16x16xf32>, vector<400x16xf32> -> vector<400x16xf32>
    %add3A_191 = vector.broadcast %get3A_62 : vector<1x16xf32> to vector<400x16xf32>
    %add3A_192 = arith.addf %dot_general3A_190, %add3A_191 : vector<400x16xf32>
    %get3A_193 = arith.constant 0 : index
    %get3A_194 = arith.constant 8 : index
    %get3A_195 = arith.constant 0 : index
    %get3A_196 = vector.load %arg3[%get3A_193, %get3A_194, %get3A_195] : memref<400x16x16xf32, #tpu.memory_space<vmem>>, vector<400x1x16xf32>
    %get3A_197 = vector.shape_cast %get3A_196 : vector<400x1x16xf32> to vector<400x16xf32>
    %mul3A_198 = vector.broadcast %mul3A_54 : vector<1x16xf32> to vector<400x16xf32>
    %mul3A_199 = arith.mulf %get3A_197, %mul3A_198 : vector<400x16xf32>
    %add3A_200 = vector.broadcast %sub3A_56 : vector<1x16xf32> to vector<400x16xf32>
    %add3A_201 = arith.addf %mul3A_199, %add3A_200 : vector<400x16xf32>
    %max3A_202 = arith.constant 0.000000e+00 : f32
    %max3A_203 = vector.broadcast %max3A_202 : f32 to vector<400x16xf32>
    %max3A_204 = arith.maximumf %add3A_201, %max3A_203 : vector<400x16xf32>
    %dot_general3A_205 = arith.constant dense<0.000000e+00> : vector<400x16xf32>
    %dot_general3A_206 = tpu.matmul %max3A_204, %get3A_59, %dot_general3A_205 {dimension_numbers = #tpu.dot_dimension_numbers<[1], [0], [0], [1], [0, 0, 1, 1], [], []>, transpose_lhs_hint = false} : vector<400x16xf32>, vector<16x16xf32>, vector<400x16xf32> -> vector<400x16xf32>
    %add3A_207 = vector.broadcast %get3A_62 : vector<1x16xf32> to vector<400x16xf32>
    %add3A_208 = arith.addf %dot_general3A_206, %add3A_207 : vector<400x16xf32>
    %get3A_209 = arith.constant 0 : index
    %get3A_210 = arith.constant 9 : index
    %get3A_211 = arith.constant 0 : index
    %get3A_212 = vector.load %arg3[%get3A_209, %get3A_210, %get3A_211] : memref<400x16x16xf32, #tpu.memory_space<vmem>>, vector<400x1x16xf32>
    %get3A_213 = vector.shape_cast %get3A_212 : vector<400x1x16xf32> to vector<400x16xf32>
    %mul3A_214 = vector.broadcast %mul3A_54 : vector<1x16xf32> to vector<400x16xf32>
    %mul3A_215 = arith.mulf %get3A_213, %mul3A_214 : vector<400x16xf32>
    %add3A_216 = vector.broadcast %sub3A_56 : vector<1x16xf32> to vector<400x16xf32>
    %add3A_217 = arith.addf %mul3A_215, %add3A_216 : vector<400x16xf32>
    %max3A_218 = arith.constant 0.000000e+00 : f32
    %max3A_219 = vector.broadcast %max3A_218 : f32 to vector<400x16xf32>
    %max3A_220 = arith.maximumf %add3A_217, %max3A_219 : vector<400x16xf32>
    %dot_general3A_221 = arith.constant dense<0.000000e+00> : vector<400x16xf32>
    %dot_general3A_222 = tpu.matmul %max3A_220, %get3A_59, %dot_general3A_221 {dimension_numbers = #tpu.dot_dimension_numbers<[1], [0], [0], [1], [0, 0, 1, 1], [], []>, transpose_lhs_hint = false} : vector<400x16xf32>, vector<16x16xf32>, vector<400x16xf32> -> vector<400x16xf32>
    %add3A_223 = vector.broadcast %get3A_62 : vector<1x16xf32> to vector<400x16xf32>
    %add3A_224 = arith.addf %dot_general3A_222, %add3A_223 : vector<400x16xf32>
    %get3A_225 = arith.constant 0 : index
    %get3A_226 = arith.constant 10 : index
    %get3A_227 = arith.constant 0 : index
    %get3A_228 = vector.load %arg3[%get3A_225, %get3A_226, %get3A_227] : memref<400x16x16xf32, #tpu.memory_space<vmem>>, vector<400x1x16xf32>
    %get3A_229 = vector.shape_cast %get3A_228 : vector<400x1x16xf32> to vector<400x16xf32>
    %mul3A_230 = vector.broadcast %mul3A_54 : vector<1x16xf32> to vector<400x16xf32>
    %mul3A_231 = arith.mulf %get3A_229, %mul3A_230 : vector<400x16xf32>
    %add3A_232 = vector.broadcast %sub3A_56 : vector<1x16xf32> to vector<400x16xf32>
    %add3A_233 = arith.addf %mul3A_231, %add3A_232 : vector<400x16xf32>
    %max3A_234 = arith.constant 0.000000e+00 : f32
    %max3A_235 = vector.broadcast %max3A_234 : f32 to vector<400x16xf32>
    %max3A_236 = arith.maximumf %add3A_233, %max3A_235 : vector<400x16xf32>
    %dot_general3A_237 = arith.constant dense<0.000000e+00> : vector<400x16xf32>
    %dot_general3A_238 = tpu.matmul %max3A_236, %get3A_59, %dot_general3A_237 {dimension_numbers = #tpu.dot_dimension_numbers<[1], [0], [0], [1], [0, 0, 1, 1], [], []>, transpose_lhs_hint = false} : vector<400x16xf32>, vector<16x16xf32>, vector<400x16xf32> -> vector<400x16xf32>
    %add3A_239 = vector.broadcast %get3A_62 : vector<1x16xf32> to vector<400x16xf32>
    %add3A_240 = arith.addf %dot_general3A_238, %add3A_239 : vector<400x16xf32>
    %get3A_241 = arith.constant 0 : index
    %get3A_242 = arith.constant 11 : index
    %get3A_243 = arith.constant 0 : index
    %get3A_244 = vector.load %arg3[%get3A_241, %get3A_242, %get3A_243] : memref<400x16x16xf32, #tpu.memory_space<vmem>>, vector<400x1x16xf32>
    %get3A_245 = vector.shape_cast %get3A_244 : vector<400x1x16xf32> to vector<400x16xf32>
    %mul3A_246 = vector.broadcast %mul3A_54 : vector<1x16xf32> to vector<400x16xf32>
    %mul3A_247 = arith.mulf %get3A_245, %mul3A_246 : vector<400x16xf32>
    %add3A_248 = vector.broadcast %sub3A_56 : vector<1x16xf32> to vector<400x16xf32>
    %add3A_249 = arith.addf %mul3A_247, %add3A_248 : vector<400x16xf32>
    %max3A_250 = arith.constant 0.000000e+00 : f32
    %max3A_251 = vector.broadcast %max3A_250 : f32 to vector<400x16xf32>
    %max3A_252 = arith.maximumf %add3A_249, %max3A_251 : vector<400x16xf32>
    %dot_general3A_253 = arith.constant dense<0.000000e+00> : vector<400x16xf32>
    %dot_general3A_254 = tpu.matmul %max3A_252, %get3A_59, %dot_general3A_253 {dimension_numbers = #tpu.dot_dimension_numbers<[1], [0], [0], [1], [0, 0, 1, 1], [], []>, transpose_lhs_hint = false} : vector<400x16xf32>, vector<16x16xf32>, vector<400x16xf32> -> vector<400x16xf32>
    %add3A_255 = vector.broadcast %get3A_62 : vector<1x16xf32> to vector<400x16xf32>
    %add3A_256 = arith.addf %dot_general3A_254, %add3A_255 : vector<400x16xf32>
    %get3A_257 = arith.constant 0 : index
    %get3A_258 = arith.constant 12 : index
    %get3A_259 = arith.constant 0 : index
    %get3A_260 = vector.load %arg3[%get3A_257, %get3A_258, %get3A_259] : memref<400x16x16xf32, #tpu.memory_space<vmem>>, vector<400x1x16xf32>
    %get3A_261 = vector.shape_cast %get3A_260 : vector<400x1x16xf32> to vector<400x16xf32>
    %mul3A_262 = vector.broadcast %mul3A_54 : vector<1x16xf32> to vector<400x16xf32>
    %mul3A_263 = arith.mulf %get3A_261, %mul3A_262 : vector<400x16xf32>
    %add3A_264 = vector.broadcast %sub3A_56 : vector<1x16xf32> to vector<400x16xf32>
    %add3A_265 = arith.addf %mul3A_263, %add3A_264 : vector<400x16xf32>
    %max3A_266 = arith.constant 0.000000e+00 : f32
    %max3A_267 = vector.broadcast %max3A_266 : f32 to vector<400x16xf32>
    %max3A_268 = arith.maximumf %add3A_265, %max3A_267 : vector<400x16xf32>
    %dot_general3A_269 = arith.constant dense<0.000000e+00> : vector<400x16xf32>
    %dot_general3A_270 = tpu.matmul %max3A_268, %get3A_59, %dot_general3A_269 {dimension_numbers = #tpu.dot_dimension_numbers<[1], [0], [0], [1], [0, 0, 1, 1], [], []>, transpose_lhs_hint = false} : vector<400x16xf32>, vector<16x16xf32>, vector<400x16xf32> -> vector<400x16xf32>
    %add3A_271 = vector.broadcast %get3A_62 : vector<1x16xf32> to vector<400x16xf32>
    %add3A_272 = arith.addf %dot_general3A_270, %add3A_271 : vector<400x16xf32>
    %get3A_273 = arith.constant 0 : index
    %get3A_274 = arith.constant 13 : index
    %get3A_275 = arith.constant 0 : index
    %get3A_276 = vector.load %arg3[%get3A_273, %get3A_274, %get3A_275] : memref<400x16x16xf32, #tpu.memory_space<vmem>>, vector<400x1x16xf32>
    %get3A_277 = vector.shape_cast %get3A_276 : vector<400x1x16xf32> to vector<400x16xf32>
    %mul3A_278 = vector.broadcast %mul3A_54 : vector<1x16xf32> to vector<400x16xf32>
    %mul3A_279 = arith.mulf %get3A_277, %mul3A_278 : vector<400x16xf32>
    %add3A_280 = vector.broadcast %sub3A_56 : vector<1x16xf32> to vector<400x16xf32>
    %add3A_281 = arith.addf %mul3A_279, %add3A_280 : vector<400x16xf32>
    %max3A_282 = arith.constant 0.000000e+00 : f32
    %max3A_283 = vector.broadcast %max3A_282 : f32 to vector<400x16xf32>
    %max3A_284 = arith.maximumf %add3A_281, %max3A_283 : vector<400x16xf32>
    %dot_general3A_285 = arith.constant dense<0.000000e+00> : vector<400x16xf32>
    %dot_general3A_286 = tpu.matmul %max3A_284, %get3A_59, %dot_general3A_285 {dimension_numbers = #tpu.dot_dimension_numbers<[1], [0], [0], [1], [0, 0, 1, 1], [], []>, transpose_lhs_hint = false} : vector<400x16xf32>, vector<16x16xf32>, vector<400x16xf32> -> vector<400x16xf32>
    %add3A_287 = vector.broadcast %get3A_62 : vector<1x16xf32> to vector<400x16xf32>
    %add3A_288 = arith.addf %dot_general3A_286, %add3A_287 : vector<400x16xf32>
    %get3A_289 = arith.constant 0 : index
    %get3A_290 = arith.constant 14 : index
    %get3A_291 = arith.constant 0 : index
    %get3A_292 = vector.load %arg3[%get3A_289, %get3A_290, %get3A_291] : memref<400x16x16xf32, #tpu.memory_space<vmem>>, vector<400x1x16xf32>
    %get3A_293 = vector.shape_cast %get3A_292 : vector<400x1x16xf32> to vector<400x16xf32>
    %mul3A_294 = vector.broadcast %mul3A_54 : vector<1x16xf32> to vector<400x16xf32>
    %mul3A_295 = arith.mulf %get3A_293, %mul3A_294 : vector<400x16xf32>
    %add3A_296 = vector.broadcast %sub3A_56 : vector<1x16xf32> to vector<400x16xf32>
    %add3A_297 = arith.addf %mul3A_295, %add3A_296 : vector<400x16xf32>
    %max3A_298 = arith.constant 0.000000e+00 : f32
    %max3A_299 = vector.broadcast %max3A_298 : f32 to vector<400x16xf32>
    %max3A_300 = arith.maximumf %add3A_297, %max3A_299 : vector<400x16xf32>
    %dot_general3A_301 = arith.constant dense<0.000000e+00> : vector<400x16xf32>
    %dot_general3A_302 = tpu.matmul %max3A_300, %get3A_59, %dot_general3A_301 {dimension_numbers = #tpu.dot_dimension_numbers<[1], [0], [0], [1], [0, 0, 1, 1], [], []>, transpose_lhs_hint = false} : vector<400x16xf32>, vector<16x16xf32>, vector<400x16xf32> -> vector<400x16xf32>
    %add3A_303 = vector.broadcast %get3A_62 : vector<1x16xf32> to vector<400x16xf32>
    %add3A_304 = arith.addf %dot_general3A_302, %add3A_303 : vector<400x16xf32>
    %get3A_305 = arith.constant 0 : index
    %get3A_306 = arith.constant 15 : index
    %get3A_307 = arith.constant 0 : index
    %get3A_308 = vector.load %arg3[%get3A_305, %get3A_306, %get3A_307] : memref<400x16x16xf32, #tpu.memory_space<vmem>>, vector<400x1x16xf32>
    %get3A_309 = vector.shape_cast %get3A_308 : vector<400x1x16xf32> to vector<400x16xf32>
    %mul3A_310 = vector.broadcast %mul3A_54 : vector<1x16xf32> to vector<400x16xf32>
    %mul3A_311 = arith.mulf %get3A_309, %mul3A_310 : vector<400x16xf32>
    %add3A_312 = vector.broadcast %sub3A_56 : vector<1x16xf32> to vector<400x16xf32>
    %add3A_313 = arith.addf %mul3A_311, %add3A_312 : vector<400x16xf32>
    %max3A_314 = arith.constant 0.000000e+00 : f32
    %max3A_315 = vector.broadcast %max3A_314 : f32 to vector<400x16xf32>
    %max3A_316 = arith.maximumf %add3A_313, %max3A_315 : vector<400x16xf32>
    %dot_general3A_317 = arith.constant dense<0.000000e+00> : vector<400x16xf32>
    %dot_general3A_318 = tpu.matmul %max3A_316, %get3A_59, %dot_general3A_317 {dimension_numbers = #tpu.dot_dimension_numbers<[1], [0], [0], [1], [0, 0, 1, 1], [], []>, transpose_lhs_hint = false} : vector<400x16xf32>, vector<16x16xf32>, vector<400x16xf32> -> vector<400x16xf32>
    %add3A_319 = vector.broadcast %get3A_62 : vector<1x16xf32> to vector<400x16xf32>
    %add3A_320 = arith.addf %dot_general3A_318, %add3A_319 : vector<400x16xf32>
    %max3A_321 = arith.maximumf %add3A_80, %add3A_96 : vector<400x16xf32>
    %max3A_322 = arith.maximumf %max3A_321, %add3A_112 : vector<400x16xf32>
    %max3A_323 = arith.maximumf %max3A_322, %add3A_128 : vector<400x16xf32>
    %max3A_324 = arith.maximumf %max3A_323, %add3A_144 : vector<400x16xf32>
    %max3A_325 = arith.maximumf %max3A_324, %add3A_160 : vector<400x16xf32>
    %max3A_326 = arith.maximumf %max3A_325, %add3A_176 : vector<400x16xf32>
    %max3A_327 = arith.maximumf %max3A_326, %add3A_192 : vector<400x16xf32>
    %max3A_328 = arith.maximumf %max3A_327, %add3A_208 : vector<400x16xf32>
    %max3A_329 = arith.maximumf %max3A_328, %add3A_224 : vector<400x16xf32>
    %max3A_330 = arith.maximumf %max3A_329, %add3A_240 : vector<400x16xf32>
    %max3A_331 = arith.maximumf %max3A_330, %add3A_256 : vector<400x16xf32>
    %max3A_332 = arith.maximumf %max3A_331, %add3A_272 : vector<400x16xf32>
    %max3A_333 = arith.maximumf %max3A_332, %add3A_288 : vector<400x16xf32>
    %max3A_334 = arith.maximumf %max3A_333, %add3A_304 : vector<400x16xf32>
    %max3A_335 = arith.maximumf %max3A_334, %add3A_320 : vector<400x16xf32>
    %sub3A_336 = arith.subf %add3A_80, %max3A_335 : vector<400x16xf32>
    %exp3A = math.exp %sub3A_336 : vector<400x16xf32>
    %sub3A_337 = arith.subf %add3A_96, %max3A_335 : vector<400x16xf32>
    %exp3A_338 = math.exp %sub3A_337 : vector<400x16xf32>
    %sub3A_339 = arith.subf %add3A_112, %max3A_335 : vector<400x16xf32>
    %exp3A_340 = math.exp %sub3A_339 : vector<400x16xf32>
    %sub3A_341 = arith.subf %add3A_128, %max3A_335 : vector<400x16xf32>
    %exp3A_342 = math.exp %sub3A_341 : vector<400x16xf32>
    %sub3A_343 = arith.subf %add3A_144, %max3A_335 : vector<400x16xf32>
    %exp3A_344 = math.exp %sub3A_343 : vector<400x16xf32>
    %sub3A_345 = arith.subf %add3A_160, %max3A_335 : vector<400x16xf32>
    %exp3A_346 = math.exp %sub3A_345 : vector<400x16xf32>
    %sub3A_347 = arith.subf %add3A_176, %max3A_335 : vector<400x16xf32>
    %exp3A_348 = math.exp %sub3A_347 : vector<400x16xf32>
    %sub3A_349 = arith.subf %add3A_192, %max3A_335 : vector<400x16xf32>
    %exp3A_350 = math.exp %sub3A_349 : vector<400x16xf32>
    %sub3A_351 = arith.subf %add3A_208, %max3A_335 : vector<400x16xf32>
    %exp3A_352 = math.exp %sub3A_351 : vector<400x16xf32>
    %sub3A_353 = arith.subf %add3A_224, %max3A_335 : vector<400x16xf32>
    %exp3A_354 = math.exp %sub3A_353 : vector<400x16xf32>
    %sub3A_355 = arith.subf %add3A_240, %max3A_335 : vector<400x16xf32>
    %exp3A_356 = math.exp %sub3A_355 : vector<400x16xf32>
    %sub3A_357 = arith.subf %add3A_256, %max3A_335 : vector<400x16xf32>
    %exp3A_358 = math.exp %sub3A_357 : vector<400x16xf32>
    %sub3A_359 = arith.subf %add3A_272, %max3A_335 : vector<400x16xf32>
    %exp3A_360 = math.exp %sub3A_359 : vector<400x16xf32>
    %sub3A_361 = arith.subf %add3A_288, %max3A_335 : vector<400x16xf32>
    %exp3A_362 = math.exp %sub3A_361 : vector<400x16xf32>
    %sub3A_363 = arith.subf %add3A_304, %max3A_335 : vector<400x16xf32>
    %exp3A_364 = math.exp %sub3A_363 : vector<400x16xf32>
    %sub3A_365 = arith.subf %add3A_320, %max3A_335 : vector<400x16xf32>
    %exp3A_366 = math.exp %sub3A_365 : vector<400x16xf32>
    %add3A_367 = arith.addf %exp3A, %exp3A_338 : vector<400x16xf32>
    %add3A_368 = arith.addf %add3A_367, %exp3A_340 : vector<400x16xf32>
    %add3A_369 = arith.addf %add3A_368, %exp3A_342 : vector<400x16xf32>
    %add3A_370 = arith.addf %add3A_369, %exp3A_344 : vector<400x16xf32>
    %add3A_371 = arith.addf %add3A_370, %exp3A_346 : vector<400x16xf32>
    %add3A_372 = arith.addf %add3A_371, %exp3A_348 : vector<400x16xf32>
    %add3A_373 = arith.addf %add3A_372, %exp3A_350 : vector<400x16xf32>
    %add3A_374 = arith.addf %add3A_373, %exp3A_352 : vector<400x16xf32>
    %add3A_375 = arith.addf %add3A_374, %exp3A_354 : vector<400x16xf32>
    %add3A_376 = arith.addf %add3A_375, %exp3A_356 : vector<400x16xf32>
    %add3A_377 = arith.addf %add3A_376, %exp3A_358 : vector<400x16xf32>
    %add3A_378 = arith.addf %add3A_377, %exp3A_360 : vector<400x16xf32>
    %add3A_379 = arith.addf %add3A_378, %exp3A_362 : vector<400x16xf32>
    %add3A_380 = arith.addf %add3A_379, %exp3A_364 : vector<400x16xf32>
    %add3A_381 = arith.addf %add3A_380, %exp3A_366 : vector<400x16xf32>
    %div3A_382 = arith.constant 1.000000e+00 : f32
    %div3A_383 = vector.broadcast %div3A_382 : f32 to vector<400x16xf32>
    %div3A_384 = arith.divf %div3A_383, %add3A_381 : vector<400x16xf32>
    %get3A_385 = arith.constant 0 : index
    %get3A_386 = arith.constant 0 : index
    %get3A_387 = vector.load %arg12[%get3A_385, %get3A_386] : memref<256x256xf32, #tpu.memory_space<vmem>>, vector<256x256xf32>
    %get3A_388 = arith.constant 0 : index
    %get3A_389 = arith.constant 0 : index
    %get3A_390 = vector.load %arg13[%get3A_388, %get3A_389] : memref<1x256xf32, #tpu.memory_space<vmem>>, vector<1x256xf32>
    %get3A_391 = arith.constant 0 : index
    %get3A_392 = arith.constant 0 : index
    %get3A_393 = vector.load %arg8[%get3A_391, %get3A_392] : memref<16x256xf32, #tpu.memory_space<vmem>>, vector<16x256xf32>
    %get3A_394 = arith.constant 0 : index
    %get3A_395 = arith.constant 0 : index
    %get3A_396 = vector.load %arg9[%get3A_394, %get3A_395] : memref<1x256xf32, #tpu.memory_space<vmem>>, vector<1x256xf32>
    %get3A_397 = arith.constant 0 : index
    %get3A_398 = arith.constant 0 : index
    %get3A_399 = vector.load %arg18[%get3A_397, %get3A_398] : memref<16x256xf32, #tpu.memory_space<vmem>>, vector<16x256xf32>
    %get3A_400 = arith.constant 0 : index
    %get3A_401 = arith.constant 0 : index
    %get3A_402 = vector.load %arg7[%get3A_400, %get3A_401] : memref<128x16xf32, #tpu.memory_space<vmem>>, vector<128x16xf32>
    %broadcast_in_dim3A_403 = arith.constant 0.000000e+00 : f32
    %broadcast_in_dim3A_404 = vector.broadcast %broadcast_in_dim3A_403 : f32 to vector<400x256xf32>
    %mul3A_405 = arith.mulf %exp3A, %div3A_384 : vector<400x16xf32>
    %dot_general3A_406 = arith.constant dense<0.000000e+00> : vector<400x256xf32>
    %dot_general3A_407 = tpu.matmul %mul3A_405, %get3A_399, %dot_general3A_406 {dimension_numbers = #tpu.dot_dimension_numbers<[1], [0], [0], [1], [0, 0, 1, 1], [], []>, transpose_lhs_hint = false} : vector<400x16xf32>, vector<16x256xf32>, vector<400x256xf32> -> vector<400x256xf32>
    %get3A_408 = arith.constant 0 : index
    %get3A_409 = arith.constant 0 : index
    %get3A_410 = arith.constant 0 : index
    %get3A_411 = vector.load %arg1[%get3A_408, %get3A_409, %get3A_410] : memref<400x16x128xf32, #tpu.memory_space<vmem>>, vector<400x1x128xf32>
    %get3A_412 = vector.shape_cast %get3A_411 : vector<400x1x128xf32> to vector<400x128xf32>
    %dot_general3A_413 = arith.constant dense<0.000000e+00> : vector<400x16xf32>
    %dot_general3A_414 = tpu.matmul %get3A_412, %get3A_402, %dot_general3A_413 {dimension_numbers = #tpu.dot_dimension_numbers<[1], [0], [0], [1], [0, 0, 1, 1], [], []>, transpose_lhs_hint = false} : vector<400x128xf32>, vector<128x16xf32>, vector<400x16xf32> -> vector<400x16xf32>
    %sub3A_415 = arith.subf %dot_general3A_414, %get3A_65 : vector<400x16xf32>
    %dot_general3A_416 = arith.constant dense<0.000000e+00> : vector<400x256xf32>
    %dot_general3A_417 = tpu.matmul %sub3A_415, %get3A_393, %dot_general3A_416 {dimension_numbers = #tpu.dot_dimension_numbers<[1], [0], [0], [1], [0, 0, 1, 1], [], []>, transpose_lhs_hint = false} : vector<400x16xf32>, vector<16x256xf32>, vector<400x256xf32> -> vector<400x256xf32>
    %add3A_418 = vector.broadcast %get3A_396 : vector<1x256xf32> to vector<400x256xf32>
    %add3A_419 = arith.addf %dot_general3A_417, %add3A_418 : vector<400x256xf32>
    %mul3A_420 = vector.broadcast %mul3A_28 : vector<1x256xf32> to vector<400x256xf32>
    %mul3A_421 = arith.mulf %add3A_419, %mul3A_420 : vector<400x256xf32>
    %add3A_422 = vector.broadcast %sub3A_30 : vector<1x256xf32> to vector<400x256xf32>
    %add3A_423 = arith.addf %mul3A_421, %add3A_422 : vector<400x256xf32>
    %max3A_424 = arith.constant 0.000000e+00 : f32
    %max3A_425 = vector.broadcast %max3A_424 : f32 to vector<400x256xf32>
    %max3A_426 = arith.maximumf %add3A_423, %max3A_425 : vector<400x256xf32>
    %dot_general3A_427 = arith.constant dense<0.000000e+00> : vector<400x256xf32>
    %dot_general3A_428 = tpu.matmul %max3A_426, %get3A_387, %dot_general3A_427 {dimension_numbers = #tpu.dot_dimension_numbers<[1], [0], [0], [1], [0, 0, 1, 1], [], []>, transpose_lhs_hint = false} : vector<400x256xf32>, vector<256x256xf32>, vector<400x256xf32> -> vector<400x256xf32>
    %add3A_429 = vector.broadcast %get3A_390 : vector<1x256xf32> to vector<400x256xf32>
    %add3A_430 = arith.addf %dot_general3A_428, %add3A_429 : vector<400x256xf32>
    %get3A_431 = arith.constant 0 : index
    %get3A_432 = arith.constant 0 : index
    %get3A_433 = arith.constant 0 : index
    %get3A_434 = vector.load %arg2[%get3A_431, %get3A_432, %get3A_433] : memref<400x16x256xf32, #tpu.memory_space<vmem>>, vector<400x1x256xf32>
    %get3A_435 = vector.shape_cast %get3A_434 : vector<400x1x256xf32> to vector<400x256xf32>
    %add3A_436 = arith.addf %get3A_435, %add3A_430 : vector<400x256xf32>
    %mul3A_437 = arith.mulf %dot_general3A_407, %add3A_436 : vector<400x256xf32>
    %add3A_438 = arith.addf %broadcast_in_dim3A_404, %mul3A_437 : vector<400x256xf32>
    %mul3A_439 = arith.mulf %exp3A_338, %div3A_384 : vector<400x16xf32>
    %dot_general3A_440 = arith.constant dense<0.000000e+00> : vector<400x256xf32>
    %dot_general3A_441 = tpu.matmul %mul3A_439, %get3A_399, %dot_general3A_440 {dimension_numbers = #tpu.dot_dimension_numbers<[1], [0], [0], [1], [0, 0, 1, 1], [], []>, transpose_lhs_hint = false} : vector<400x16xf32>, vector<16x256xf32>, vector<400x256xf32> -> vector<400x256xf32>
    %get3A_442 = arith.constant 0 : index
    %get3A_443 = arith.constant 1 : index
    %get3A_444 = arith.constant 0 : index
    %get3A_445 = vector.load %arg1[%get3A_442, %get3A_443, %get3A_444] : memref<400x16x128xf32, #tpu.memory_space<vmem>>, vector<400x1x128xf32>
    %get3A_446 = vector.shape_cast %get3A_445 : vector<400x1x128xf32> to vector<400x128xf32>
    %dot_general3A_447 = arith.constant dense<0.000000e+00> : vector<400x16xf32>
    %dot_general3A_448 = tpu.matmul %get3A_446, %get3A_402, %dot_general3A_447 {dimension_numbers = #tpu.dot_dimension_numbers<[1], [0], [0], [1], [0, 0, 1, 1], [], []>, transpose_lhs_hint = false} : vector<400x128xf32>, vector<128x16xf32>, vector<400x16xf32> -> vector<400x16xf32>
    %sub3A_449 = arith.subf %dot_general3A_448, %get3A_65 : vector<400x16xf32>
    %dot_general3A_450 = arith.constant dense<0.000000e+00> : vector<400x256xf32>
    %dot_general3A_451 = tpu.matmul %sub3A_449, %get3A_393, %dot_general3A_450 {dimension_numbers = #tpu.dot_dimension_numbers<[1], [0], [0], [1], [0, 0, 1, 1], [], []>, transpose_lhs_hint = false} : vector<400x16xf32>, vector<16x256xf32>, vector<400x256xf32> -> vector<400x256xf32>
    %add3A_452 = vector.broadcast %get3A_396 : vector<1x256xf32> to vector<400x256xf32>
    %add3A_453 = arith.addf %dot_general3A_451, %add3A_452 : vector<400x256xf32>
    %mul3A_454 = vector.broadcast %mul3A_28 : vector<1x256xf32> to vector<400x256xf32>
    %mul3A_455 = arith.mulf %add3A_453, %mul3A_454 : vector<400x256xf32>
    %add3A_456 = vector.broadcast %sub3A_30 : vector<1x256xf32> to vector<400x256xf32>
    %add3A_457 = arith.addf %mul3A_455, %add3A_456 : vector<400x256xf32>
    %max3A_458 = arith.constant 0.000000e+00 : f32
    %max3A_459 = vector.broadcast %max3A_458 : f32 to vector<400x256xf32>
    %max3A_460 = arith.maximumf %add3A_457, %max3A_459 : vector<400x256xf32>
    %dot_general3A_461 = arith.constant dense<0.000000e+00> : vector<400x256xf32>
    %dot_general3A_462 = tpu.matmul %max3A_460, %get3A_387, %dot_general3A_461 {dimension_numbers = #tpu.dot_dimension_numbers<[1], [0], [0], [1], [0, 0, 1, 1], [], []>, transpose_lhs_hint = false} : vector<400x256xf32>, vector<256x256xf32>, vector<400x256xf32> -> vector<400x256xf32>
    %add3A_463 = vector.broadcast %get3A_390 : vector<1x256xf32> to vector<400x256xf32>
    %add3A_464 = arith.addf %dot_general3A_462, %add3A_463 : vector<400x256xf32>
    %get3A_465 = arith.constant 0 : index
    %get3A_466 = arith.constant 1 : index
    %get3A_467 = arith.constant 0 : index
    %get3A_468 = vector.load %arg2[%get3A_465, %get3A_466, %get3A_467] : memref<400x16x256xf32, #tpu.memory_space<vmem>>, vector<400x1x256xf32>
    %get3A_469 = vector.shape_cast %get3A_468 : vector<400x1x256xf32> to vector<400x256xf32>
    %add3A_470 = arith.addf %get3A_469, %add3A_464 : vector<400x256xf32>
    %mul3A_471 = arith.mulf %dot_general3A_441, %add3A_470 : vector<400x256xf32>
    %add3A_472 = arith.addf %add3A_438, %mul3A_471 : vector<400x256xf32>
    %mul3A_473 = arith.mulf %exp3A_340, %div3A_384 : vector<400x16xf32>
    %dot_general3A_474 = arith.constant dense<0.000000e+00> : vector<400x256xf32>
    %dot_general3A_475 = tpu.matmul %mul3A_473, %get3A_399, %dot_general3A_474 {dimension_numbers = #tpu.dot_dimension_numbers<[1], [0], [0], [1], [0, 0, 1, 1], [], []>, transpose_lhs_hint = false} : vector<400x16xf32>, vector<16x256xf32>, vector<400x256xf32> -> vector<400x256xf32>
    %get3A_476 = arith.constant 0 : index
    %get3A_477 = arith.constant 2 : index
    %get3A_478 = arith.constant 0 : index
    %get3A_479 = vector.load %arg1[%get3A_476, %get3A_477, %get3A_478] : memref<400x16x128xf32, #tpu.memory_space<vmem>>, vector<400x1x128xf32>
    %get3A_480 = vector.shape_cast %get3A_479 : vector<400x1x128xf32> to vector<400x128xf32>
    %dot_general3A_481 = arith.constant dense<0.000000e+00> : vector<400x16xf32>
    %dot_general3A_482 = tpu.matmul %get3A_480, %get3A_402, %dot_general3A_481 {dimension_numbers = #tpu.dot_dimension_numbers<[1], [0], [0], [1], [0, 0, 1, 1], [], []>, transpose_lhs_hint = false} : vector<400x128xf32>, vector<128x16xf32>, vector<400x16xf32> -> vector<400x16xf32>
    %sub3A_483 = arith.subf %dot_general3A_482, %get3A_65 : vector<400x16xf32>
    %dot_general3A_484 = arith.constant dense<0.000000e+00> : vector<400x256xf32>
    %dot_general3A_485 = tpu.matmul %sub3A_483, %get3A_393, %dot_general3A_484 {dimension_numbers = #tpu.dot_dimension_numbers<[1], [0], [0], [1], [0, 0, 1, 1], [], []>, transpose_lhs_hint = false} : vector<400x16xf32>, vector<16x256xf32>, vector<400x256xf32> -> vector<400x256xf32>
    %add3A_486 = vector.broadcast %get3A_396 : vector<1x256xf32> to vector<400x256xf32>
    %add3A_487 = arith.addf %dot_general3A_485, %add3A_486 : vector<400x256xf32>
    %mul3A_488 = vector.broadcast %mul3A_28 : vector<1x256xf32> to vector<400x256xf32>
    %mul3A_489 = arith.mulf %add3A_487, %mul3A_488 : vector<400x256xf32>
    %add3A_490 = vector.broadcast %sub3A_30 : vector<1x256xf32> to vector<400x256xf32>
    %add3A_491 = arith.addf %mul3A_489, %add3A_490 : vector<400x256xf32>
    %max3A_492 = arith.constant 0.000000e+00 : f32
    %max3A_493 = vector.broadcast %max3A_492 : f32 to vector<400x256xf32>
    %max3A_494 = arith.maximumf %add3A_491, %max3A_493 : vector<400x256xf32>
    %dot_general3A_495 = arith.constant dense<0.000000e+00> : vector<400x256xf32>
    %dot_general3A_496 = tpu.matmul %max3A_494, %get3A_387, %dot_general3A_495 {dimension_numbers = #tpu.dot_dimension_numbers<[1], [0], [0], [1], [0, 0, 1, 1], [], []>, transpose_lhs_hint = false} : vector<400x256xf32>, vector<256x256xf32>, vector<400x256xf32> -> vector<400x256xf32>
    %add3A_497 = vector.broadcast %get3A_390 : vector<1x256xf32> to vector<400x256xf32>
    %add3A_498 = arith.addf %dot_general3A_496, %add3A_497 : vector<400x256xf32>
    %get3A_499 = arith.constant 0 : index
    %get3A_500 = arith.constant 2 : index
    %get3A_501 = arith.constant 0 : index
    %get3A_502 = vector.load %arg2[%get3A_499, %get3A_500, %get3A_501] : memref<400x16x256xf32, #tpu.memory_space<vmem>>, vector<400x1x256xf32>
    %get3A_503 = vector.shape_cast %get3A_502 : vector<400x1x256xf32> to vector<400x256xf32>
    %add3A_504 = arith.addf %get3A_503, %add3A_498 : vector<400x256xf32>
    %mul3A_505 = arith.mulf %dot_general3A_475, %add3A_504 : vector<400x256xf32>
    %add3A_506 = arith.addf %add3A_472, %mul3A_505 : vector<400x256xf32>
    %mul3A_507 = arith.mulf %exp3A_342, %div3A_384 : vector<400x16xf32>
    %dot_general3A_508 = arith.constant dense<0.000000e+00> : vector<400x256xf32>
    %dot_general3A_509 = tpu.matmul %mul3A_507, %get3A_399, %dot_general3A_508 {dimension_numbers = #tpu.dot_dimension_numbers<[1], [0], [0], [1], [0, 0, 1, 1], [], []>, transpose_lhs_hint = false} : vector<400x16xf32>, vector<16x256xf32>, vector<400x256xf32> -> vector<400x256xf32>
    %get3A_510 = arith.constant 0 : index
    %get3A_511 = arith.constant 3 : index
    %get3A_512 = arith.constant 0 : index
    %get3A_513 = vector.load %arg1[%get3A_510, %get3A_511, %get3A_512] : memref<400x16x128xf32, #tpu.memory_space<vmem>>, vector<400x1x128xf32>
    %get3A_514 = vector.shape_cast %get3A_513 : vector<400x1x128xf32> to vector<400x128xf32>
    %dot_general3A_515 = arith.constant dense<0.000000e+00> : vector<400x16xf32>
    %dot_general3A_516 = tpu.matmul %get3A_514, %get3A_402, %dot_general3A_515 {dimension_numbers = #tpu.dot_dimension_numbers<[1], [0], [0], [1], [0, 0, 1, 1], [], []>, transpose_lhs_hint = false} : vector<400x128xf32>, vector<128x16xf32>, vector<400x16xf32> -> vector<400x16xf32>
    %sub3A_517 = arith.subf %dot_general3A_516, %get3A_65 : vector<400x16xf32>
    %dot_general3A_518 = arith.constant dense<0.000000e+00> : vector<400x256xf32>
    %dot_general3A_519 = tpu.matmul %sub3A_517, %get3A_393, %dot_general3A_518 {dimension_numbers = #tpu.dot_dimension_numbers<[1], [0], [0], [1], [0, 0, 1, 1], [], []>, transpose_lhs_hint = false} : vector<400x16xf32>, vector<16x256xf32>, vector<400x256xf32> -> vector<400x256xf32>
    %add3A_520 = vector.broadcast %get3A_396 : vector<1x256xf32> to vector<400x256xf32>
    %add3A_521 = arith.addf %dot_general3A_519, %add3A_520 : vector<400x256xf32>
    %mul3A_522 = vector.broadcast %mul3A_28 : vector<1x256xf32> to vector<400x256xf32>
    %mul3A_523 = arith.mulf %add3A_521, %mul3A_522 : vector<400x256xf32>
    %add3A_524 = vector.broadcast %sub3A_30 : vector<1x256xf32> to vector<400x256xf32>
    %add3A_525 = arith.addf %mul3A_523, %add3A_524 : vector<400x256xf32>
    %max3A_526 = arith.constant 0.000000e+00 : f32
    %max3A_527 = vector.broadcast %max3A_526 : f32 to vector<400x256xf32>
    %max3A_528 = arith.maximumf %add3A_525, %max3A_527 : vector<400x256xf32>
    %dot_general3A_529 = arith.constant dense<0.000000e+00> : vector<400x256xf32>
    %dot_general3A_530 = tpu.matmul %max3A_528, %get3A_387, %dot_general3A_529 {dimension_numbers = #tpu.dot_dimension_numbers<[1], [0], [0], [1], [0, 0, 1, 1], [], []>, transpose_lhs_hint = false} : vector<400x256xf32>, vector<256x256xf32>, vector<400x256xf32> -> vector<400x256xf32>
    %add3A_531 = vector.broadcast %get3A_390 : vector<1x256xf32> to vector<400x256xf32>
    %add3A_532 = arith.addf %dot_general3A_530, %add3A_531 : vector<400x256xf32>
    %get3A_533 = arith.constant 0 : index
    %get3A_534 = arith.constant 3 : index
    %get3A_535 = arith.constant 0 : index
    %get3A_536 = vector.load %arg2[%get3A_533, %get3A_534, %get3A_535] : memref<400x16x256xf32, #tpu.memory_space<vmem>>, vector<400x1x256xf32>
    %get3A_537 = vector.shape_cast %get3A_536 : vector<400x1x256xf32> to vector<400x256xf32>
    %add3A_538 = arith.addf %get3A_537, %add3A_532 : vector<400x256xf32>
    %mul3A_539 = arith.mulf %dot_general3A_509, %add3A_538 : vector<400x256xf32>
    %add3A_540 = arith.addf %add3A_506, %mul3A_539 : vector<400x256xf32>
    %mul3A_541 = arith.mulf %exp3A_344, %div3A_384 : vector<400x16xf32>
    %dot_general3A_542 = arith.constant dense<0.000000e+00> : vector<400x256xf32>
    %dot_general3A_543 = tpu.matmul %mul3A_541, %get3A_399, %dot_general3A_542 {dimension_numbers = #tpu.dot_dimension_numbers<[1], [0], [0], [1], [0, 0, 1, 1], [], []>, transpose_lhs_hint = false} : vector<400x16xf32>, vector<16x256xf32>, vector<400x256xf32> -> vector<400x256xf32>
    %get3A_544 = arith.constant 0 : index
    %get3A_545 = arith.constant 4 : index
    %get3A_546 = arith.constant 0 : index
    %get3A_547 = vector.load %arg1[%get3A_544, %get3A_545, %get3A_546] : memref<400x16x128xf32, #tpu.memory_space<vmem>>, vector<400x1x128xf32>
    %get3A_548 = vector.shape_cast %get3A_547 : vector<400x1x128xf32> to vector<400x128xf32>
    %dot_general3A_549 = arith.constant dense<0.000000e+00> : vector<400x16xf32>
    %dot_general3A_550 = tpu.matmul %get3A_548, %get3A_402, %dot_general3A_549 {dimension_numbers = #tpu.dot_dimension_numbers<[1], [0], [0], [1], [0, 0, 1, 1], [], []>, transpose_lhs_hint = false} : vector<400x128xf32>, vector<128x16xf32>, vector<400x16xf32> -> vector<400x16xf32>
    %sub3A_551 = arith.subf %dot_general3A_550, %get3A_65 : vector<400x16xf32>
    %dot_general3A_552 = arith.constant dense<0.000000e+00> : vector<400x256xf32>
    %dot_general3A_553 = tpu.matmul %sub3A_551, %get3A_393, %dot_general3A_552 {dimension_numbers = #tpu.dot_dimension_numbers<[1], [0], [0], [1], [0, 0, 1, 1], [], []>, transpose_lhs_hint = false} : vector<400x16xf32>, vector<16x256xf32>, vector<400x256xf32> -> vector<400x256xf32>
    %add3A_554 = vector.broadcast %get3A_396 : vector<1x256xf32> to vector<400x256xf32>
    %add3A_555 = arith.addf %dot_general3A_553, %add3A_554 : vector<400x256xf32>
    %mul3A_556 = vector.broadcast %mul3A_28 : vector<1x256xf32> to vector<400x256xf32>
    %mul3A_557 = arith.mulf %add3A_555, %mul3A_556 : vector<400x256xf32>
    %add3A_558 = vector.broadcast %sub3A_30 : vector<1x256xf32> to vector<400x256xf32>
    %add3A_559 = arith.addf %mul3A_557, %add3A_558 : vector<400x256xf32>
    %max3A_560 = arith.constant 0.000000e+00 : f32
    %max3A_561 = vector.broadcast %max3A_560 : f32 to vector<400x256xf32>
    %max3A_562 = arith.maximumf %add3A_559, %max3A_561 : vector<400x256xf32>
    %dot_general3A_563 = arith.constant dense<0.000000e+00> : vector<400x256xf32>
    %dot_general3A_564 = tpu.matmul %max3A_562, %get3A_387, %dot_general3A_563 {dimension_numbers = #tpu.dot_dimension_numbers<[1], [0], [0], [1], [0, 0, 1, 1], [], []>, transpose_lhs_hint = false} : vector<400x256xf32>, vector<256x256xf32>, vector<400x256xf32> -> vector<400x256xf32>
    %add3A_565 = vector.broadcast %get3A_390 : vector<1x256xf32> to vector<400x256xf32>
    %add3A_566 = arith.addf %dot_general3A_564, %add3A_565 : vector<400x256xf32>
    %get3A_567 = arith.constant 0 : index
    %get3A_568 = arith.constant 4 : index
    %get3A_569 = arith.constant 0 : index
    %get3A_570 = vector.load %arg2[%get3A_567, %get3A_568, %get3A_569] : memref<400x16x256xf32, #tpu.memory_space<vmem>>, vector<400x1x256xf32>
    %get3A_571 = vector.shape_cast %get3A_570 : vector<400x1x256xf32> to vector<400x256xf32>
    %add3A_572 = arith.addf %get3A_571, %add3A_566 : vector<400x256xf32>
    %mul3A_573 = arith.mulf %dot_general3A_543, %add3A_572 : vector<400x256xf32>
    %add3A_574 = arith.addf %add3A_540, %mul3A_573 : vector<400x256xf32>
    %mul3A_575 = arith.mulf %exp3A_346, %div3A_384 : vector<400x16xf32>
    %dot_general3A_576 = arith.constant dense<0.000000e+00> : vector<400x256xf32>
    %dot_general3A_577 = tpu.matmul %mul3A_575, %get3A_399, %dot_general3A_576 {dimension_numbers = #tpu.dot_dimension_numbers<[1], [0], [0], [1], [0, 0, 1, 1], [], []>, transpose_lhs_hint = false} : vector<400x16xf32>, vector<16x256xf32>, vector<400x256xf32> -> vector<400x256xf32>
    %get3A_578 = arith.constant 0 : index
    %get3A_579 = arith.constant 5 : index
    %get3A_580 = arith.constant 0 : index
    %get3A_581 = vector.load %arg1[%get3A_578, %get3A_579, %get3A_580] : memref<400x16x128xf32, #tpu.memory_space<vmem>>, vector<400x1x128xf32>
    %get3A_582 = vector.shape_cast %get3A_581 : vector<400x1x128xf32> to vector<400x128xf32>
    %dot_general3A_583 = arith.constant dense<0.000000e+00> : vector<400x16xf32>
    %dot_general3A_584 = tpu.matmul %get3A_582, %get3A_402, %dot_general3A_583 {dimension_numbers = #tpu.dot_dimension_numbers<[1], [0], [0], [1], [0, 0, 1, 1], [], []>, transpose_lhs_hint = false} : vector<400x128xf32>, vector<128x16xf32>, vector<400x16xf32> -> vector<400x16xf32>
    %sub3A_585 = arith.subf %dot_general3A_584, %get3A_65 : vector<400x16xf32>
    %dot_general3A_586 = arith.constant dense<0.000000e+00> : vector<400x256xf32>
    %dot_general3A_587 = tpu.matmul %sub3A_585, %get3A_393, %dot_general3A_586 {dimension_numbers = #tpu.dot_dimension_numbers<[1], [0], [0], [1], [0, 0, 1, 1], [], []>, transpose_lhs_hint = false} : vector<400x16xf32>, vector<16x256xf32>, vector<400x256xf32> -> vector<400x256xf32>
    %add3A_588 = vector.broadcast %get3A_396 : vector<1x256xf32> to vector<400x256xf32>
    %add3A_589 = arith.addf %dot_general3A_587, %add3A_588 : vector<400x256xf32>
    %mul3A_590 = vector.broadcast %mul3A_28 : vector<1x256xf32> to vector<400x256xf32>
    %mul3A_591 = arith.mulf %add3A_589, %mul3A_590 : vector<400x256xf32>
    %add3A_592 = vector.broadcast %sub3A_30 : vector<1x256xf32> to vector<400x256xf32>
    %add3A_593 = arith.addf %mul3A_591, %add3A_592 : vector<400x256xf32>
    %max3A_594 = arith.constant 0.000000e+00 : f32
    %max3A_595 = vector.broadcast %max3A_594 : f32 to vector<400x256xf32>
    %max3A_596 = arith.maximumf %add3A_593, %max3A_595 : vector<400x256xf32>
    %dot_general3A_597 = arith.constant dense<0.000000e+00> : vector<400x256xf32>
    %dot_general3A_598 = tpu.matmul %max3A_596, %get3A_387, %dot_general3A_597 {dimension_numbers = #tpu.dot_dimension_numbers<[1], [0], [0], [1], [0, 0, 1, 1], [], []>, transpose_lhs_hint = false} : vector<400x256xf32>, vector<256x256xf32>, vector<400x256xf32> -> vector<400x256xf32>
    %add3A_599 = vector.broadcast %get3A_390 : vector<1x256xf32> to vector<400x256xf32>
    %add3A_600 = arith.addf %dot_general3A_598, %add3A_599 : vector<400x256xf32>
    %get3A_601 = arith.constant 0 : index
    %get3A_602 = arith.constant 5 : index
    %get3A_603 = arith.constant 0 : index
    %get3A_604 = vector.load %arg2[%get3A_601, %get3A_602, %get3A_603] : memref<400x16x256xf32, #tpu.memory_space<vmem>>, vector<400x1x256xf32>
    %get3A_605 = vector.shape_cast %get3A_604 : vector<400x1x256xf32> to vector<400x256xf32>
    %add3A_606 = arith.addf %get3A_605, %add3A_600 : vector<400x256xf32>
    %mul3A_607 = arith.mulf %dot_general3A_577, %add3A_606 : vector<400x256xf32>
    %add3A_608 = arith.addf %add3A_574, %mul3A_607 : vector<400x256xf32>
    %mul3A_609 = arith.mulf %exp3A_348, %div3A_384 : vector<400x16xf32>
    %dot_general3A_610 = arith.constant dense<0.000000e+00> : vector<400x256xf32>
    %dot_general3A_611 = tpu.matmul %mul3A_609, %get3A_399, %dot_general3A_610 {dimension_numbers = #tpu.dot_dimension_numbers<[1], [0], [0], [1], [0, 0, 1, 1], [], []>, transpose_lhs_hint = false} : vector<400x16xf32>, vector<16x256xf32>, vector<400x256xf32> -> vector<400x256xf32>
    %get3A_612 = arith.constant 0 : index
    %get3A_613 = arith.constant 6 : index
    %get3A_614 = arith.constant 0 : index
    %get3A_615 = vector.load %arg1[%get3A_612, %get3A_613, %get3A_614] : memref<400x16x128xf32, #tpu.memory_space<vmem>>, vector<400x1x128xf32>
    %get3A_616 = vector.shape_cast %get3A_615 : vector<400x1x128xf32> to vector<400x128xf32>
    %dot_general3A_617 = arith.constant dense<0.000000e+00> : vector<400x16xf32>
    %dot_general3A_618 = tpu.matmul %get3A_616, %get3A_402, %dot_general3A_617 {dimension_numbers = #tpu.dot_dimension_numbers<[1], [0], [0], [1], [0, 0, 1, 1], [], []>, transpose_lhs_hint = false} : vector<400x128xf32>, vector<128x16xf32>, vector<400x16xf32> -> vector<400x16xf32>
    %sub3A_619 = arith.subf %dot_general3A_618, %get3A_65 : vector<400x16xf32>
    %dot_general3A_620 = arith.constant dense<0.000000e+00> : vector<400x256xf32>
    %dot_general3A_621 = tpu.matmul %sub3A_619, %get3A_393, %dot_general3A_620 {dimension_numbers = #tpu.dot_dimension_numbers<[1], [0], [0], [1], [0, 0, 1, 1], [], []>, transpose_lhs_hint = false} : vector<400x16xf32>, vector<16x256xf32>, vector<400x256xf32> -> vector<400x256xf32>
    %add3A_622 = vector.broadcast %get3A_396 : vector<1x256xf32> to vector<400x256xf32>
    %add3A_623 = arith.addf %dot_general3A_621, %add3A_622 : vector<400x256xf32>
    %mul3A_624 = vector.broadcast %mul3A_28 : vector<1x256xf32> to vector<400x256xf32>
    %mul3A_625 = arith.mulf %add3A_623, %mul3A_624 : vector<400x256xf32>
    %add3A_626 = vector.broadcast %sub3A_30 : vector<1x256xf32> to vector<400x256xf32>
    %add3A_627 = arith.addf %mul3A_625, %add3A_626 : vector<400x256xf32>
    %max3A_628 = arith.constant 0.000000e+00 : f32
    %max3A_629 = vector.broadcast %max3A_628 : f32 to vector<400x256xf32>
    %max3A_630 = arith.maximumf %add3A_627, %max3A_629 : vector<400x256xf32>
    %dot_general3A_631 = arith.constant dense<0.000000e+00> : vector<400x256xf32>
    %dot_general3A_632 = tpu.matmul %max3A_630, %get3A_387, %dot_general3A_631 {dimension_numbers = #tpu.dot_dimension_numbers<[1], [0], [0], [1], [0, 0, 1, 1], [], []>, transpose_lhs_hint = false} : vector<400x256xf32>, vector<256x256xf32>, vector<400x256xf32> -> vector<400x256xf32>
    %add3A_633 = vector.broadcast %get3A_390 : vector<1x256xf32> to vector<400x256xf32>
    %add3A_634 = arith.addf %dot_general3A_632, %add3A_633 : vector<400x256xf32>
    %get3A_635 = arith.constant 0 : index
    %get3A_636 = arith.constant 6 : index
    %get3A_637 = arith.constant 0 : index
    %get3A_638 = vector.load %arg2[%get3A_635, %get3A_636, %get3A_637] : memref<400x16x256xf32, #tpu.memory_space<vmem>>, vector<400x1x256xf32>
    %get3A_639 = vector.shape_cast %get3A_638 : vector<400x1x256xf32> to vector<400x256xf32>
    %add3A_640 = arith.addf %get3A_639, %add3A_634 : vector<400x256xf32>
    %mul3A_641 = arith.mulf %dot_general3A_611, %add3A_640 : vector<400x256xf32>
    %add3A_642 = arith.addf %add3A_608, %mul3A_641 : vector<400x256xf32>
    %mul3A_643 = arith.mulf %exp3A_350, %div3A_384 : vector<400x16xf32>
    %dot_general3A_644 = arith.constant dense<0.000000e+00> : vector<400x256xf32>
    %dot_general3A_645 = tpu.matmul %mul3A_643, %get3A_399, %dot_general3A_644 {dimension_numbers = #tpu.dot_dimension_numbers<[1], [0], [0], [1], [0, 0, 1, 1], [], []>, transpose_lhs_hint = false} : vector<400x16xf32>, vector<16x256xf32>, vector<400x256xf32> -> vector<400x256xf32>
    %get3A_646 = arith.constant 0 : index
    %get3A_647 = arith.constant 7 : index
    %get3A_648 = arith.constant 0 : index
    %get3A_649 = vector.load %arg1[%get3A_646, %get3A_647, %get3A_648] : memref<400x16x128xf32, #tpu.memory_space<vmem>>, vector<400x1x128xf32>
    %get3A_650 = vector.shape_cast %get3A_649 : vector<400x1x128xf32> to vector<400x128xf32>
    %dot_general3A_651 = arith.constant dense<0.000000e+00> : vector<400x16xf32>
    %dot_general3A_652 = tpu.matmul %get3A_650, %get3A_402, %dot_general3A_651 {dimension_numbers = #tpu.dot_dimension_numbers<[1], [0], [0], [1], [0, 0, 1, 1], [], []>, transpose_lhs_hint = false} : vector<400x128xf32>, vector<128x16xf32>, vector<400x16xf32> -> vector<400x16xf32>
    %sub3A_653 = arith.subf %dot_general3A_652, %get3A_65 : vector<400x16xf32>
    %dot_general3A_654 = arith.constant dense<0.000000e+00> : vector<400x256xf32>
    %dot_general3A_655 = tpu.matmul %sub3A_653, %get3A_393, %dot_general3A_654 {dimension_numbers = #tpu.dot_dimension_numbers<[1], [0], [0], [1], [0, 0, 1, 1], [], []>, transpose_lhs_hint = false} : vector<400x16xf32>, vector<16x256xf32>, vector<400x256xf32> -> vector<400x256xf32>
    %add3A_656 = vector.broadcast %get3A_396 : vector<1x256xf32> to vector<400x256xf32>
    %add3A_657 = arith.addf %dot_general3A_655, %add3A_656 : vector<400x256xf32>
    %mul3A_658 = vector.broadcast %mul3A_28 : vector<1x256xf32> to vector<400x256xf32>
    %mul3A_659 = arith.mulf %add3A_657, %mul3A_658 : vector<400x256xf32>
    %add3A_660 = vector.broadcast %sub3A_30 : vector<1x256xf32> to vector<400x256xf32>
    %add3A_661 = arith.addf %mul3A_659, %add3A_660 : vector<400x256xf32>
    %max3A_662 = arith.constant 0.000000e+00 : f32
    %max3A_663 = vector.broadcast %max3A_662 : f32 to vector<400x256xf32>
    %max3A_664 = arith.maximumf %add3A_661, %max3A_663 : vector<400x256xf32>
    %dot_general3A_665 = arith.constant dense<0.000000e+00> : vector<400x256xf32>
    %dot_general3A_666 = tpu.matmul %max3A_664, %get3A_387, %dot_general3A_665 {dimension_numbers = #tpu.dot_dimension_numbers<[1], [0], [0], [1], [0, 0, 1, 1], [], []>, transpose_lhs_hint = false} : vector<400x256xf32>, vector<256x256xf32>, vector<400x256xf32> -> vector<400x256xf32>
    %add3A_667 = vector.broadcast %get3A_390 : vector<1x256xf32> to vector<400x256xf32>
    %add3A_668 = arith.addf %dot_general3A_666, %add3A_667 : vector<400x256xf32>
    %get3A_669 = arith.constant 0 : index
    %get3A_670 = arith.constant 7 : index
    %get3A_671 = arith.constant 0 : index
    %get3A_672 = vector.load %arg2[%get3A_669, %get3A_670, %get3A_671] : memref<400x16x256xf32, #tpu.memory_space<vmem>>, vector<400x1x256xf32>
    %get3A_673 = vector.shape_cast %get3A_672 : vector<400x1x256xf32> to vector<400x256xf32>
    %add3A_674 = arith.addf %get3A_673, %add3A_668 : vector<400x256xf32>
    %mul3A_675 = arith.mulf %dot_general3A_645, %add3A_674 : vector<400x256xf32>
    %add3A_676 = arith.addf %add3A_642, %mul3A_675 : vector<400x256xf32>
    %mul3A_677 = arith.mulf %exp3A_352, %div3A_384 : vector<400x16xf32>
    %dot_general3A_678 = arith.constant dense<0.000000e+00> : vector<400x256xf32>
    %dot_general3A_679 = tpu.matmul %mul3A_677, %get3A_399, %dot_general3A_678 {dimension_numbers = #tpu.dot_dimension_numbers<[1], [0], [0], [1], [0, 0, 1, 1], [], []>, transpose_lhs_hint = false} : vector<400x16xf32>, vector<16x256xf32>, vector<400x256xf32> -> vector<400x256xf32>
    %get3A_680 = arith.constant 0 : index
    %get3A_681 = arith.constant 8 : index
    %get3A_682 = arith.constant 0 : index
    %get3A_683 = vector.load %arg1[%get3A_680, %get3A_681, %get3A_682] : memref<400x16x128xf32, #tpu.memory_space<vmem>>, vector<400x1x128xf32>
    %get3A_684 = vector.shape_cast %get3A_683 : vector<400x1x128xf32> to vector<400x128xf32>
    %dot_general3A_685 = arith.constant dense<0.000000e+00> : vector<400x16xf32>
    %dot_general3A_686 = tpu.matmul %get3A_684, %get3A_402, %dot_general3A_685 {dimension_numbers = #tpu.dot_dimension_numbers<[1], [0], [0], [1], [0, 0, 1, 1], [], []>, transpose_lhs_hint = false} : vector<400x128xf32>, vector<128x16xf32>, vector<400x16xf32> -> vector<400x16xf32>
    %sub3A_687 = arith.subf %dot_general3A_686, %get3A_65 : vector<400x16xf32>
    %dot_general3A_688 = arith.constant dense<0.000000e+00> : vector<400x256xf32>
    %dot_general3A_689 = tpu.matmul %sub3A_687, %get3A_393, %dot_general3A_688 {dimension_numbers = #tpu.dot_dimension_numbers<[1], [0], [0], [1], [0, 0, 1, 1], [], []>, transpose_lhs_hint = false} : vector<400x16xf32>, vector<16x256xf32>, vector<400x256xf32> -> vector<400x256xf32>
    %add3A_690 = vector.broadcast %get3A_396 : vector<1x256xf32> to vector<400x256xf32>
    %add3A_691 = arith.addf %dot_general3A_689, %add3A_690 : vector<400x256xf32>
    %mul3A_692 = vector.broadcast %mul3A_28 : vector<1x256xf32> to vector<400x256xf32>
    %mul3A_693 = arith.mulf %add3A_691, %mul3A_692 : vector<400x256xf32>
    %add3A_694 = vector.broadcast %sub3A_30 : vector<1x256xf32> to vector<400x256xf32>
    %add3A_695 = arith.addf %mul3A_693, %add3A_694 : vector<400x256xf32>
    %max3A_696 = arith.constant 0.000000e+00 : f32
    %max3A_697 = vector.broadcast %max3A_696 : f32 to vector<400x256xf32>
    %max3A_698 = arith.maximumf %add3A_695, %max3A_697 : vector<400x256xf32>
    %dot_general3A_699 = arith.constant dense<0.000000e+00> : vector<400x256xf32>
    %dot_general3A_700 = tpu.matmul %max3A_698, %get3A_387, %dot_general3A_699 {dimension_numbers = #tpu.dot_dimension_numbers<[1], [0], [0], [1], [0, 0, 1, 1], [], []>, transpose_lhs_hint = false} : vector<400x256xf32>, vector<256x256xf32>, vector<400x256xf32> -> vector<400x256xf32>
    %add3A_701 = vector.broadcast %get3A_390 : vector<1x256xf32> to vector<400x256xf32>
    %add3A_702 = arith.addf %dot_general3A_700, %add3A_701 : vector<400x256xf32>
    %get3A_703 = arith.constant 0 : index
    %get3A_704 = arith.constant 8 : index
    %get3A_705 = arith.constant 0 : index
    %get3A_706 = vector.load %arg2[%get3A_703, %get3A_704, %get3A_705] : memref<400x16x256xf32, #tpu.memory_space<vmem>>, vector<400x1x256xf32>
    %get3A_707 = vector.shape_cast %get3A_706 : vector<400x1x256xf32> to vector<400x256xf32>
    %add3A_708 = arith.addf %get3A_707, %add3A_702 : vector<400x256xf32>
    %mul3A_709 = arith.mulf %dot_general3A_679, %add3A_708 : vector<400x256xf32>
    %add3A_710 = arith.addf %add3A_676, %mul3A_709 : vector<400x256xf32>
    %mul3A_711 = arith.mulf %exp3A_354, %div3A_384 : vector<400x16xf32>
    %dot_general3A_712 = arith.constant dense<0.000000e+00> : vector<400x256xf32>
    %dot_general3A_713 = tpu.matmul %mul3A_711, %get3A_399, %dot_general3A_712 {dimension_numbers = #tpu.dot_dimension_numbers<[1], [0], [0], [1], [0, 0, 1, 1], [], []>, transpose_lhs_hint = false} : vector<400x16xf32>, vector<16x256xf32>, vector<400x256xf32> -> vector<400x256xf32>
    %get3A_714 = arith.constant 0 : index
    %get3A_715 = arith.constant 9 : index
    %get3A_716 = arith.constant 0 : index
    %get3A_717 = vector.load %arg1[%get3A_714, %get3A_715, %get3A_716] : memref<400x16x128xf32, #tpu.memory_space<vmem>>, vector<400x1x128xf32>
    %get3A_718 = vector.shape_cast %get3A_717 : vector<400x1x128xf32> to vector<400x128xf32>
    %dot_general3A_719 = arith.constant dense<0.000000e+00> : vector<400x16xf32>
    %dot_general3A_720 = tpu.matmul %get3A_718, %get3A_402, %dot_general3A_719 {dimension_numbers = #tpu.dot_dimension_numbers<[1], [0], [0], [1], [0, 0, 1, 1], [], []>, transpose_lhs_hint = false} : vector<400x128xf32>, vector<128x16xf32>, vector<400x16xf32> -> vector<400x16xf32>
    %sub3A_721 = arith.subf %dot_general3A_720, %get3A_65 : vector<400x16xf32>
    %dot_general3A_722 = arith.constant dense<0.000000e+00> : vector<400x256xf32>
    %dot_general3A_723 = tpu.matmul %sub3A_721, %get3A_393, %dot_general3A_722 {dimension_numbers = #tpu.dot_dimension_numbers<[1], [0], [0], [1], [0, 0, 1, 1], [], []>, transpose_lhs_hint = false} : vector<400x16xf32>, vector<16x256xf32>, vector<400x256xf32> -> vector<400x256xf32>
    %add3A_724 = vector.broadcast %get3A_396 : vector<1x256xf32> to vector<400x256xf32>
    %add3A_725 = arith.addf %dot_general3A_723, %add3A_724 : vector<400x256xf32>
    %mul3A_726 = vector.broadcast %mul3A_28 : vector<1x256xf32> to vector<400x256xf32>
    %mul3A_727 = arith.mulf %add3A_725, %mul3A_726 : vector<400x256xf32>
    %add3A_728 = vector.broadcast %sub3A_30 : vector<1x256xf32> to vector<400x256xf32>
    %add3A_729 = arith.addf %mul3A_727, %add3A_728 : vector<400x256xf32>
    %max3A_730 = arith.constant 0.000000e+00 : f32
    %max3A_731 = vector.broadcast %max3A_730 : f32 to vector<400x256xf32>
    %max3A_732 = arith.maximumf %add3A_729, %max3A_731 : vector<400x256xf32>
    %dot_general3A_733 = arith.constant dense<0.000000e+00> : vector<400x256xf32>
    %dot_general3A_734 = tpu.matmul %max3A_732, %get3A_387, %dot_general3A_733 {dimension_numbers = #tpu.dot_dimension_numbers<[1], [0], [0], [1], [0, 0, 1, 1], [], []>, transpose_lhs_hint = false} : vector<400x256xf32>, vector<256x256xf32>, vector<400x256xf32> -> vector<400x256xf32>
    %add3A_735 = vector.broadcast %get3A_390 : vector<1x256xf32> to vector<400x256xf32>
    %add3A_736 = arith.addf %dot_general3A_734, %add3A_735 : vector<400x256xf32>
    %get3A_737 = arith.constant 0 : index
    %get3A_738 = arith.constant 9 : index
    %get3A_739 = arith.constant 0 : index
    %get3A_740 = vector.load %arg2[%get3A_737, %get3A_738, %get3A_739] : memref<400x16x256xf32, #tpu.memory_space<vmem>>, vector<400x1x256xf32>
    %get3A_741 = vector.shape_cast %get3A_740 : vector<400x1x256xf32> to vector<400x256xf32>
    %add3A_742 = arith.addf %get3A_741, %add3A_736 : vector<400x256xf32>
    %mul3A_743 = arith.mulf %dot_general3A_713, %add3A_742 : vector<400x256xf32>
    %add3A_744 = arith.addf %add3A_710, %mul3A_743 : vector<400x256xf32>
    %mul3A_745 = arith.mulf %exp3A_356, %div3A_384 : vector<400x16xf32>
    %dot_general3A_746 = arith.constant dense<0.000000e+00> : vector<400x256xf32>
    %dot_general3A_747 = tpu.matmul %mul3A_745, %get3A_399, %dot_general3A_746 {dimension_numbers = #tpu.dot_dimension_numbers<[1], [0], [0], [1], [0, 0, 1, 1], [], []>, transpose_lhs_hint = false} : vector<400x16xf32>, vector<16x256xf32>, vector<400x256xf32> -> vector<400x256xf32>
    %get3A_748 = arith.constant 0 : index
    %get3A_749 = arith.constant 10 : index
    %get3A_750 = arith.constant 0 : index
    %get3A_751 = vector.load %arg1[%get3A_748, %get3A_749, %get3A_750] : memref<400x16x128xf32, #tpu.memory_space<vmem>>, vector<400x1x128xf32>
    %get3A_752 = vector.shape_cast %get3A_751 : vector<400x1x128xf32> to vector<400x128xf32>
    %dot_general3A_753 = arith.constant dense<0.000000e+00> : vector<400x16xf32>
    %dot_general3A_754 = tpu.matmul %get3A_752, %get3A_402, %dot_general3A_753 {dimension_numbers = #tpu.dot_dimension_numbers<[1], [0], [0], [1], [0, 0, 1, 1], [], []>, transpose_lhs_hint = false} : vector<400x128xf32>, vector<128x16xf32>, vector<400x16xf32> -> vector<400x16xf32>
    %sub3A_755 = arith.subf %dot_general3A_754, %get3A_65 : vector<400x16xf32>
    %dot_general3A_756 = arith.constant dense<0.000000e+00> : vector<400x256xf32>
    %dot_general3A_757 = tpu.matmul %sub3A_755, %get3A_393, %dot_general3A_756 {dimension_numbers = #tpu.dot_dimension_numbers<[1], [0], [0], [1], [0, 0, 1, 1], [], []>, transpose_lhs_hint = false} : vector<400x16xf32>, vector<16x256xf32>, vector<400x256xf32> -> vector<400x256xf32>
    %add3A_758 = vector.broadcast %get3A_396 : vector<1x256xf32> to vector<400x256xf32>
    %add3A_759 = arith.addf %dot_general3A_757, %add3A_758 : vector<400x256xf32>
    %mul3A_760 = vector.broadcast %mul3A_28 : vector<1x256xf32> to vector<400x256xf32>
    %mul3A_761 = arith.mulf %add3A_759, %mul3A_760 : vector<400x256xf32>
    %add3A_762 = vector.broadcast %sub3A_30 : vector<1x256xf32> to vector<400x256xf32>
    %add3A_763 = arith.addf %mul3A_761, %add3A_762 : vector<400x256xf32>
    %max3A_764 = arith.constant 0.000000e+00 : f32
    %max3A_765 = vector.broadcast %max3A_764 : f32 to vector<400x256xf32>
    %max3A_766 = arith.maximumf %add3A_763, %max3A_765 : vector<400x256xf32>
    %dot_general3A_767 = arith.constant dense<0.000000e+00> : vector<400x256xf32>
    %dot_general3A_768 = tpu.matmul %max3A_766, %get3A_387, %dot_general3A_767 {dimension_numbers = #tpu.dot_dimension_numbers<[1], [0], [0], [1], [0, 0, 1, 1], [], []>, transpose_lhs_hint = false} : vector<400x256xf32>, vector<256x256xf32>, vector<400x256xf32> -> vector<400x256xf32>
    %add3A_769 = vector.broadcast %get3A_390 : vector<1x256xf32> to vector<400x256xf32>
    %add3A_770 = arith.addf %dot_general3A_768, %add3A_769 : vector<400x256xf32>
    %get3A_771 = arith.constant 0 : index
    %get3A_772 = arith.constant 10 : index
    %get3A_773 = arith.constant 0 : index
    %get3A_774 = vector.load %arg2[%get3A_771, %get3A_772, %get3A_773] : memref<400x16x256xf32, #tpu.memory_space<vmem>>, vector<400x1x256xf32>
    %get3A_775 = vector.shape_cast %get3A_774 : vector<400x1x256xf32> to vector<400x256xf32>
    %add3A_776 = arith.addf %get3A_775, %add3A_770 : vector<400x256xf32>
    %mul3A_777 = arith.mulf %dot_general3A_747, %add3A_776 : vector<400x256xf32>
    %add3A_778 = arith.addf %add3A_744, %mul3A_777 : vector<400x256xf32>
    %mul3A_779 = arith.mulf %exp3A_358, %div3A_384 : vector<400x16xf32>
    %dot_general3A_780 = arith.constant dense<0.000000e+00> : vector<400x256xf32>
    %dot_general3A_781 = tpu.matmul %mul3A_779, %get3A_399, %dot_general3A_780 {dimension_numbers = #tpu.dot_dimension_numbers<[1], [0], [0], [1], [0, 0, 1, 1], [], []>, transpose_lhs_hint = false} : vector<400x16xf32>, vector<16x256xf32>, vector<400x256xf32> -> vector<400x256xf32>
    %get3A_782 = arith.constant 0 : index
    %get3A_783 = arith.constant 11 : index
    %get3A_784 = arith.constant 0 : index
    %get3A_785 = vector.load %arg1[%get3A_782, %get3A_783, %get3A_784] : memref<400x16x128xf32, #tpu.memory_space<vmem>>, vector<400x1x128xf32>
    %get3A_786 = vector.shape_cast %get3A_785 : vector<400x1x128xf32> to vector<400x128xf32>
    %dot_general3A_787 = arith.constant dense<0.000000e+00> : vector<400x16xf32>
    %dot_general3A_788 = tpu.matmul %get3A_786, %get3A_402, %dot_general3A_787 {dimension_numbers = #tpu.dot_dimension_numbers<[1], [0], [0], [1], [0, 0, 1, 1], [], []>, transpose_lhs_hint = false} : vector<400x128xf32>, vector<128x16xf32>, vector<400x16xf32> -> vector<400x16xf32>
    %sub3A_789 = arith.subf %dot_general3A_788, %get3A_65 : vector<400x16xf32>
    %dot_general3A_790 = arith.constant dense<0.000000e+00> : vector<400x256xf32>
    %dot_general3A_791 = tpu.matmul %sub3A_789, %get3A_393, %dot_general3A_790 {dimension_numbers = #tpu.dot_dimension_numbers<[1], [0], [0], [1], [0, 0, 1, 1], [], []>, transpose_lhs_hint = false} : vector<400x16xf32>, vector<16x256xf32>, vector<400x256xf32> -> vector<400x256xf32>
    %add3A_792 = vector.broadcast %get3A_396 : vector<1x256xf32> to vector<400x256xf32>
    %add3A_793 = arith.addf %dot_general3A_791, %add3A_792 : vector<400x256xf32>
    %mul3A_794 = vector.broadcast %mul3A_28 : vector<1x256xf32> to vector<400x256xf32>
    %mul3A_795 = arith.mulf %add3A_793, %mul3A_794 : vector<400x256xf32>
    %add3A_796 = vector.broadcast %sub3A_30 : vector<1x256xf32> to vector<400x256xf32>
    %add3A_797 = arith.addf %mul3A_795, %add3A_796 : vector<400x256xf32>
    %max3A_798 = arith.constant 0.000000e+00 : f32
    %max3A_799 = vector.broadcast %max3A_798 : f32 to vector<400x256xf32>
    %max3A_800 = arith.maximumf %add3A_797, %max3A_799 : vector<400x256xf32>
    %dot_general3A_801 = arith.constant dense<0.000000e+00> : vector<400x256xf32>
    %dot_general3A_802 = tpu.matmul %max3A_800, %get3A_387, %dot_general3A_801 {dimension_numbers = #tpu.dot_dimension_numbers<[1], [0], [0], [1], [0, 0, 1, 1], [], []>, transpose_lhs_hint = false} : vector<400x256xf32>, vector<256x256xf32>, vector<400x256xf32> -> vector<400x256xf32>
    %add3A_803 = vector.broadcast %get3A_390 : vector<1x256xf32> to vector<400x256xf32>
    %add3A_804 = arith.addf %dot_general3A_802, %add3A_803 : vector<400x256xf32>
    %get3A_805 = arith.constant 0 : index
    %get3A_806 = arith.constant 11 : index
    %get3A_807 = arith.constant 0 : index
    %get3A_808 = vector.load %arg2[%get3A_805, %get3A_806, %get3A_807] : memref<400x16x256xf32, #tpu.memory_space<vmem>>, vector<400x1x256xf32>
    %get3A_809 = vector.shape_cast %get3A_808 : vector<400x1x256xf32> to vector<400x256xf32>
    %add3A_810 = arith.addf %get3A_809, %add3A_804 : vector<400x256xf32>
    %mul3A_811 = arith.mulf %dot_general3A_781, %add3A_810 : vector<400x256xf32>
    %add3A_812 = arith.addf %add3A_778, %mul3A_811 : vector<400x256xf32>
    %mul3A_813 = arith.mulf %exp3A_360, %div3A_384 : vector<400x16xf32>
    %dot_general3A_814 = arith.constant dense<0.000000e+00> : vector<400x256xf32>
    %dot_general3A_815 = tpu.matmul %mul3A_813, %get3A_399, %dot_general3A_814 {dimension_numbers = #tpu.dot_dimension_numbers<[1], [0], [0], [1], [0, 0, 1, 1], [], []>, transpose_lhs_hint = false} : vector<400x16xf32>, vector<16x256xf32>, vector<400x256xf32> -> vector<400x256xf32>
    %get3A_816 = arith.constant 0 : index
    %get3A_817 = arith.constant 12 : index
    %get3A_818 = arith.constant 0 : index
    %get3A_819 = vector.load %arg1[%get3A_816, %get3A_817, %get3A_818] : memref<400x16x128xf32, #tpu.memory_space<vmem>>, vector<400x1x128xf32>
    %get3A_820 = vector.shape_cast %get3A_819 : vector<400x1x128xf32> to vector<400x128xf32>
    %dot_general3A_821 = arith.constant dense<0.000000e+00> : vector<400x16xf32>
    %dot_general3A_822 = tpu.matmul %get3A_820, %get3A_402, %dot_general3A_821 {dimension_numbers = #tpu.dot_dimension_numbers<[1], [0], [0], [1], [0, 0, 1, 1], [], []>, transpose_lhs_hint = false} : vector<400x128xf32>, vector<128x16xf32>, vector<400x16xf32> -> vector<400x16xf32>
    %sub3A_823 = arith.subf %dot_general3A_822, %get3A_65 : vector<400x16xf32>
    %dot_general3A_824 = arith.constant dense<0.000000e+00> : vector<400x256xf32>
    %dot_general3A_825 = tpu.matmul %sub3A_823, %get3A_393, %dot_general3A_824 {dimension_numbers = #tpu.dot_dimension_numbers<[1], [0], [0], [1], [0, 0, 1, 1], [], []>, transpose_lhs_hint = false} : vector<400x16xf32>, vector<16x256xf32>, vector<400x256xf32> -> vector<400x256xf32>
    %add3A_826 = vector.broadcast %get3A_396 : vector<1x256xf32> to vector<400x256xf32>
    %add3A_827 = arith.addf %dot_general3A_825, %add3A_826 : vector<400x256xf32>
    %mul3A_828 = vector.broadcast %mul3A_28 : vector<1x256xf32> to vector<400x256xf32>
    %mul3A_829 = arith.mulf %add3A_827, %mul3A_828 : vector<400x256xf32>
    %add3A_830 = vector.broadcast %sub3A_30 : vector<1x256xf32> to vector<400x256xf32>
    %add3A_831 = arith.addf %mul3A_829, %add3A_830 : vector<400x256xf32>
    %max3A_832 = arith.constant 0.000000e+00 : f32
    %max3A_833 = vector.broadcast %max3A_832 : f32 to vector<400x256xf32>
    %max3A_834 = arith.maximumf %add3A_831, %max3A_833 : vector<400x256xf32>
    %dot_general3A_835 = arith.constant dense<0.000000e+00> : vector<400x256xf32>
    %dot_general3A_836 = tpu.matmul %max3A_834, %get3A_387, %dot_general3A_835 {dimension_numbers = #tpu.dot_dimension_numbers<[1], [0], [0], [1], [0, 0, 1, 1], [], []>, transpose_lhs_hint = false} : vector<400x256xf32>, vector<256x256xf32>, vector<400x256xf32> -> vector<400x256xf32>
    %add3A_837 = vector.broadcast %get3A_390 : vector<1x256xf32> to vector<400x256xf32>
    %add3A_838 = arith.addf %dot_general3A_836, %add3A_837 : vector<400x256xf32>
    %get3A_839 = arith.constant 0 : index
    %get3A_840 = arith.constant 12 : index
    %get3A_841 = arith.constant 0 : index
    %get3A_842 = vector.load %arg2[%get3A_839, %get3A_840, %get3A_841] : memref<400x16x256xf32, #tpu.memory_space<vmem>>, vector<400x1x256xf32>
    %get3A_843 = vector.shape_cast %get3A_842 : vector<400x1x256xf32> to vector<400x256xf32>
    %add3A_844 = arith.addf %get3A_843, %add3A_838 : vector<400x256xf32>
    %mul3A_845 = arith.mulf %dot_general3A_815, %add3A_844 : vector<400x256xf32>
    %add3A_846 = arith.addf %add3A_812, %mul3A_845 : vector<400x256xf32>
    %mul3A_847 = arith.mulf %exp3A_362, %div3A_384 : vector<400x16xf32>
    %dot_general3A_848 = arith.constant dense<0.000000e+00> : vector<400x256xf32>
    %dot_general3A_849 = tpu.matmul %mul3A_847, %get3A_399, %dot_general3A_848 {dimension_numbers = #tpu.dot_dimension_numbers<[1], [0], [0], [1], [0, 0, 1, 1], [], []>, transpose_lhs_hint = false} : vector<400x16xf32>, vector<16x256xf32>, vector<400x256xf32> -> vector<400x256xf32>
    %get3A_850 = arith.constant 0 : index
    %get3A_851 = arith.constant 13 : index
    %get3A_852 = arith.constant 0 : index
    %get3A_853 = vector.load %arg1[%get3A_850, %get3A_851, %get3A_852] : memref<400x16x128xf32, #tpu.memory_space<vmem>>, vector<400x1x128xf32>
    %get3A_854 = vector.shape_cast %get3A_853 : vector<400x1x128xf32> to vector<400x128xf32>
    %dot_general3A_855 = arith.constant dense<0.000000e+00> : vector<400x16xf32>
    %dot_general3A_856 = tpu.matmul %get3A_854, %get3A_402, %dot_general3A_855 {dimension_numbers = #tpu.dot_dimension_numbers<[1], [0], [0], [1], [0, 0, 1, 1], [], []>, transpose_lhs_hint = false} : vector<400x128xf32>, vector<128x16xf32>, vector<400x16xf32> -> vector<400x16xf32>
    %sub3A_857 = arith.subf %dot_general3A_856, %get3A_65 : vector<400x16xf32>
    %dot_general3A_858 = arith.constant dense<0.000000e+00> : vector<400x256xf32>
    %dot_general3A_859 = tpu.matmul %sub3A_857, %get3A_393, %dot_general3A_858 {dimension_numbers = #tpu.dot_dimension_numbers<[1], [0], [0], [1], [0, 0, 1, 1], [], []>, transpose_lhs_hint = false} : vector<400x16xf32>, vector<16x256xf32>, vector<400x256xf32> -> vector<400x256xf32>
    %add3A_860 = vector.broadcast %get3A_396 : vector<1x256xf32> to vector<400x256xf32>
    %add3A_861 = arith.addf %dot_general3A_859, %add3A_860 : vector<400x256xf32>
    %mul3A_862 = vector.broadcast %mul3A_28 : vector<1x256xf32> to vector<400x256xf32>
    %mul3A_863 = arith.mulf %add3A_861, %mul3A_862 : vector<400x256xf32>
    %add3A_864 = vector.broadcast %sub3A_30 : vector<1x256xf32> to vector<400x256xf32>
    %add3A_865 = arith.addf %mul3A_863, %add3A_864 : vector<400x256xf32>
    %max3A_866 = arith.constant 0.000000e+00 : f32
    %max3A_867 = vector.broadcast %max3A_866 : f32 to vector<400x256xf32>
    %max3A_868 = arith.maximumf %add3A_865, %max3A_867 : vector<400x256xf32>
    %dot_general3A_869 = arith.constant dense<0.000000e+00> : vector<400x256xf32>
    %dot_general3A_870 = tpu.matmul %max3A_868, %get3A_387, %dot_general3A_869 {dimension_numbers = #tpu.dot_dimension_numbers<[1], [0], [0], [1], [0, 0, 1, 1], [], []>, transpose_lhs_hint = false} : vector<400x256xf32>, vector<256x256xf32>, vector<400x256xf32> -> vector<400x256xf32>
    %add3A_871 = vector.broadcast %get3A_390 : vector<1x256xf32> to vector<400x256xf32>
    %add3A_872 = arith.addf %dot_general3A_870, %add3A_871 : vector<400x256xf32>
    %get3A_873 = arith.constant 0 : index
    %get3A_874 = arith.constant 13 : index
    %get3A_875 = arith.constant 0 : index
    %get3A_876 = vector.load %arg2[%get3A_873, %get3A_874, %get3A_875] : memref<400x16x256xf32, #tpu.memory_space<vmem>>, vector<400x1x256xf32>
    %get3A_877 = vector.shape_cast %get3A_876 : vector<400x1x256xf32> to vector<400x256xf32>
    %add3A_878 = arith.addf %get3A_877, %add3A_872 : vector<400x256xf32>
    %mul3A_879 = arith.mulf %dot_general3A_849, %add3A_878 : vector<400x256xf32>
    %add3A_880 = arith.addf %add3A_846, %mul3A_879 : vector<400x256xf32>
    %mul3A_881 = arith.mulf %exp3A_364, %div3A_384 : vector<400x16xf32>
    %dot_general3A_882 = arith.constant dense<0.000000e+00> : vector<400x256xf32>
    %dot_general3A_883 = tpu.matmul %mul3A_881, %get3A_399, %dot_general3A_882 {dimension_numbers = #tpu.dot_dimension_numbers<[1], [0], [0], [1], [0, 0, 1, 1], [], []>, transpose_lhs_hint = false} : vector<400x16xf32>, vector<16x256xf32>, vector<400x256xf32> -> vector<400x256xf32>
    %get3A_884 = arith.constant 0 : index
    %get3A_885 = arith.constant 14 : index
    %get3A_886 = arith.constant 0 : index
    %get3A_887 = vector.load %arg1[%get3A_884, %get3A_885, %get3A_886] : memref<400x16x128xf32, #tpu.memory_space<vmem>>, vector<400x1x128xf32>
    %get3A_888 = vector.shape_cast %get3A_887 : vector<400x1x128xf32> to vector<400x128xf32>
    %dot_general3A_889 = arith.constant dense<0.000000e+00> : vector<400x16xf32>
    %dot_general3A_890 = tpu.matmul %get3A_888, %get3A_402, %dot_general3A_889 {dimension_numbers = #tpu.dot_dimension_numbers<[1], [0], [0], [1], [0, 0, 1, 1], [], []>, transpose_lhs_hint = false} : vector<400x128xf32>, vector<128x16xf32>, vector<400x16xf32> -> vector<400x16xf32>
    %sub3A_891 = arith.subf %dot_general3A_890, %get3A_65 : vector<400x16xf32>
    %dot_general3A_892 = arith.constant dense<0.000000e+00> : vector<400x256xf32>
    %dot_general3A_893 = tpu.matmul %sub3A_891, %get3A_393, %dot_general3A_892 {dimension_numbers = #tpu.dot_dimension_numbers<[1], [0], [0], [1], [0, 0, 1, 1], [], []>, transpose_lhs_hint = false} : vector<400x16xf32>, vector<16x256xf32>, vector<400x256xf32> -> vector<400x256xf32>
    %add3A_894 = vector.broadcast %get3A_396 : vector<1x256xf32> to vector<400x256xf32>
    %add3A_895 = arith.addf %dot_general3A_893, %add3A_894 : vector<400x256xf32>
    %mul3A_896 = vector.broadcast %mul3A_28 : vector<1x256xf32> to vector<400x256xf32>
    %mul3A_897 = arith.mulf %add3A_895, %mul3A_896 : vector<400x256xf32>
    %add3A_898 = vector.broadcast %sub3A_30 : vector<1x256xf32> to vector<400x256xf32>
    %add3A_899 = arith.addf %mul3A_897, %add3A_898 : vector<400x256xf32>
    %max3A_900 = arith.constant 0.000000e+00 : f32
    %max3A_901 = vector.broadcast %max3A_900 : f32 to vector<400x256xf32>
    %max3A_902 = arith.maximumf %add3A_899, %max3A_901 : vector<400x256xf32>
    %dot_general3A_903 = arith.constant dense<0.000000e+00> : vector<400x256xf32>
    %dot_general3A_904 = tpu.matmul %max3A_902, %get3A_387, %dot_general3A_903 {dimension_numbers = #tpu.dot_dimension_numbers<[1], [0], [0], [1], [0, 0, 1, 1], [], []>, transpose_lhs_hint = false} : vector<400x256xf32>, vector<256x256xf32>, vector<400x256xf32> -> vector<400x256xf32>
    %add3A_905 = vector.broadcast %get3A_390 : vector<1x256xf32> to vector<400x256xf32>
    %add3A_906 = arith.addf %dot_general3A_904, %add3A_905 : vector<400x256xf32>
    %get3A_907 = arith.constant 0 : index
    %get3A_908 = arith.constant 14 : index
    %get3A_909 = arith.constant 0 : index
    %get3A_910 = vector.load %arg2[%get3A_907, %get3A_908, %get3A_909] : memref<400x16x256xf32, #tpu.memory_space<vmem>>, vector<400x1x256xf32>
    %get3A_911 = vector.shape_cast %get3A_910 : vector<400x1x256xf32> to vector<400x256xf32>
    %add3A_912 = arith.addf %get3A_911, %add3A_906 : vector<400x256xf32>
    %mul3A_913 = arith.mulf %dot_general3A_883, %add3A_912 : vector<400x256xf32>
    %add3A_914 = arith.addf %add3A_880, %mul3A_913 : vector<400x256xf32>
    %mul3A_915 = arith.mulf %exp3A_366, %div3A_384 : vector<400x16xf32>
    %dot_general3A_916 = arith.constant dense<0.000000e+00> : vector<400x256xf32>
    %dot_general3A_917 = tpu.matmul %mul3A_915, %get3A_399, %dot_general3A_916 {dimension_numbers = #tpu.dot_dimension_numbers<[1], [0], [0], [1], [0, 0, 1, 1], [], []>, transpose_lhs_hint = false} : vector<400x16xf32>, vector<16x256xf32>, vector<400x256xf32> -> vector<400x256xf32>
    %get3A_918 = arith.constant 0 : index
    %get3A_919 = arith.constant 15 : index
    %get3A_920 = arith.constant 0 : index
    %get3A_921 = vector.load %arg1[%get3A_918, %get3A_919, %get3A_920] : memref<400x16x128xf32, #tpu.memory_space<vmem>>, vector<400x1x128xf32>
    %get3A_922 = vector.shape_cast %get3A_921 : vector<400x1x128xf32> to vector<400x128xf32>
    %dot_general3A_923 = arith.constant dense<0.000000e+00> : vector<400x16xf32>
    %dot_general3A_924 = tpu.matmul %get3A_922, %get3A_402, %dot_general3A_923 {dimension_numbers = #tpu.dot_dimension_numbers<[1], [0], [0], [1], [0, 0, 1, 1], [], []>, transpose_lhs_hint = false} : vector<400x128xf32>, vector<128x16xf32>, vector<400x16xf32> -> vector<400x16xf32>
    %sub3A_925 = arith.subf %dot_general3A_924, %get3A_65 : vector<400x16xf32>
    %dot_general3A_926 = arith.constant dense<0.000000e+00> : vector<400x256xf32>
    %dot_general3A_927 = tpu.matmul %sub3A_925, %get3A_393, %dot_general3A_926 {dimension_numbers = #tpu.dot_dimension_numbers<[1], [0], [0], [1], [0, 0, 1, 1], [], []>, transpose_lhs_hint = false} : vector<400x16xf32>, vector<16x256xf32>, vector<400x256xf32> -> vector<400x256xf32>
    %add3A_928 = vector.broadcast %get3A_396 : vector<1x256xf32> to vector<400x256xf32>
    %add3A_929 = arith.addf %dot_general3A_927, %add3A_928 : vector<400x256xf32>
    %mul3A_930 = vector.broadcast %mul3A_28 : vector<1x256xf32> to vector<400x256xf32>
    %mul3A_931 = arith.mulf %add3A_929, %mul3A_930 : vector<400x256xf32>
    %add3A_932 = vector.broadcast %sub3A_30 : vector<1x256xf32> to vector<400x256xf32>
    %add3A_933 = arith.addf %mul3A_931, %add3A_932 : vector<400x256xf32>
    %max3A_934 = arith.constant 0.000000e+00 : f32
    %max3A_935 = vector.broadcast %max3A_934 : f32 to vector<400x256xf32>
    %max3A_936 = arith.maximumf %add3A_933, %max3A_935 : vector<400x256xf32>
    %dot_general3A_937 = arith.constant dense<0.000000e+00> : vector<400x256xf32>
    %dot_general3A_938 = tpu.matmul %max3A_936, %get3A_387, %dot_general3A_937 {dimension_numbers = #tpu.dot_dimension_numbers<[1], [0], [0], [1], [0, 0, 1, 1], [], []>, transpose_lhs_hint = false} : vector<400x256xf32>, vector<256x256xf32>, vector<400x256xf32> -> vector<400x256xf32>
    %add3A_939 = vector.broadcast %get3A_390 : vector<1x256xf32> to vector<400x256xf32>
    %add3A_940 = arith.addf %dot_general3A_938, %add3A_939 : vector<400x256xf32>
    %get3A_941 = arith.constant 0 : index
    %get3A_942 = arith.constant 15 : index
    %get3A_943 = arith.constant 0 : index
    %get3A_944 = vector.load %arg2[%get3A_941, %get3A_942, %get3A_943] : memref<400x16x256xf32, #tpu.memory_space<vmem>>, vector<400x1x256xf32>
    %get3A_945 = vector.shape_cast %get3A_944 : vector<400x1x256xf32> to vector<400x256xf32>
    %add3A_946 = arith.addf %get3A_945, %add3A_940 : vector<400x256xf32>
    %mul3A_947 = arith.mulf %dot_general3A_917, %add3A_946 : vector<400x256xf32>
    %add3A_948 = arith.addf %add3A_914, %mul3A_947 : vector<400x256xf32>
    %swap3A = arith.constant 0 : index
    %swap3A_949 = arith.constant 0 : index
    %swap3A_950 = vector.load %arg19[%swap3A, %swap3A_949] : memref<400x256xf32, #tpu.memory_space<vmem>>, vector<400x256xf32>
    tpu.vector_store %arg19[%swap3A, %swap3A_949], %add3A_948 {strides = array<i32>} : memref<400x256xf32, #tpu.memory_space<vmem>>, vector<400x256xf32>,
    return
  }
  func.func @transform_0(%arg0: i32) -> (i32, i32, i32) {
    %c0_i32 = arith.constant 0 : i32
    %c0_i32_0 = arith.constant 0 : i32
    %c0_i32_1 = arith.constant 0 : i32
    return %arg0, %c0_i32, %c0_i32_0 : i32, i32, i32
  }
  func.func @transform_1(%arg0: i32) -> (i32, i32, i32) {
    %c0_i32 = arith.constant 0 : i32
    %c0_i32_0 = arith.constant 0 : i32
    %c0_i32_1 = arith.constant 0 : i32
    return %arg0, %c0_i32, %c0_i32_0 : i32, i32, i32
  }
  func.func @transform_2(%arg0: i32) -> (i32, i32, i32) {
    %c0_i32 = arith.constant 0 : i32
    %c0_i32_0 = arith.constant 0 : i32
    %c0_i32_1 = arith.constant 0 : i32
    return %arg0, %c0_i32, %c0_i32_0 : i32, i32, i32
  }
  func.func @transform_3(%arg0: i32) -> (i32, i32) {
    %c0_i32 = arith.constant 0 : i32
    %c0_i32_0 = arith.constant 0 : i32
    return %arg0, %c0_i32 : i32, i32
  }
  func.func @transform_4(%arg0: i32) -> (i32, i32) {
    %c0_i32 = arith.constant 0 : i32
    %c0_i32_0 = arith.constant 0 : i32
    %c0_i32_1 = arith.constant 0 : i32
    return %c0_i32, %c0_i32_0 : i32, i32
  }
  func.func @transform_5(%arg0: i32) -> (i32, i32) {
    %c0_i32 = arith.constant 0 : i32
    %c0_i32_0 = arith.constant 0 : i32
    %c0_i32_1 = arith.constant 0 : i32
    return %c0_i32, %c0_i32_0 : i32, i32
  }
  func.func @transform_6(%arg0: i32) -> (i32, i32) {
    %c0_i32 = arith.constant 0 : i32
    %c0_i32_0 = arith.constant 0 : i32
    %c0_i32_1 = arith.constant 0 : i32
    return %c0_i32, %c0_i32_0 : i32, i32
  }
  func.func @transform_7(%arg0: i32) -> (i32, i32) {
    %c0_i32 = arith.constant 0 : i32
    %c0_i32_0 = arith.constant 0 : i32
    %c0_i32_1 = arith.constant 0 : i32
    return %c0_i32, %c0_i32_0 : i32, i32
  }
  func.func @transform_8(%arg0: i32) -> (i32, i32) {
    %c0_i32 = arith.constant 0 : i32
    %c0_i32_0 = arith.constant 0 : i32
    %c0_i32_1 = arith.constant 0 : i32
    return %c0_i32, %c0_i32_0 : i32, i32
  }
  func.func @transform_9(%arg0: i32) -> (i32, i32) {
    %c0_i32 = arith.constant 0 : i32
    %c0_i32_0 = arith.constant 0 : i32
    %c0_i32_1 = arith.constant 0 : i32
    return %c0_i32, %c0_i32_0 : i32, i32
  }
  func.func @transform_10(%arg0: i32) -> (i32, i32) {
    %c0_i32 = arith.constant 0 : i32
    %c0_i32_0 = arith.constant 0 : i32
    %c0_i32_1 = arith.constant 0 : i32
    return %c0_i32, %c0_i32_0 : i32, i32
  }
  func.func @transform_11(%arg0: i32) -> (i32, i32) {
    %c0_i32 = arith.constant 0 : i32
    %c0_i32_0 = arith.constant 0 : i32
    %c0_i32_1 = arith.constant 0 : i32
    return %c0_i32, %c0_i32_0 : i32, i32
  }
  func.func @transform_12(%arg0: i32) -> (i32, i32) {
    %c0_i32 = arith.constant 0 : i32
    %c0_i32_0 = arith.constant 0 : i32
    %c0_i32_1 = arith.constant 0 : i32
    return %c0_i32, %c0_i32_0 : i32, i32
  }
  func.func @transform_13(%arg0: i32) -> (i32, i32) {
    %c0_i32 = arith.constant 0 : i32
    %c0_i32_0 = arith.constant 0 : i32
    %c0_i32_1 = arith.constant 0 : i32
    return %c0_i32, %c0_i32_0 : i32, i32
  }
  func.func @transform_14(%arg0: i32) -> (i32, i32) {
    %c0_i32 = arith.constant 0 : i32
    %c0_i32_0 = arith.constant 0 : i32
    %c0_i32_1 = arith.constant 0 : i32
    return %c0_i32, %c0_i32_0 : i32, i32
  }
  func.func @transform_15(%arg0: i32) -> (i32, i32) {
    %c0_i32 = arith.constant 0 : i32
    %c0_i32_0 = arith.constant 0 : i32
    %c0_i32_1 = arith.constant 0 : i32
    return %c0_i32, %c0_i32_0 : i32, i32
  }
  func.func @transform_16(%arg0: i32) -> (i32, i32) {
    %c0_i32 = arith.constant 0 : i32
    %c0_i32_0 = arith.constant 0 : i32
    %c0_i32_1 = arith.constant 0 : i32
    return %c0_i32, %c0_i32_0 : i32, i32
  }
  func.func @transform_17(%arg0: i32) -> (i32, i32) {
    %c0_i32 = arith.constant 0 : i32
    %c0_i32_0 = arith.constant 0 : i32
    %c0_i32_1 = arith.constant 0 : i32
    return %c0_i32, %c0_i32_0 : i32, i32
  }
  func.func @transform_18(%arg0: i32) -> (i32, i32) {
    %c0_i32 = arith.constant 0 : i32
    %c0_i32_0 = arith.constant 0 : i32
    return %arg0, %c0_i32 : i32, i32
  }
}

</mosaic_0001>

<sc_bundles>
// kernel: kernel.8.cloned.1.call-start
scs
__scs_entry_jumppad:
0x0: {  	(pc) =	sbr.rel $0x88, $3  }
0x1: {  	(tag) =	ssettag $0x0;
	lr =	simm.s32 $0x1  }
0x2: {  	[smem:$0x3F88] =	sst lr;
	_ =	strace $0xD0000000  }
0x3: {  	_ = 	snop  }
0x4: {  	_ = 	snop  }
0x5: {  	_ = 	snop  }
0x6: {  	_ = 	snop  }
0x7: {  	_ = 	snop  }
__scs_overlays_trampoline_lowered:
0x8: {  	[smem:$0x3F97] =	sst s0  }
0x9: {  	[smem:$0x3F98] =	sst s1  }
0xa: {  	[smem:$0x3F99] =	sst s2  }
0xb: {  	[smem:$0x3F9A] =	sst s3  }
0xc: {  	[smem:$0x3F9B] =	sst s4  }
0xd: {  	[smem:$0x3F9C] =	sst s5  }
0xe: {  	[smem:$0x3F9D] =	sst s6  }
0xf: {  	[smem:$0x3F9E] =	sst s7  }
0x10: {  	[smem:$0x3F9F] =	sst s8  }
0x11: {  	[smem:$0x3FA0] =	sst s9;
	s0 =	simm.s32 @!p0 $0x0  }
0x12: {  	s1 =	sld [smem:$0x3F86];
	s0 =	simm.s32 @p0 $0x1  }
0x13: {  	[smem:$0x3FA1] =	sst s0;
	s0 =	simm.s32 @!p1 $0x0  }
0x14: {  	s2 =	sld [smem:$0x3F85];
	s0 =	simm.s32 @p1 $0x1  }
0x15: {  	[smem:$0x3FA2] =	sst s0;
	s0 =	simm.s32 @!p2 $0x0  }
0x16: {  	s3 =	sld [smem:$0x3FDB];
	s0 =	simm.s32 @p2 $0x1  }
0x17: {  	s4 =	simm.s32 $0x1BF5;
	[smem:$0x3FA4] =	sst s0  }
0x18: {  	s0 =	sld [smem:$0x3F87];
	_ =	swait.ge [sflag:s4], $0x0  }
0x19: {  	s7 =	sld [smem:$0x3F88]  }
0x1a: {  	s8 =	sadd.s32 $0xFFFFE003, lr  }
0x1b: {  	s9 =	sadd.s32 $0xFFFFFEF7, lr;
	s5 =	simm.s32 $0xFFFFFFFF;
	p2 =	slt.u32 s8, $0xFFFFF086  }
0x1c: {  	p1 =	slt.u32 s9, $0xF7A;
	s5 =	simm.s32 @!p2 $0x0  }
0x1d: {  	s5 =	simm.s32 @p1 $0x1;
	p0 =	seq.s32 s7, s2  }
0x1e: {  	s7 =	smul.u32 @!p0 $0xF7A, s2;
	p2 =	seq.s32 @!p0 s5, $0x0  }
0x1f: {  	s9 =	smul.u32 $0xF7A, s1;
	s8 =	simm.s32 @!p0 $0x1BF5;
	p2 =	por !p2, p0  }
0x20: {  	[sflag:s8] =	ssyncset.s32 @!p0 $0xFFFFF086;
	s6 =	sadd.s32 @!p0 s3, s7;
	s7 =	simm.s32 @!p0 $0x108  }
0x21: {  	s3 =	sadd.s32 s3, s9;
	s6 =	sadd.s32 @!p0 $0x88, s6;
	s7 =	simm.s32 @p2 $0x1082  }
0x22: {  	[simem:s7], [sflag:s8] =	dma.local @!p0 [hbm:s6], $0xF7A  }
0x23: {  	s9 =	sor.u32 $0xD0000000, s2;
	s6 =	simm.s32 $0x108;
	_ =	swait.ge @!p0 [sflag:s8], $0x0  }
0x24: {  	s3 =	sadd.s32 $0x88, s3;
	s6 =	simm.s32 @!p1 $0x1082;
	[sflag:s4] =	ssyncset.s32 $0xFFFFF086  }
0x25: {  	[simem:s6], [sflag:s4] =	dma.local [hbm:s3], $0xF7A  }
0x26: {  	[smem:$0x3F88] =	sst s1;
	(tag) =	ssettag s2;
	_ =	strace s9  }
0x27: {  	s1 =	sld [smem:$0x3F98]  }
0x28: {  	s2 =	sld [smem:$0x3F99]  }
0x29: {  	s4 =	sld [smem:$0x3F9B]  }
0x2a: {  	p0 =	seq.s32 s5, $0x0;
	s5 =	sld [smem:$0x3F9C]  }
0x2b: {  	s6 =	sld [smem:$0x3F9D]  }
0x2c: {  	s7 =	sld [smem:$0x3F9E]  }
0x2d: {  	s3 =	simm.s32 $0x108;
	s8 =	sld [smem:$0x3F9F]  }
0x2e: {  	s3 =	simm.s32 @!p0 $0x1082;
	s9 =	sld [smem:$0x3FA0]  }
0x2f: {  	lr =	sadd.s32 s0, s3;
	s0 =	sld [smem:$0x3F97]  }
0x30: {  	s3 =	sld [smem:$0x3F9A]  }
0x31: {  	[smem:$0x3FA3] =	sst s10  }
0x32: {  	s10 =	sld [smem:$0x3FA1];
	_ =	sdelay $0x3  }
0x33: {  	p0 =	seq.s32 s10, $0x1;
	s10 =	sld [smem:$0x3FA3];
	_ =	sdelay $0x3  }
0x34: {  	[smem:$0x3FA3] =	sst s10  }
0x35: {  	s10 =	sld [smem:$0x3FA2];
	_ =	sdelay $0x3  }
0x36: {  	p1 =	seq.s32 s10, $0x1;
	s10 =	sld [smem:$0x3FA3];
	_ =	sdelay $0x3  }
0x37: {  	[smem:$0x3FA3] =	sst s10  }
0x38: {  	s10 =	sld [smem:$0x3FA4]  }
0x39: {  	_ = 	snop;
	(pc) =	sbr.ind lr, $3  }
0x3a: {  	_ = 	snop  }
0x3b: {  	_ = 	snop  }
0x3c: {  	p2 =	seq.s32 s10, $0x1;
	s10 =	sld [smem:$0x3FA3]  }
0x3d: {  	_ =	shalt  }
0x3e: {  	_ =	shalt  }
0x3f: {  	_ =	shalt  }
0x40: {  	_ =	shalt  }
0x41: {  	_ =	shalt  }
0x42: {  	_ =	shalt  }
0x43: {  	_ =	shalt  }
0x44: {  	_ =	shalt  }
0x45: {  	_ =	shalt  }
0x46: {  	_ =	shalt  }
0x47: {  	_ =	shalt  }
0x48: {  	_ =	shalt  }
0x49: {  	_ =	shalt  }
0x4a: {  	_ =	shalt  }
0x4b: {  	_ =	shalt  }
0x4c: {  	_ =	shalt  }
0x4d: {  	_ =	shalt  }
0x4e: {  	_ =	shalt  }
0x4f: {  	_ =	shalt  }
0x50: {  	_ =	shalt  }
0x51: {  	_ =	shalt  }
0x52: {  	_ =	shalt  }
0x53: {  	_ =	shalt  }
0x54: {  	_ =	shalt  }
0x55: {  	_ =	shalt  }
0x56: {  	_ =	shalt  }
0x57: {  	_ =	shalt  }
0x58: {  	_ =	shalt  }
0x59: {  	_ =	shalt  }
0x5a: {  	_ =	shalt  }
0x5b: {  	_ =	shalt  }
0x5c: {  	_ =	shalt  }
0x5d: {  	_ =	shalt  }
0x5e: {  	_ =	shalt  }
0x5f: {  	_ =	shalt  }
0x60: {  	_ =	shalt  }
0x61: {  	_ =	shalt  }
0x62: {  	_ =	shalt  }
0x63: {  	_ =	shalt  }
0x64: {  	_ =	shalt  }
0x65: {  	_ =	shalt  }
0x66: {  	_ =	shalt  }
0x67: {  	_ =	shalt  }
0x68: {  	_ =	shalt  }
0x69: {  	_ =	shalt  }
0x6a: {  	_ =	shalt  }
0x6b: {  	_ =	shalt  }
0x6c: {  	_ =	shalt  }
0x6d: {  	_ =	shalt  }
0x6e: {  	_ =	shalt  }
0x6f: {  	_ =	shalt  }
0x70: {  	_ =	shalt  }
0x71: {  	_ =	shalt  }
0x72: {  	_ =	shalt  }
0x73: {  	_ =	shalt  }
0x74: {  	_ =	shalt  }
0x75: {  	_ =	shalt  }
0x76: {  	_ =	shalt  }
0x77: {  	_ =	shalt  }
0x78: {  	_ =	shalt  }
0x79: {  	_ =	shalt  }
0x7a: {  	_ =	shalt  }
0x7b: {  	_ =	shalt  }
0x7c: {  	_ =	shalt  }
0x7d: {  	_ =	shalt  }
0x7e: {  	_ =	shalt  }
0x7f: {  	_ =	shalt  }
0x80: {  	_ =	shalt  }
0x81: {  	_ =	shalt  }
0x82: {  	_ =	shalt  }
0x83: {  	_ =	shalt  }
0x84: {  	_ =	shalt  }
0x85: {  	_ =	shalt  }
0x86: {  	_ =	shalt  }
0x87: {  	_ =	shalt  }
.Lfunc_end0:
.L_simem_size_0:
called_computation_lowered:
.L_overlay_start_0:
0x88: {  	s2 =	sld [smem:$0x3FD9]  }
0x89: {  	s3 =	sld [smem:$0x3FFE];
	_ =	sdelay $0x1  }
0x8a: {  	s1 =	srdreg.scid  }
0x8b: {  	s0 =	sand.u32 $0x1, s1  }
0x8c: {  	s17 =	sshll.u32 s0, $0xA;
	s2 =	sadd.s32 s3, s2  }
0x8d: {  	s2 =	sadd.s32 s2, s17  }
0x8e: {  	[smem:$0x3FAF] =	sst s2  }
0x8f: {  	_ = 	snop  }
0x90: {  	s2 =	sld [smem:$0x3FD0];
	(tm) =	ssettm $0x1  }
0x91: {  	s18 =	sld [smem:$0x3FFB];
	_ =	sdelay $0x3  }
0x92: {  	_ =	strace s18  }
0x93: {  	s3 =	sld [smem:$0x3FFC];
	_ =	sdelay $0x3  }
0x94: {  	_ =	strace s3  }
0x95: {  	s3 =	sld [smem:$0x3FFD];
	_ =	sdelay $0x3  }
0x96: {  	_ =	strace s3  }
0x97: {  	_ =	strace $0x8FFFFFFF  }
0x98: {  	s19 =	sld [smem:$0x3FDB];
	_ =	sdelay $0x1  }
0x99: {  	s4 =	simm.s32 $_scs_section_size  }
0x9a: {  	s5 =	simm.s32 $_size__tile_overlayer_lowered;
	s6 =	simm.s32 $_tile_overlayer_lowered  }
0x9b: {  	s22 =	simm.s32 $0x1BFF;
	s21 =	sshll.u32 s6, $0x1;
	s3 =	sadd.s32 s4, s19  }
0x9c: {  	s7 =	simm.s32 $0x0;
	s20 =	sshll.u32 s5, $0x1;
	s5 =	sadd.s32 s21, s3  }
0x9d: {  	[timem:s7], [sflag:s22] =	dma.local [hbm:s5], s20  }
0x9e: {  	_ =	swait.ge [sflag:s22], s20  }
0x9f: {  	s4 =	ssub.s32 $0x0, s20;
	[sflag:s22] =	ssyncset.done $0x0  }
0xa0: {  	[sflag:s22] =	ssyncadd.s32 s4;
	_ =	sdelay $0x1  }
0xa1: {  	s23 =	simm.s32 $0x1B8B  }
0xa2: {  	_ =	swait.ge [sflag:s23], $0x1  }
0xa3: {  	[sflag:s23] =	ssyncset.done $0x0  }
0xa4: {  	s25 =	simm.s32 $0x1B8E;
	s24 =	sld [smem:$0x3FFE];
	[sflag:s23] =	ssyncadd.s32 $0xFFFFFFFF  }
0xa5: {  	s26 =	simm.s32 $execute0_lowered;
	[smem:$0x3FD2] =	sst s25  }
0xa6: {  	s5 =	sshll.u32 s26, $0x1;
	_ =	strace $0x80000046;
	[dreg:$0x1] =	wrdreg $0xFFFFFFFF  }
0xa7: {  	s28 =	simm.s32 $_size_execute0_lowered;
	s3 =	sadd.s32 s3, s5;
	[dreg:$0x0] =	wrdreg $0x0  }
0xa8: {  	s5 =	sshll.u32 s28, $0x1;
	[dreg:$0x2] =	wrdreg s3  }
0xa9: {  	[dreg:$0x3] =	wrdreg s5  }
0xaa: {  	[dreg:$0x4] =	wrdreg $0xC0  }
0xab: {  	_ =	task [dreg:s7], $0x5FFFF  }
0xac: {  	[dreg:$0x1] =	wrdreg $0xFFFFFFFF  }
0xad: {  	[dreg:$0x0] =	wrdreg $0x60  }
0xae: {  	[dreg:$0x2] =	wrdreg s2  }
0xaf: {  	[dreg:$0x3] =	wrdreg s24  }
0xb0: {  	[dreg:$0x4] =	wrdreg $0x9  }
0xb1: {  	_ =	task.clear_ibuf [dreg:s7], $0x5FFFF;
	_ =	strace $0x90000046  }
0xb2: {  	s29 =	simm.s32 $0x9;
	_ =	strace $0x80000048  }
0xb3: {  	_ =	swait.ge [sflag:s29], $0x1  }
0xb4: {  	[sflag:s29] =	ssyncadd.s32 $0xFFFFFFFF  }
0xb5: {  	_ =	strace $0x90000048  }
0xb6: {  	_ =	sfence  }
0xb7: {  	s30 =	sld [smem:$0x0];
	_ =	sdelay $0x2  }
0xb8: {  	s31 =	sshll.u32 s1, $0xD;
	s1 =	sshrl.u32 s1, $0x2  }
0xb9: {  	s3 =	sand.u32 $0x4000, s31;
	s1 =	sadd.s32 s1, s30  }
0xba: {  	s0 =	sor.u32 s3, s0;
	s1 =	sshll.u32 s1, $0x11  }
0xbb: {  	s0 =	sor.u32 s1, s0  }
0xbc: {  	s0 =	sadd.s32 $0x8F2B, s0  }
0xbd: {  	[sflag:s0] =	ssyncadd.remote.s32 $0x1  }
0xbe: {  	_ =	sfence.sel $0xFFFF  }
0xbf: {  	[dreg:$0x0] =	wrdreg $0xFFFFFFFF;
	(pc) =	sbr.abs _section_cstart, $3  }
0xc0: {  	[dreg:$0x1] =	wrdreg $0xFFFFFFFF  }
0xc1: {  	_ =	task.clear_ibuf [dreg:s7], $0x2FFFF;
	_ =	strace $0x9FFFFFFF  }
0xc2: {  	(tm) =	ssettm $0x7FFFFFFF  }
0xc3: {  	_ =	shalt  }
tec
execute0_lowered:
.L_overlay_start_1:
0x0: {  	(tag) =	ssettag $0x1  }
0x1: {  	s1 =	rddreg [dreg:$0x0]  }
0x2: {  	s0 =	rddreg [dreg:$0x1]  }
0x3: {  	s3 =	simm.s32 $0x0;
	s10 =	stileid.u32;
	s2 =	srdreg.scid  }
0x4: {  	s11 =	simm.s32 $0x80;
	s12 =	simm.s32 $0x880;
	s13 =	simm.s32 $0x1080  }
0x5: {  	s14 =	simm.s32 $0x1880;
	s15 =	simm.s32 $0x2080;
	s16 =	simm.s32 $0x2880  }
0x6: {  	s17 =	simm.s32 $0x3080;
	s18 =	simm.s32 $0x3880;
	s19 =	simm.s32 $0x4080  }
0x7: {  	s20 =	simm.s32 $0x4880;
	s28 =	simm.s32 $0x8080;
	s29 =	simm.s32 $0x1  }
0x8: {  	s30 =	simm.s32 $0x2;
	s31 =	simm.s32 $0x3;
	[smem:$0x7FF] =	sst s3  }
0x9: {  	s5 =	sshll.u32 s10, $0x5;
	s2 =	sand.u32 $0x1, s2;
	s4 =	sadd.s32 $0x9200, s0  }
0xa: {  	s7 =	sshll.u32 s10, $0xD;
	s8 =	sshll.u32 s10, $0xC;
	_ =	strace $0x80000047  }
0xb: {  	s6 =	sadd.s32 s5, s0;
	s21 =	ssub.s32 $0x2, s2;
	s7 =	sadd.s32 s7, s0  }
0xc: {  	s0 =	sadd.s32 s8, s0;
	s5 =	sshll.u32 s10, $0x1;
	s23 =	sshll.u32 s2, $0xB  }
0xd: {  	s24 =	sshll.u32 s2, $0xC;
	s2 =	sshll.u32 s2, $0x4;
	s10 =	simm.s32 $0x4  }
0xe: {  	s9 =	sshrl.u32 s21, $0x1;
	s0 =	sadd.s32 s23, s0;
	s25 =	sadd.s32 s24, s7  }
0xf: {  	s2 =	sadd.s32 s2, s6;
	s23 =	simm.s32 $0x6080;
	s24 =	simm.s32 $0x6880  }
.Ltmp0:
0x10: {  	s22 =	ssub.s32 s21, s9;
	s0 =	sadd.s32 $0x512400, s0;
	(pc) =	sbr.rel .LBB2_1-.Ltmp0, $4  }
0x11: {  	s26 =	sadd.s32 $0x4200, s2;
	s21 =	simm.s32 $0x5080;
	[dreg:$0x4] =	wrdreg s0  }
0x12: {  	v2 =	vlaneseq.u32;
	s8 =	smax.u32 s22, $0x1;
	s0 =	sadd.s32 $0x30400, s25;
	[dreg:$0x6] =	wrdreg s26  }
0x13: {  	vm0 =	vmmov $0xffff;
	v1 =	vshrl.u32 v2, $0x3;
	s22 =	simm.s32 $0x5880;
	s25 =	simm.s32 $0x7080;
	[dreg:$0x3] =	wrdreg s8  }
0x14: {  	v0 =	vand.u32 $0x7, v2;
	v2 =	vor.u32 $0x8, v2;
	v1 =	vmul.u32 $0x8, v1;
	s26 =	simm.s32 $0x7880;
	[dreg:$0x5] =	wrdreg s0;
	s0 =	simm.s32 $0x0  }
.LBB2_5:
0x15: {  	s0 =	sadd.s32 $0x1, s0;
	s2 =	rddreg [dreg:$0x3]  }
0x16: {  	p0 =	sne.s32 s0, s2  }
.Ltmp1:
0x17: {  	_ = 	snop;
	(pc) =	sbr.rel @!p0 .LBB2_6-.Ltmp1, $1  }
0x18: {  	_ =	sdelay $0x3  }
.LBB2_1:
.Ltmp2:
0x19: {  	(pc) =	sbr.rel .LBB2_2-.Ltmp2, $4  }
0x1a: {  	_ = 	snop  }
0x1b: {  	s9 =	rddreg [dreg:$0x6]  }
0x1c: {  	s8 =	rddreg [dreg:$0x5]  }
0x1d: {  	s7 =	rddreg [dreg:$0x4];
	s6 =	simm.s32 $0x0  }
.LBB2_4:
0x1e: {  	s6 =	sadd.s32 $0x20, s6  }
0x1f: {  	p0 =	sne.s32 s6, $0x500  }
.Ltmp3:
0x20: {  	_ = 	snop;
	(pc) =	sbr.rel @!p0 .LBB2_5-.Ltmp3, $2  }
0x21: {  	_ =	sdelay $0x2  }
0x22: {  	s7 =	sadd.s32 $0x10000, s7;
	s8 =	sadd.s32 $0x20000, s8;
	s9 =	sadd.s32 $0x200, s9  }
.LBB2_2:
0x23: {  	s2 =	sadd.s32 s6, s5  }
0x24: {  	p0 =	sgt.u32 s2, $0x4E1  }
.Ltmp4:
0x25: {  	_ = 	snop;
	(pc) =	sbr.rel @p0 .LBB2_4-.Ltmp4, $1  }
0x26: {  	_ =	sdelay $0x3  }
0x27: {  	[tilespmem:s3], [sflag:$0x4] =	stream.linear.gather [hbm4b:s9+s3], $0x80, $0x38;
	[tilespmem:$0xC080] =	vst v63  }
0x28: {  	_ =	swait.ge [sflag:s10], $0x80  }
0x29: {  	[sflag:s10] =	ssyncset.done $0x0  }
0x2a: {  	[sflag:s10] =	ssyncadd.s32 $0xFFFFFF80  }
0x2b: {  	v3 =	vld [tilespmem:$0x0];
	_ =	sdelay $0x4  }
0x2c: {  	v4 =	vshll.u32 v3, $0x1  }
0x2d: {  	v3 =	vand.u32 $0x7, v3;
	v4 =	vand.u32 $0xFFFFFFF0, v4  }
0x2e: {  	v3 =	vor.u32 v3, v4  }
0x2f: {  	v4 =	vperm.xlane v3, v0;
	_ =	sdelay $0x1  }
0x30: {  	v3 =	vperm.xlane v3, v2;
	v4 =	vadd.s32 v1, v4;
	_ =	sdelay $0x1  }
0x31: {  	v3 =	vadd.s32 v1, v3;
	_ =	sdelay $0x2  }
0x32: {  	[tilespmem:s11], [sflag:$0x1] =	stream.indirect_vreg.gather [hbm4b:s1+s3], $0x80, v4, vm0, $0xb8;
	[tilespmem:$0xC080] =	vst v63  }
0x33: {  	_ = 	snop  }
0x34: {  	[tilespmem:s12], [sflag:$0x1] =	stream.indirect_vreg.gather [hbm4b:s1+s3], $0x80, v3, vm0, $0xb8;
	[tilespmem:$0xC080] =	vst v63  }
0x35: {  	v3 =	vld [tilespmem:$0x10];
	_ =	sdelay $0x4  }
0x36: {  	v57 =	vshll.u32 v3, $0x1  }
0x37: {  	v3 =	vand.u32 $0x7, v3;
	v4 =	vand.u32 $0xFFFFFFF0, v57  }
0x38: {  	v3 =	vor.u32 v3, v4  }
0x39: {  	v4 =	vperm.xlane v3, v0;
	_ =	sdelay $0x1  }
0x3a: {  	v3 =	vperm.xlane v3, v2;
	v4 =	vadd.s32 v1, v4;
	_ =	sdelay $0x1  }
0x3b: {  	v3 =	vadd.s32 v1, v3;
	_ =	sdelay $0x2  }
0x3c: {  	[tilespmem:s13], [sflag:$0x1] =	stream.indirect_vreg.gather [hbm4b:s1+s3], $0x80, v4, vm0, $0xb8;
	[tilespmem:$0xC080] =	vst v63  }
0x3d: {  	_ = 	snop  }
0x3e: {  	[tilespmem:s14], [sflag:$0x1] =	stream.indirect_vreg.gather [hbm4b:s1+s3], $0x80, v3, vm0, $0xb8;
	[tilespmem:$0xC080] =	vst v63  }
0x3f: {  	v3 =	vld [tilespmem:$0x20];
	_ =	sdelay $0x4  }
0x40: {  	v58 =	vshll.u32 v3, $0x1  }
0x41: {  	v3 =	vand.u32 $0x7, v3;
	v4 =	vand.u32 $0xFFFFFFF0, v58  }
0x42: {  	v3 =	vor.u32 v3, v4  }
0x43: {  	v4 =	vperm.xlane v3, v0;
	_ =	sdelay $0x1  }
0x44: {  	v3 =	vperm.xlane v3, v2;
	v4 =	vadd.s32 v1, v4;
	_ =	sdelay $0x1  }
0x45: {  	v3 =	vadd.s32 v1, v3;
	_ =	sdelay $0x2  }
0x46: {  	[tilespmem:s15], [sflag:$0x1] =	stream.indirect_vreg.gather [hbm4b:s1+s3], $0x80, v4, vm0, $0xb8;
	[tilespmem:$0xC080] =	vst v63  }
0x47: {  	_ = 	snop  }
0x48: {  	[tilespmem:s16], [sflag:$0x1] =	stream.indirect_vreg.gather [hbm4b:s1+s3], $0x80, v3, vm0, $0xb8;
	[tilespmem:$0xC080] =	vst v63  }
0x49: {  	v3 =	vld [tilespmem:$0x30];
	_ =	sdelay $0x4  }
0x4a: {  	v59 =	vshll.u32 v3, $0x1  }
0x4b: {  	v3 =	vand.u32 $0x7, v3;
	v4 =	vand.u32 $0xFFFFFFF0, v59  }
0x4c: {  	v3 =	vor.u32 v3, v4  }
0x4d: {  	v4 =	vperm.xlane v3, v0;
	_ =	sdelay $0x1  }
0x4e: {  	v3 =	vperm.xlane v3, v2;
	v4 =	vadd.s32 v1, v4;
	_ =	sdelay $0x1  }
0x4f: {  	v3 =	vadd.s32 v1, v3;
	_ =	sdelay $0x2  }
0x50: {  	[tilespmem:s17], [sflag:$0x1] =	stream.indirect_vreg.gather [hbm4b:s1+s3], $0x80, v4, vm0, $0xb8;
	[tilespmem:$0xC080] =	vst v63  }
0x51: {  	_ = 	snop  }
0x52: {  	[tilespmem:s18], [sflag:$0x1] =	stream.indirect_vreg.gather [hbm4b:s1+s3], $0x80, v3, vm0, $0xb8;
	[tilespmem:$0xC080] =	vst v63  }
0x53: {  	v3 =	vld [tilespmem:$0x40];
	_ =	sdelay $0x4  }
0x54: {  	v60 =	vshll.u32 v3, $0x1  }
0x55: {  	v3 =	vand.u32 $0x7, v3;
	v4 =	vand.u32 $0xFFFFFFF0, v60  }
0x56: {  	v3 =	vor.u32 v3, v4  }
0x57: {  	v4 =	vperm.xlane v3, v0;
	_ =	sdelay $0x1  }
0x58: {  	v3 =	vperm.xlane v3, v2;
	v4 =	vadd.s32 v1, v4;
	_ =	sdelay $0x1  }
0x59: {  	v3 =	vadd.s32 v1, v3;
	_ =	sdelay $0x2  }
0x5a: {  	[tilespmem:s19], [sflag:$0x1] =	stream.indirect_vreg.gather [hbm4b:s1+s3], $0x80, v4, vm0, $0xb8;
	[tilespmem:$0xC080] =	vst v63  }
0x5b: {  	_ = 	snop  }
0x5c: {  	[tilespmem:s20], [sflag:$0x1] =	stream.indirect_vreg.gather [hbm4b:s1+s3], $0x80, v3, vm0, $0xb8;
	[tilespmem:$0xC080] =	vst v63  }
0x5d: {  	v3 =	vld [tilespmem:$0x50];
	_ =	sdelay $0x4  }
0x5e: {  	v61 =	vshll.u32 v3, $0x1  }
0x5f: {  	v3 =	vand.u32 $0x7, v3;
	v4 =	vand.u32 $0xFFFFFFF0, v61  }
0x60: {  	v3 =	vor.u32 v3, v4  }
0x61: {  	v4 =	vperm.xlane v3, v0;
	_ =	sdelay $0x1  }
0x62: {  	v3 =	vperm.xlane v3, v2;
	v4 =	vadd.s32 v1, v4;
	_ =	sdelay $0x1  }
0x63: {  	v3 =	vadd.s32 v1, v3;
	_ =	sdelay $0x2  }
0x64: {  	[tilespmem:s21], [sflag:$0x1] =	stream.indirect_vreg.gather [hbm4b:s1+s3], $0x80, v4, vm0, $0xb8;
	[tilespmem:$0xC080] =	vst v63  }
0x65: {  	_ = 	snop  }
0x66: {  	[tilespmem:s22], [sflag:$0x1] =	stream.indirect_vreg.gather [hbm4b:s1+s3], $0x80, v3, vm0, $0xb8;
	[tilespmem:$0xC080] =	vst v63  }
0x67: {  	v3 =	vld [tilespmem:$0x60];
	_ =	sdelay $0x4  }
0x68: {  	v62 =	vshll.u32 v3, $0x1  }
0x69: {  	v3 =	vand.u32 $0x7, v3;
	v4 =	vand.u32 $0xFFFFFFF0, v62  }
0x6a: {  	v3 =	vor.u32 v3, v4  }
0x6b: {  	v4 =	vperm.xlane v3, v0;
	_ =	sdelay $0x1  }
0x6c: {  	v3 =	vperm.xlane v3, v2;
	v4 =	vadd.s32 v1, v4;
	_ =	sdelay $0x1  }
0x6d: {  	v3 =	vadd.s32 v1, v3;
	_ =	sdelay $0x2  }
0x6e: {  	[tilespmem:s23], [sflag:$0x1] =	stream.indirect_vreg.gather [hbm4b:s1+s3], $0x80, v4, vm0, $0xb8;
	[tilespmem:$0xC080] =	vst v63  }
0x6f: {  	_ = 	snop  }
0x70: {  	[tilespmem:s24], [sflag:$0x1] =	stream.indirect_vreg.gather [hbm4b:s1+s3], $0x80, v3, vm0, $0xb8;
	[tilespmem:$0xC080] =	vst v63  }
0x71: {  	v3 =	vld [tilespmem:$0x70];
	_ =	sdelay $0x4  }
0x72: {  	v63 =	vshll.u32 v3, $0x1  }
0x73: {  	v3 =	vand.u32 $0x7, v3;
	v4 =	vand.u32 $0xFFFFFFF0, v63  }
0x74: {  	v3 =	vor.u32 v3, v4  }
0x75: {  	v4 =	vperm.xlane v3, v0;
	_ =	sdelay $0x1  }
0x76: {  	v3 =	vperm.xlane v3, v2;
	v4 =	vadd.s32 v1, v4;
	_ =	sdelay $0x1  }
0x77: {  	v3 =	vadd.s32 v1, v3;
	_ =	sdelay $0x2  }
0x78: {  	[tilespmem:s25], [sflag:$0x1] =	stream.indirect_vreg.gather [hbm4b:s1+s3], $0x80, v4, vm0, $0xb8;
	[tilespmem:$0xC080] =	vst v63  }
0x79: {  	_ = 	snop  }
0x7a: {  	[tilespmem:s26], [sflag:$0x1] =	stream.indirect_vreg.gather [hbm4b:s1+s3], $0x80, v3, vm0, $0xb8;
	[tilespmem:$0xC080] =	vst v63  }
0x7b: {  	_ = 	snop  }
0x7c: {  	[tilespmem:s28], [sflag:$0x2] =	stream.indirect.gather [hbm4b:s4+s11], $0x80, s3, s11, $0xb8;
	[tilespmem:$0xC080] =	vst v63  }
0x7d: {  	_ =	swait.ge [sflag:s29], $0x8000  }
0x7e: {  	[sflag:s29] =	ssyncset.done $0x0  }
0x7f: {  	[sflag:s29] =	ssyncadd.s32 $0xFFFF8000  }
0x80: {  	_ =	swait.ge [sflag:s30], $0x4000  }
0x81: {  	[sflag:s30] =	ssyncset.done $0x0  }
0x82: {  	[sflag:s30] =	ssyncadd.s32 $0xFFFFC000  }
0x83: {  	[hbm4b:s8+s3] =	stream.linear.scatter [tilespmem:s11], [sflag:$0x4], $0x8000, $0x38;
	[tilespmem:$0xC080] =	vst v63  }
0x84: {  	_ =	swait.ge [sflag:s10], $0x8000  }
0x85: {  	[sflag:s10] =	ssyncset.done $0x0  }
.Ltmp5:
0x86: {  	[sflag:s10] =	ssyncadd.s32 $0xFFFF8000;
	(pc) =	sbr.rel .LBB2_4-.Ltmp5, $4  }
0x87: {  	[hbm4b:s7+s3] =	stream.linear.scatter [tilespmem:s28], [sflag:$0x3], $0x4000, $0x38;
	[tilespmem:$0xC080] =	vst v63  }
0x88: {  	_ =	swait.ge [sflag:s31], $0x4000  }
0x89: {  	[sflag:s31] =	ssyncset.done $0x0  }
0x8a: {  	[sflag:s31] =	ssyncadd.s32 $0xFFFFC000  }
.LBB2_6:
0x8b: {  	_ =	sfence.sel $0x180000  }
0x8c: {  	[bflag:$0x0] =	sbarrier.arrive $0xFFFF  }
0x8d: {  	_ =	strace $0x90000047  }
0x8e: {  	s0 =	stileid.u32;
	[bflag:$0x2] =	sbarrier.arrive $0xFFFF  }
0x8f: {  	p0 =	sne.s32 s0, $0x0;
	s0 =	rddreg [dreg:$0x2]  }
0x90: {  	s0 =	sadd.s32 @!p0 $0x100000, s0  }
0x91: {  	[sflag:s0] =	ssyncadd.tile.s32 @!p0 $0x1;
	_ =	shalt  }
.Lfunc_end2:
_tile_overlayer_lowered:
.L_overlay_start_2:
0x92: {  	(tag) =	ssettag $0x2  }
0x93: {  	s0 =	rddreg [dreg:$0x0];
	s2 =	stileid.u32  }
0x94: {  	s1 =	rddreg [dreg:$0x1];
	p0 =	sne.s32 s2, $0x0  }
0x95: {  	s3 =	rddreg [dreg:$0x2];
	[bflag:$0x3] =	sbarrier.arrive $0xFFFF;
	s2 =	simm.s32 @!p0 $0x1C03  }
0x96: {  	[timem:s3], [sflag:s2] =	dma.local @!p0 [hbm:s0], s1  }
0x97: {  	s0 =	simm.s32 @!p0 $0x3  }
0x98: {  	_ =	swait.ge @!p0 [sflag:s0], s1  }
0x99: {  	s1 =	ssub.s32 @!p0 $0x0, s1;
	[sflag:s0] =	ssyncset.done @!p0 $0x0  }
0x9a: {  	[sflag:s0] =	ssyncadd.s32 @!p0 s1  }
0x9b: {  	[bflag:$0x3] =	sbarrier.arrive $0xFFFF  }
0x9c: {  	_ =	shalt  }

</sc_bundles>
